<compile_context>
chip_gen: v7x
topology: tpu7x:2x2x1
jax: 0.10.2.dev20260603
libtpu: 0.0.44.dev20260713+nightly
codegen_flags: <defaults>
</compile_context>

<pallas_src>
import jax
import jax.numpy as jnp
from jax import lax
from jax.experimental import pallas as pl
from jax.experimental.pallas import tpu as pltpu
from jax.experimental.pallas import tpu_sc as plsc

_WINDOW = 128
_K = 8
_U = 16


def _repack_table(wt):
    n = wt.shape[1]
    grid = (n + 128 * _U - 1) // (128 * _U)

    def body(x_ref, o_ref):
        for u in range(_U):
            o_ref[pl.ds(128 * (u // 4), 128), pl.ds(32 * (u % 4), 32)] = (
                x_ref[:, pl.ds(128 * u, 128)].T)

    return pl.pallas_call(
        body,
        grid=(grid,),
        in_specs=[pl.BlockSpec((32, 128 * _U), lambda g: (0, g))],
        out_specs=pl.BlockSpec((128 * _U // 4, 128), lambda g: (g, 0)),
        out_shape=jax.ShapeDtypeStruct((grid * 128 * _U // 4, 128), wt.dtype),
    )(wt)


def _permute_indices(i):
    m = i >> 7
    r = i & 127
    g = m >> 4
    u = m & 15
    return 2048 * g + 512 * (u >> 2) + 4 * r + (u & 3)


def _gather_tiled(table, idx, t_len, b_len, dim):
    n_tw = t_len * b_len // (_K * _WINDOW)
    out_rows = t_len * dim * b_len // 128
    mesh = plsc.VectorSubcoreMesh(core_axis_name="core",
                                  subcore_axis_name="subcore")

    n_sub = 32
    tw_per = n_tw // n_sub

    @pl.kernel(out_type=jax.ShapeDtypeStruct((out_rows, 128), jnp.float32),
               mesh=mesh,
               scratch_types=[pltpu.VMEM((2 * _K * _WINDOW, dim), jnp.float32),
                              pltpu.VMEM((_K, _WINDOW), jnp.int32),
                              pltpu.SemaphoreType.DMA((2,)),
                              pltpu.SemaphoreType.DMA],
               compiler_params=pltpu.CompilerParams(use_tc_tiling_on_sc=False,
                                                    needs_layout_passes=False))
    def gather(w_hbm, i_hbm, o_hbm, y, idx0, sem, sem0):
        lane = lax.iota(jnp.int32, 16)
        wid = lax.axis_index("core") * 16 + lax.axis_index("subcore")
        tw0 = wid * tw_per
        nbuf = _K * _WINDOW

        pltpu.async_copy(i_hbm.at[pl.ds(tw0 * _K, _K)], idx0, sem0).wait()
        p0 = (tw0 & 1) * nbuf
        for j in range(_K):
            pltpu.async_copy(w_hbm.at[idx0.at[j]],
                             y.at[pl.ds(p0 + j * _WINDOW, _WINDOW)],
                             sem.at[tw0 & 1])

        def body(ids, i_vmem, z_ref, y, idx0):
            tw, c8 = ids
            base = (tw & 1) * nbuf

            @pl.when(c8 == 0)
            def _():
                nxt = nbuf - base
                for j in range(_K):
                    pltpu.async_copy(w_hbm.at[i_vmem.at[j]],
                                     y.at[pl.ds(nxt + j * _WINDOW, _WINDOW)],
                                     sem.at[(tw + 1) & 1])
                for j in range(_K):
                    pltpu.make_async_copy(
                        w_hbm.at[i_vmem.at[j]],
                        y.at[pl.ds(base + j * _WINDOW, _WINDOW)],
                        sem.at[tw & 1]).wait()

            @plsc.parallel_loop(0, 64, unroll=4)
            def _(q):
                bw = q >> 3
                r = q & 7
                col = jnp.broadcast_to(8 * c8 + r, (16,)).astype(jnp.int32)
                for s in range(8):
                    v = plsc.load_gather(
                        y, [base + 128 * bw + 16 * s + lane, col])
                    z_ref[q, pl.ds(16 * s, 16)] = v

        pltpu.emit_pipeline(
            body,
            grid=(n_tw, 4),
            in_specs=[pl.BlockSpec(
                (_K, _WINDOW),
                index_map=lambda tw, c8: (jnp.minimum(tw + 1, n_tw - 1), 0))],
            out_specs=[pl.BlockSpec(
                (64, 128),
                index_map=lambda tw, c8: ((tw // 4) * 16 + c8 * 4 + tw % 4, 0))],
            core_axis_name=("core", "subcore"),
            dimension_semantics=(pltpu.PARALLEL, pltpu.ARBITRARY),
            _explicit_indices=True,
        )(i_hbm, o_hbm, scratches=[y, idx0])

        p_last = ((tw0 + tw_per) & 1) * nbuf
        for j in range(_K):
            pltpu.make_async_copy(
                w_hbm.at[idx0.at[j]],
                y.at[pl.ds(p_last + j * _WINDOW, _WINDOW)],
                sem.at[(tw0 + tw_per) & 1]).wait()

    return gather(table, idx)


def kernel(input, weight):
    b_len, t_len = input.shape
    dim = weight.shape[1]

    w4 = _repack_table(weight.T)
    table = w4.reshape(w4.shape[0] * 4, dim)

    idx = _permute_indices(input).T.reshape(b_len * t_len // _WINDOW, _WINDOW)
    p2 = _gather_tiled(table, idx, t_len, b_len, dim)
    p5 = p2.reshape(t_len, dim // 8, b_len // 128, 8, 128)
    return p5.transpose(2, 4, 0, 1, 3).reshape(b_len, t_len, dim)

# --- scband reference (transcript-rebuilt; emitter-appended) ---
"""Pipeline reference for scband-embedding-35845797053010 (READ-ONLY COPY).

The authoritative reference and input builder live on the scoring server;
editing this copy changes nothing except your own understanding.
"""

import jax, jax.numpy as jnp
import numpy as np

NUM_EMBEDDINGS = 1000000
EMBEDDING_DIM = 32

def setup_inputs(seed: int = 0) -> dict:
    key = jax.random.key(seed)
    k_idx, k_w = jax.random.split(key)
    input = jax.random.randint(k_idx, (4096, 200), 0, NUM_EMBEDDINGS, dtype=jnp.int64 if jax.config.jax_enable_x64 else jnp.int32)
    # weight initialized with uniform distribution like nn.init.uniform_
    weight = jax.random.uniform(k_w, (NUM_EMBEDDINGS, EMBEDDING_DIM), dtype=jnp.float32)
    return {"input": input, "weight": weight}

def reference(input, weight):
    # F.embedding(input, weight) -> gather rows of weight by input indices
    return jnp.take(weight, input, axis=0)

if __name__ == "__main__":
    import jax
    _d = setup_inputs()
    print(jax.jit(kernel)(*tuple(_d.values())))

</pallas_src>

<mosaic_0001>
#map = affine_map<(d0, d1) -> (0, 0)>
module attributes {stable_mosaic.version = 14 : i64} {
  func.func @gather(%arg0: i32, %arg1: i32, %arg2: memref<1001472x32xf32, #tpu.memory_space<hbm>>, %arg3: memref<6400x128xi32, #tpu.memory_space<hbm>>, %arg4: memref<204800x128xf32, #tpu.memory_space<hbm>>, %arg5: memref<2048x32xf32, #tpu.memory_space<vmem>>, %arg6: memref<8x128xi32, #tpu.memory_space<vmem>>, %arg7: memref<2x!tpu.dma_semaphore, #tpu.memory_space<semaphore_mem>>, %arg8: memref<!tpu.dma_semaphore, #tpu.memory_space<semaphore_mem>>) attributes {dimension_semantics = [#tpu.dimension_semantics<core_parallel>, #tpu.dimension_semantics<subcore_parallel>], iteration_bounds = array<i64: 2, 16>, scalar_prefetch = 0 : i64, scratch_operands = 4 : i64, tpu.core_type = #tpu.core_type<sc_vector_subcore>, window_params = [{transform_indices = #map}, {transform_indices = #map}, {transform_indices = #map}]} {
    %iota3A = tpu.iota {dimensions = array<i32: 0>} : vector<16xi32>
    %mul3A = arith.constant 16 : i32
    %mul3A_0 = arith.muli %arg0, %mul3A : i32
    %add3A = arith.addi %mul3A_0, %arg1 : i32
    %mul3A_1 = arith.constant 25 : i32
    %mul3A_2 = arith.muli %add3A, %mul3A_1 : i32
    %mul3A_3 = arith.constant 8 : i32
    %mul3A_4 = arith.muli %mul3A_2, %mul3A_3 : i32
    %dma_start3A = arith.constant 0 : i32
    %dma_start3A_5 = tpu.memref_slice %arg3[%mul3A_4, %dma_start3A] : memref<6400x128xi32, #tpu.memory_space<hbm>> -> memref<8x128xi32, #tpu.memory_space<hbm>>
    %dma_start3A_6 = arith.constant 0 : i32
    %dma_start3A_7 = tpu.memref_slice %arg3[%mul3A_4, %dma_start3A_6] : memref<6400x128xi32, #tpu.memory_space<hbm>> -> memref<8x128xi32, #tpu.memory_space<hbm>>
    tpu.enqueue_dma source(%dma_start3A_7 : memref<8x128xi32, #tpu.memory_space<hbm>>) target(%arg6 : memref<8x128xi32, #tpu.memory_space<vmem>>) target_semaphore(%arg8 : memref<!tpu.dma_semaphore, #tpu.memory_space<semaphore_mem>>)
    %dma_wait3A = arith.constant 0 : i32
    %dma_wait3A_8 = tpu.memref_slice %arg3[%mul3A_4, %dma_wait3A] : memref<6400x128xi32, #tpu.memory_space<hbm>> -> memref<8x128xi32, #tpu.memory_space<hbm>>
    %dma_wait3A_9 = arith.constant 0 : i32
    %dma_wait3A_10 = tpu.memref_slice %arg3[%mul3A_4, %dma_wait3A_9] : memref<6400x128xi32, #tpu.memory_space<hbm>> -> memref<8x128xi32, #tpu.memory_space<hbm>>
    tpu.wait_dma2 semaphore(%arg8 : memref<!tpu.dma_semaphore, #tpu.memory_space<semaphore_mem>>) src(%dma_wait3A_10 : memref<8x128xi32, #tpu.memory_space<hbm>>) dst(%arg6 : memref<8x128xi32, #tpu.memory_space<vmem>>)
    %and3A = arith.constant 1 : i32
    %and3A_11 = arith.andi %mul3A_2, %and3A : i32
    %mul3A_12 = arith.constant 1024 : i32
    %mul3A_13 = arith.muli %and3A_11, %mul3A_12 : i32
    %add3A_14 = arith.constant 0 : i32
    %add3A_15 = arith.addi %mul3A_13, %add3A_14 : i32
    %and3A_16 = arith.constant 1 : i32
    %and3A_17 = arith.andi %mul3A_2, %and3A_16 : i32
    %dma_start3A_18 = arith.constant 0 : i32
    %dma_start3A_19 = arith.constant 0 : i32
    %dma_start3A_20 = tpu.memref_slice %arg5[%add3A_15, %dma_start3A_19] : memref<2048x32xf32, #tpu.memory_space<vmem>> -> memref<128x32xf32, #tpu.memory_space<vmem>>
    %dma_start3A_21 = arith.constant 0 : i32
    %dma_start3A_22 = tpu.memref_slice %arg6[%dma_start3A_18, %dma_start3A_21] : memref<8x128xi32, #tpu.memory_space<vmem>> -> memref<1x128xi32, #tpu.memory_space<vmem>>
    %dma_start3A_23 = tpu.memref_squeeze %dma_start3A_22 : memref<1x128xi32, #tpu.memory_space<vmem>> -> memref<128xi32, #tpu.memory_space<vmem>>
    %dma_start3A_24 = arith.constant 0 : i32
    %dma_start3A_25 = arith.constant 0 : i32
    %dma_start3A_26 = tpu.memref_slice %arg2[%dma_start3A_24, %dma_start3A_25] : memref<1001472x32xf32, #tpu.memory_space<hbm>> -> memref<1001472x32xf32, #tpu.memory_space<hbm>>
    %dma_start3A_27 = tpu.memref_slice %arg7[%and3A_17] : memref<2x!tpu.dma_semaphore, #tpu.memory_space<semaphore_mem>> -> memref<1x!tpu.dma_semaphore, #tpu.memory_space<semaphore_mem>>
    %dma_start3A_28 = tpu.memref_squeeze %dma_start3A_27 : memref<1x!tpu.dma_semaphore, #tpu.memory_space<semaphore_mem>> -> memref<!tpu.dma_semaphore, #tpu.memory_space<semaphore_mem>>
    tpu.enqueue_indirect_dma source(%dma_start3A_26 : memref<1001472x32xf32, #tpu.memory_space<hbm>>) target(%dma_start3A_20 : memref<128x32xf32, #tpu.memory_space<vmem>>) offsets(%dma_start3A_23 : memref<128xi32, #tpu.memory_space<vmem>>) semaphore(%dma_start3A_28 : memref<!tpu.dma_semaphore, #tpu.memory_space<semaphore_mem>>)
    %add3A_29 = arith.constant 128 : i32
    %add3A_30 = arith.addi %mul3A_13, %add3A_29 : i32
    %and3A_31 = arith.constant 1 : i32
    %and3A_32 = arith.andi %mul3A_2, %and3A_31 : i32
    %dma_start3A_33 = arith.constant 1 : i32
    %dma_start3A_34 = arith.constant 0 : i32
    %dma_start3A_35 = tpu.memref_slice %arg5[%add3A_30, %dma_start3A_34] : memref<2048x32xf32, #tpu.memory_space<vmem>> -> memref<128x32xf32, #tpu.memory_space<vmem>>
    %dma_start3A_36 = arith.constant 0 : i32
    %dma_start3A_37 = tpu.memref_slice %arg6[%dma_start3A_33, %dma_start3A_36] : memref<8x128xi32, #tpu.memory_space<vmem>> -> memref<1x128xi32, #tpu.memory_space<vmem>>
    %dma_start3A_38 = tpu.memref_squeeze %dma_start3A_37 : memref<1x128xi32, #tpu.memory_space<vmem>> -> memref<128xi32, #tpu.memory_space<vmem>>
    %dma_start3A_39 = arith.constant 0 : i32
    %dma_start3A_40 = arith.constant 0 : i32
    %dma_start3A_41 = tpu.memref_slice %arg2[%dma_start3A_39, %dma_start3A_40] : memref<1001472x32xf32, #tpu.memory_space<hbm>> -> memref<1001472x32xf32, #tpu.memory_space<hbm>>
    %dma_start3A_42 = tpu.memref_slice %arg7[%and3A_32] : memref<2x!tpu.dma_semaphore, #tpu.memory_space<semaphore_mem>> -> memref<1x!tpu.dma_semaphore, #tpu.memory_space<semaphore_mem>>
    %dma_start3A_43 = tpu.memref_squeeze %dma_start3A_42 : memref<1x!tpu.dma_semaphore, #tpu.memory_space<semaphore_mem>> -> memref<!tpu.dma_semaphore, #tpu.memory_space<semaphore_mem>>
    tpu.enqueue_indirect_dma source(%dma_start3A_41 : memref<1001472x32xf32, #tpu.memory_space<hbm>>) target(%dma_start3A_35 : memref<128x32xf32, #tpu.memory_space<vmem>>) offsets(%dma_start3A_38 : memref<128xi32, #tpu.memory_space<vmem>>) semaphore(%dma_start3A_43 : memref<!tpu.dma_semaphore, #tpu.memory_space<semaphore_mem>>)
    %add3A_44 = arith.constant 256 : i32
    %add3A_45 = arith.addi %mul3A_13, %add3A_44 : i32
    %and3A_46 = arith.constant 1 : i32
    %and3A_47 = arith.andi %mul3A_2, %and3A_46 : i32
    %dma_start3A_48 = arith.constant 2 : i32
    %dma_start3A_49 = arith.constant 0 : i32
    %dma_start3A_50 = tpu.memref_slice %arg5[%add3A_45, %dma_start3A_49] : memref<2048x32xf32, #tpu.memory_space<vmem>> -> memref<128x32xf32, #tpu.memory_space<vmem>>
    %dma_start3A_51 = arith.constant 0 : i32
    %dma_start3A_52 = tpu.memref_slice %arg6[%dma_start3A_48, %dma_start3A_51] : memref<8x128xi32, #tpu.memory_space<vmem>> -> memref<1x128xi32, #tpu.memory_space<vmem>>
    %dma_start3A_53 = tpu.memref_squeeze %dma_start3A_52 : memref<1x128xi32, #tpu.memory_space<vmem>> -> memref<128xi32, #tpu.memory_space<vmem>>
    %dma_start3A_54 = arith.constant 0 : i32
    %dma_start3A_55 = arith.constant 0 : i32
    %dma_start3A_56 = tpu.memref_slice %arg2[%dma_start3A_54, %dma_start3A_55] : memref<1001472x32xf32, #tpu.memory_space<hbm>> -> memref<1001472x32xf32, #tpu.memory_space<hbm>>
    %dma_start3A_57 = tpu.memref_slice %arg7[%and3A_47] : memref<2x!tpu.dma_semaphore, #tpu.memory_space<semaphore_mem>> -> memref<1x!tpu.dma_semaphore, #tpu.memory_space<semaphore_mem>>
    %dma_start3A_58 = tpu.memref_squeeze %dma_start3A_57 : memref<1x!tpu.dma_semaphore, #tpu.memory_space<semaphore_mem>> -> memref<!tpu.dma_semaphore, #tpu.memory_space<semaphore_mem>>
    tpu.enqueue_indirect_dma source(%dma_start3A_56 : memref<1001472x32xf32, #tpu.memory_space<hbm>>) target(%dma_start3A_50 : memref<128x32xf32, #tpu.memory_space<vmem>>) offsets(%dma_start3A_53 : memref<128xi32, #tpu.memory_space<vmem>>) semaphore(%dma_start3A_58 : memref<!tpu.dma_semaphore, #tpu.memory_space<semaphore_mem>>)
    %add3A_59 = arith.constant 384 : i32
    %add3A_60 = arith.addi %mul3A_13, %add3A_59 : i32
    %and3A_61 = arith.constant 1 : i32
    %and3A_62 = arith.andi %mul3A_2, %and3A_61 : i32
    %dma_start3A_63 = arith.constant 3 : i32
    %dma_start3A_64 = arith.constant 0 : i32
    %dma_start3A_65 = tpu.memref_slice %arg5[%add3A_60, %dma_start3A_64] : memref<2048x32xf32, #tpu.memory_space<vmem>> -> memref<128x32xf32, #tpu.memory_space<vmem>>
    %dma_start3A_66 = arith.constant 0 : i32
    %dma_start3A_67 = tpu.memref_slice %arg6[%dma_start3A_63, %dma_start3A_66] : memref<8x128xi32, #tpu.memory_space<vmem>> -> memref<1x128xi32, #tpu.memory_space<vmem>>
    %dma_start3A_68 = tpu.memref_squeeze %dma_start3A_67 : memref<1x128xi32, #tpu.memory_space<vmem>> -> memref<128xi32, #tpu.memory_space<vmem>>
    %dma_start3A_69 = arith.constant 0 : i32
    %dma_start3A_70 = arith.constant 0 : i32
    %dma_start3A_71 = tpu.memref_slice %arg2[%dma_start3A_69, %dma_start3A_70] : memref<1001472x32xf32, #tpu.memory_space<hbm>> -> memref<1001472x32xf32, #tpu.memory_space<hbm>>
    %dma_start3A_72 = tpu.memref_slice %arg7[%and3A_62] : memref<2x!tpu.dma_semaphore, #tpu.memory_space<semaphore_mem>> -> memref<1x!tpu.dma_semaphore, #tpu.memory_space<semaphore_mem>>
    %dma_start3A_73 = tpu.memref_squeeze %dma_start3A_72 : memref<1x!tpu.dma_semaphore, #tpu.memory_space<semaphore_mem>> -> memref<!tpu.dma_semaphore, #tpu.memory_space<semaphore_mem>>
    tpu.enqueue_indirect_dma source(%dma_start3A_71 : memref<1001472x32xf32, #tpu.memory_space<hbm>>) target(%dma_start3A_65 : memref<128x32xf32, #tpu.memory_space<vmem>>) offsets(%dma_start3A_68 : memref<128xi32, #tpu.memory_space<vmem>>) semaphore(%dma_start3A_73 : memref<!tpu.dma_semaphore, #tpu.memory_space<semaphore_mem>>)
    %add3A_74 = arith.constant 512 : i32
    %add3A_75 = arith.addi %mul3A_13, %add3A_74 : i32
    %and3A_76 = arith.constant 1 : i32
    %and3A_77 = arith.andi %mul3A_2, %and3A_76 : i32
    %dma_start3A_78 = arith.constant 4 : i32
    %dma_start3A_79 = arith.constant 0 : i32
    %dma_start3A_80 = tpu.memref_slice %arg5[%add3A_75, %dma_start3A_79] : memref<2048x32xf32, #tpu.memory_space<vmem>> -> memref<128x32xf32, #tpu.memory_space<vmem>>
    %dma_start3A_81 = arith.constant 0 : i32
    %dma_start3A_82 = tpu.memref_slice %arg6[%dma_start3A_78, %dma_start3A_81] : memref<8x128xi32, #tpu.memory_space<vmem>> -> memref<1x128xi32, #tpu.memory_space<vmem>>
    %dma_start3A_83 = tpu.memref_squeeze %dma_start3A_82 : memref<1x128xi32, #tpu.memory_space<vmem>> -> memref<128xi32, #tpu.memory_space<vmem>>
    %dma_start3A_84 = arith.constant 0 : i32
    %dma_start3A_85 = arith.constant 0 : i32
    %dma_start3A_86 = tpu.memref_slice %arg2[%dma_start3A_84, %dma_start3A_85] : memref<1001472x32xf32, #tpu.memory_space<hbm>> -> memref<1001472x32xf32, #tpu.memory_space<hbm>>
    %dma_start3A_87 = tpu.memref_slice %arg7[%and3A_77] : memref<2x!tpu.dma_semaphore, #tpu.memory_space<semaphore_mem>> -> memref<1x!tpu.dma_semaphore, #tpu.memory_space<semaphore_mem>>
    %dma_start3A_88 = tpu.memref_squeeze %dma_start3A_87 : memref<1x!tpu.dma_semaphore, #tpu.memory_space<semaphore_mem>> -> memref<!tpu.dma_semaphore, #tpu.memory_space<semaphore_mem>>
    tpu.enqueue_indirect_dma source(%dma_start3A_86 : memref<1001472x32xf32, #tpu.memory_space<hbm>>) target(%dma_start3A_80 : memref<128x32xf32, #tpu.memory_space<vmem>>) offsets(%dma_start3A_83 : memref<128xi32, #tpu.memory_space<vmem>>) semaphore(%dma_start3A_88 : memref<!tpu.dma_semaphore, #tpu.memory_space<semaphore_mem>>)
    %add3A_89 = arith.constant 640 : i32
    %add3A_90 = arith.addi %mul3A_13, %add3A_89 : i32
    %and3A_91 = arith.constant 1 : i32
    %and3A_92 = arith.andi %mul3A_2, %and3A_91 : i32
    %dma_start3A_93 = arith.constant 5 : i32
    %dma_start3A_94 = arith.constant 0 : i32
    %dma_start3A_95 = tpu.memref_slice %arg5[%add3A_90, %dma_start3A_94] : memref<2048x32xf32, #tpu.memory_space<vmem>> -> memref<128x32xf32, #tpu.memory_space<vmem>>
    %dma_start3A_96 = arith.constant 0 : i32
    %dma_start3A_97 = tpu.memref_slice %arg6[%dma_start3A_93, %dma_start3A_96] : memref<8x128xi32, #tpu.memory_space<vmem>> -> memref<1x128xi32, #tpu.memory_space<vmem>>
    %dma_start3A_98 = tpu.memref_squeeze %dma_start3A_97 : memref<1x128xi32, #tpu.memory_space<vmem>> -> memref<128xi32, #tpu.memory_space<vmem>>
    %dma_start3A_99 = arith.constant 0 : i32
    %dma_start3A_100 = arith.constant 0 : i32
    %dma_start3A_101 = tpu.memref_slice %arg2[%dma_start3A_99, %dma_start3A_100] : memref<1001472x32xf32, #tpu.memory_space<hbm>> -> memref<1001472x32xf32, #tpu.memory_space<hbm>>
    %dma_start3A_102 = tpu.memref_slice %arg7[%and3A_92] : memref<2x!tpu.dma_semaphore, #tpu.memory_space<semaphore_mem>> -> memref<1x!tpu.dma_semaphore, #tpu.memory_space<semaphore_mem>>
    %dma_start3A_103 = tpu.memref_squeeze %dma_start3A_102 : memref<1x!tpu.dma_semaphore, #tpu.memory_space<semaphore_mem>> -> memref<!tpu.dma_semaphore, #tpu.memory_space<semaphore_mem>>
    tpu.enqueue_indirect_dma source(%dma_start3A_101 : memref<1001472x32xf32, #tpu.memory_space<hbm>>) target(%dma_start3A_95 : memref<128x32xf32, #tpu.memory_space<vmem>>) offsets(%dma_start3A_98 : memref<128xi32, #tpu.memory_space<vmem>>) semaphore(%dma_start3A_103 : memref<!tpu.dma_semaphore, #tpu.memory_space<semaphore_mem>>)
    %add3A_104 = arith.constant 768 : i32
    %add3A_105 = arith.addi %mul3A_13, %add3A_104 : i32
    %and3A_106 = arith.constant 1 : i32
    %and3A_107 = arith.andi %mul3A_2, %and3A_106 : i32
    %dma_start3A_108 = arith.constant 6 : i32
    %dma_start3A_109 = arith.constant 0 : i32
    %dma_start3A_110 = tpu.memref_slice %arg5[%add3A_105, %dma_start3A_109] : memref<2048x32xf32, #tpu.memory_space<vmem>> -> memref<128x32xf32, #tpu.memory_space<vmem>>
    %dma_start3A_111 = arith.constant 0 : i32
    %dma_start3A_112 = tpu.memref_slice %arg6[%dma_start3A_108, %dma_start3A_111] : memref<8x128xi32, #tpu.memory_space<vmem>> -> memref<1x128xi32, #tpu.memory_space<vmem>>
    %dma_start3A_113 = tpu.memref_squeeze %dma_start3A_112 : memref<1x128xi32, #tpu.memory_space<vmem>> -> memref<128xi32, #tpu.memory_space<vmem>>
    %dma_start3A_114 = arith.constant 0 : i32
    %dma_start3A_115 = arith.constant 0 : i32
    %dma_start3A_116 = tpu.memref_slice %arg2[%dma_start3A_114, %dma_start3A_115] : memref<1001472x32xf32, #tpu.memory_space<hbm>> -> memref<1001472x32xf32, #tpu.memory_space<hbm>>
    %dma_start3A_117 = tpu.memref_slice %arg7[%and3A_107] : memref<2x!tpu.dma_semaphore, #tpu.memory_space<semaphore_mem>> -> memref<1x!tpu.dma_semaphore, #tpu.memory_space<semaphore_mem>>
    %dma_start3A_118 = tpu.memref_squeeze %dma_start3A_117 : memref<1x!tpu.dma_semaphore, #tpu.memory_space<semaphore_mem>> -> memref<!tpu.dma_semaphore, #tpu.memory_space<semaphore_mem>>
    tpu.enqueue_indirect_dma source(%dma_start3A_116 : memref<1001472x32xf32, #tpu.memory_space<hbm>>) target(%dma_start3A_110 : memref<128x32xf32, #tpu.memory_space<vmem>>) offsets(%dma_start3A_113 : memref<128xi32, #tpu.memory_space<vmem>>) semaphore(%dma_start3A_118 : memref<!tpu.dma_semaphore, #tpu.memory_space<semaphore_mem>>)
    %add3A_119 = arith.constant 896 : i32
    %add3A_120 = arith.addi %mul3A_13, %add3A_119 : i32
    %and3A_121 = arith.constant 1 : i32
    %and3A_122 = arith.andi %mul3A_2, %and3A_121 : i32
    %dma_start3A_123 = arith.constant 7 : i32
    %dma_start3A_124 = arith.constant 0 : i32
    %dma_start3A_125 = tpu.memref_slice %arg5[%add3A_120, %dma_start3A_124] : memref<2048x32xf32, #tpu.memory_space<vmem>> -> memref<128x32xf32, #tpu.memory_space<vmem>>
    %dma_start3A_126 = arith.constant 0 : i32
    %dma_start3A_127 = tpu.memref_slice %arg6[%dma_start3A_123, %dma_start3A_126] : memref<8x128xi32, #tpu.memory_space<vmem>> -> memref<1x128xi32, #tpu.memory_space<vmem>>
    %dma_start3A_128 = tpu.memref_squeeze %dma_start3A_127 : memref<1x128xi32, #tpu.memory_space<vmem>> -> memref<128xi32, #tpu.memory_space<vmem>>
    %dma_start3A_129 = arith.constant 0 : i32
    %dma_start3A_130 = arith.constant 0 : i32
    %dma_start3A_131 = tpu.memref_slice %arg2[%dma_start3A_129, %dma_start3A_130] : memref<1001472x32xf32, #tpu.memory_space<hbm>> -> memref<1001472x32xf32, #tpu.memory_space<hbm>>
    %dma_start3A_132 = tpu.memref_slice %arg7[%and3A_122] : memref<2x!tpu.dma_semaphore, #tpu.memory_space<semaphore_mem>> -> memref<1x!tpu.dma_semaphore, #tpu.memory_space<semaphore_mem>>
    %dma_start3A_133 = tpu.memref_squeeze %dma_start3A_132 : memref<1x!tpu.dma_semaphore, #tpu.memory_space<semaphore_mem>> -> memref<!tpu.dma_semaphore, #tpu.memory_space<semaphore_mem>>
    tpu.enqueue_indirect_dma source(%dma_start3A_131 : memref<1001472x32xf32, #tpu.memory_space<hbm>>) target(%dma_start3A_125 : memref<128x32xf32, #tpu.memory_space<vmem>>) offsets(%dma_start3A_128 : memref<128xi32, #tpu.memory_space<vmem>>) semaphore(%dma_start3A_133 : memref<!tpu.dma_semaphore, #tpu.memory_space<semaphore_mem>>)
    %mul3A_134 = arith.constant 1 : i32
    %mul3A_135 = arith.muli %arg1, %mul3A_134 : i32
    %add3A_136 = arith.constant 0 : i32
    %add3A_137 = arith.addi %add3A_136, %mul3A_135 : i32
    %mul3A_138 = arith.constant 16 : i32
    %mul3A_139 = arith.muli %arg0, %mul3A_138 : i32
    %add3A_140 = arith.addi %add3A_137, %mul3A_139 : i32
    %mul3A_141 = arith.constant 25 : i32
    %mul3A_142 = arith.muli %add3A_140, %mul3A_141 : i32
    "tpu.region"() ({
      %run_scoped3A = memref.alloca() : memref<2x8x128xi32, #tpu.memory_space<vmem>>
      %run_scoped3A_285 = tpu.sem_alloc : memref<2x!tpu.dma_semaphore, #tpu.memory_space<semaphore_mem>>
      %run_scoped3A_286 = memref.alloca() : memref<2x64x128xf32, #tpu.memory_space<vmem>>
      %run_scoped3A_287 = tpu.sem_alloc : memref<2x!tpu.dma_semaphore, #tpu.memory_space<semaphore_mem>>
      %add3A_288 = arith.constant 0 : i32
      %add3A_289 = arith.addi %add3A_288, %mul3A_142 : i32
      %select_n3A = arith.constant true
      %select_n3A_290 = arith.constant 0 : i32
      %select_n3A_291 = arith.constant -1 : i32
      %select_n3A_292 = arith.select %select_n3A, %select_n3A_291, %select_n3A_290 : i32
      %eq3A = arith.constant -1 : i32
      %eq3A_293 = arith.cmpi eq, %select_n3A_292, %eq3A : i32
      %select_n3A_294 = arith.constant 3 : i32
      %select_n3A_295 = arith.select %eq3A_293, %select_n3A_294, %select_n3A_292 : i32
      %select_n3A_296 = arith.constant 0 : i32
      %select_n3A_297 = arith.constant -1 : i32
      %select_n3A_298 = arith.select %eq3A_293, %select_n3A_297, %select_n3A_296 : i32
      %eq3A_299 = arith.constant -1 : i32
      %eq3A_300 = arith.cmpi eq, %select_n3A_298, %eq3A_299 : i32
      %select_n3A_301 = arith.constant 24 : i32
      %select_n3A_302 = arith.select %eq3A_300, %select_n3A_301, %select_n3A_298 : i32
      %add3A_303 = arith.addi %select_n3A_302, %mul3A_142 : i32
      %add3A_304 = arith.constant 0 : i32
      %add3A_305 = arith.addi %select_n3A_295, %add3A_304 : i32
      %select_n3A_306 = arith.constant true
      %select_n3A_307 = arith.constant 0 : i32
      %select_n3A_308 = arith.constant 1 : i32
      %select_n3A_309 = arith.select %select_n3A_306, %select_n3A_308, %select_n3A_307 : i32
      %eq3A_310 = arith.constant 4 : i32
      %eq3A_311 = arith.cmpi eq, %select_n3A_309, %eq3A_310 : i32
      %select_n3A_312 = arith.constant 0 : i32
      %select_n3A_313 = arith.select %eq3A_311, %select_n3A_312, %select_n3A_309 : i32
      %select_n3A_314 = arith.constant 0 : i32
      %select_n3A_315 = arith.constant 1 : i32
      %select_n3A_316 = arith.select %eq3A_311, %select_n3A_315, %select_n3A_314 : i32
      %eq3A_317 = arith.constant 25 : i32
      %eq3A_318 = arith.cmpi eq, %select_n3A_316, %eq3A_317 : i32
      %select_n3A_319 = arith.constant 0 : i32
      %select_n3A_320 = arith.select %eq3A_318, %select_n3A_319, %select_n3A_316 : i32
      %add3A_321 = arith.addi %select_n3A_320, %mul3A_142 : i32
      %add3A_322 = arith.constant 0 : i32
      %add3A_323 = arith.addi %select_n3A_313, %add3A_322 : i32
      %add3A_324 = arith.constant 1 : i32
      %add3A_325 = arith.addi %select_n3A_313, %add3A_324 : i32
      %select_n3A_326 = arith.constant true
      %select_n3A_327 = arith.select %select_n3A_326, %add3A_325, %select_n3A_313 : i32
      %eq3A_328 = arith.constant 4 : i32
      %eq3A_329 = arith.cmpi eq, %select_n3A_327, %eq3A_328 : i32
      %select_n3A_330 = arith.constant 0 : i32
      %select_n3A_331 = arith.select %eq3A_329, %select_n3A_330, %select_n3A_327 : i32
      %add3A_332 = arith.constant 1 : i32
      %add3A_333 = arith.addi %select_n3A_320, %add3A_332 : i32
      %select_n3A_334 = arith.select %eq3A_329, %add3A_333, %select_n3A_320 : i32
      %eq3A_335 = arith.constant 25 : i32
      %eq3A_336 = arith.cmpi eq, %select_n3A_334, %eq3A_335 : i32
      %select_n3A_337 = arith.constant 0 : i32
      %select_n3A_338 = arith.select %eq3A_336, %select_n3A_337, %select_n3A_334 : i32
      %add3A_339 = arith.addi %select_n3A_338, %mul3A_142 : i32
      %add3A_340 = arith.constant 0 : i32
      %add3A_341 = arith.addi %select_n3A_331, %add3A_340 : i32
      "tpu.trace_start"() <{level = 10 : i32, message = "ep_initialize_0"}> : () -> ()
      %rem3A = arith.constant 0 : i32
      %rem3A_342 = arith.constant 2 : i32
      %rem3A_343 = arith.remui %rem3A, %rem3A_342 : i32
      %add3A_344 = arith.constant 1 : i32
      %add3A_345 = arith.addi %add3A_289, %add3A_344 : i32
      %min3A = arith.constant 799 : i32
      %min3A_346 = arith.minsi %add3A_345, %min3A : i32
      %mul3A_347 = arith.constant 8 : i32
      %mul3A_348 = arith.muli %mul3A_347, %min3A_346 : i32
      %dma_start3A_349 = arith.constant 0 : i32
      %dma_start3A_350 = arith.constant 0 : i32
      %dma_start3A_351 = tpu.memref_slice %run_scoped3A[%rem3A_343, %dma_start3A_349, %dma_start3A_350] : memref<2x8x128xi32, #tpu.memory_space<vmem>> -> memref<1x8x128xi32, #tpu.memory_space<vmem>>
      %dma_start3A_352 = tpu.memref_squeeze %dma_start3A_351 : memref<1x8x128xi32, #tpu.memory_space<vmem>> -> memref<8x128xi32, #tpu.memory_space<vmem>>
      %dma_start3A_353 = arith.constant 0 : i32
      %dma_start3A_354 = tpu.memref_slice %arg3[%mul3A_348, %dma_start3A_353] : memref<6400x128xi32, #tpu.memory_space<hbm>> -> memref<8x128xi32, #tpu.memory_space<hbm>>
      %dma_start3A_355 = tpu.memref_slice %run_scoped3A_285[%rem3A_343] : memref<2x!tpu.dma_semaphore, #tpu.memory_space<semaphore_mem>> -> memref<1x!tpu.dma_semaphore, #tpu.memory_space<semaphore_mem>>
      %dma_start3A_356 = tpu.memref_squeeze %dma_start3A_355 : memref<1x!tpu.dma_semaphore, #tpu.memory_space<semaphore_mem>> -> memref<!tpu.dma_semaphore, #tpu.memory_space<semaphore_mem>>
      %dma_start3A_357 = arith.constant 0 : i32
      %dma_start3A_358 = arith.constant 0 : i32
      %dma_start3A_359 = tpu.memref_slice %run_scoped3A[%rem3A_343, %dma_start3A_357, %dma_start3A_358] : memref<2x8x128xi32, #tpu.memory_space<vmem>> -> memref<1x8x128xi32, #tpu.memory_space<vmem>>
      %dma_start3A_360 = tpu.memref_squeeze %dma_start3A_359 : memref<1x8x128xi32, #tpu.memory_space<vmem>> -> memref<8x128xi32, #tpu.memory_space<vmem>>
      %dma_start3A_361 = arith.constant 0 : i32
      %dma_start3A_362 = tpu.memref_slice %arg3[%mul3A_348, %dma_start3A_361] : memref<6400x128xi32, #tpu.memory_space<hbm>> -> memref<8x128xi32, #tpu.memory_space<hbm>>
      tpu.enqueue_dma source(%dma_start3A_362 : memref<8x128xi32, #tpu.memory_space<hbm>>) target(%dma_start3A_360 : memref<8x128xi32, #tpu.memory_space<vmem>>) target_semaphore(%dma_start3A_356 : memref<!tpu.dma_semaphore, #tpu.memory_space<semaphore_mem>>)
      %add3A_363 = arith.constant 0 : i32
      %add3A_364 = arith.constant 1 : i32
      %add3A_365 = arith.addi %add3A_363, %add3A_364 : i32
      %select_n3A_366 = arith.constant true
      %select_n3A_367 = arith.constant 0 : i32
      %select_n3A_368 = arith.select %select_n3A_366, %add3A_365, %select_n3A_367 : i32
      "tpu.trace_stop"() : () -> ()
      %scan3A = arith.constant 0 : i32
      %scan3A_369 = arith.constant 0 : i32
      %scan3A_370 = arith.constant 0 : i32
      %scan3A_371 = arith.constant 0 : i32
      %scan3A_372 = arith.constant 0 : i32
      %scan3A_373 = arith.constant 0 : i32
      %scan3A_374 = arith.constant 100 : i32
      %scan3A_375 = arith.addi %scan3A_373, %scan3A_374 : i32
      %scan3A_376 = arith.constant 1 : i32
      %scan3A_377:6 = scf.for %scan3A_509 = %scan3A_373 to %scan3A_375 step %scan3A_376 iter_args(%scan3A_510 = %select_n3A_368, %scan3A_511 = %scan3A, %scan3A_512 = %scan3A_369, %scan3A_513 = %scan3A_370, %scan3A_514 = %scan3A_371, %scan3A_515 = %scan3A_372) -> (i32, i32, i32, i32, i32, i32)  : i32 {
        %eq3A_516 = arith.constant 0 : i32
        %eq3A_517 = arith.cmpi eq, %scan3A_509, %eq3A_516 : i32
        %eq3A_518 = arith.constant 99 : i32
        %eq3A_519 = arith.cmpi eq, %scan3A_509, %eq3A_518 : i32
        %add3A_520 = arith.addi %scan3A_514, %mul3A_142 : i32
        %add3A_521 = arith.constant 0 : i32
        %add3A_522 = arith.addi %scan3A_515, %add3A_521 : i32
        %sub3A_523 = arith.constant 1 : i32
        %sub3A_524 = arith.subi %scan3A_515, %sub3A_523 : i32
        %select_n3A_525 = arith.constant true
        %select_n3A_526 = arith.select %select_n3A_525, %sub3A_524, %scan3A_515 : i32
        %eq3A_527 = arith.constant -1 : i32
        %eq3A_528 = arith.cmpi eq, %select_n3A_526, %eq3A_527 : i32
        %select_n3A_529 = arith.constant 3 : i32
        %select_n3A_530 = arith.select %eq3A_528, %select_n3A_529, %select_n3A_526 : i32
        %sub3A_531 = arith.constant 1 : i32
        %sub3A_532 = arith.subi %scan3A_514, %sub3A_531 : i32
        %select_n3A_533 = arith.select %eq3A_528, %sub3A_532, %scan3A_514 : i32
        %eq3A_534 = arith.constant -1 : i32
        %eq3A_535 = arith.cmpi eq, %select_n3A_533, %eq3A_534 : i32
        %select_n3A_536 = arith.constant 24 : i32
        %select_n3A_537 = arith.select %eq3A_535, %select_n3A_536, %select_n3A_533 : i32
        %add3A_538 = arith.addi %select_n3A_537, %mul3A_142 : i32
        %add3A_539 = arith.constant 0 : i32
        %add3A_540 = arith.addi %select_n3A_530, %add3A_539 : i32
        %add3A_541 = arith.constant 1 : i32
        %add3A_542 = arith.addi %scan3A_515, %add3A_541 : i32
        %select_n3A_543 = arith.constant true
        %select_n3A_544 = arith.select %select_n3A_543, %add3A_542, %scan3A_515 : i32
        %eq3A_545 = arith.constant 4 : i32
        %eq3A_546 = arith.cmpi eq, %select_n3A_544, %eq3A_545 : i32
        %select_n3A_547 = arith.constant 0 : i32
        %select_n3A_548 = arith.select %eq3A_546, %select_n3A_547, %select_n3A_544 : i32
        %add3A_549 = arith.constant 1 : i32
        %add3A_550 = arith.addi %scan3A_514, %add3A_549 : i32
        %select_n3A_551 = arith.select %eq3A_546, %add3A_550, %scan3A_514 : i32
        %eq3A_552 = arith.constant 25 : i32
        %eq3A_553 = arith.cmpi eq, %select_n3A_551, %eq3A_552 : i32
        %select_n3A_554 = arith.constant 0 : i32
        %select_n3A_555 = arith.select %eq3A_553, %select_n3A_554, %select_n3A_551 : i32
        %add3A_556 = arith.addi %select_n3A_555, %mul3A_142 : i32
        %add3A_557 = arith.constant 0 : i32
        %add3A_558 = arith.addi %select_n3A_548, %add3A_557 : i32
        %add3A_559 = arith.constant 1 : i32
        %add3A_560 = arith.addi %select_n3A_548, %add3A_559 : i32
        %select_n3A_561 = arith.constant true
        %select_n3A_562 = arith.select %select_n3A_561, %add3A_560, %select_n3A_548 : i32
        %eq3A_563 = arith.constant 4 : i32
        %eq3A_564 = arith.cmpi eq, %select_n3A_562, %eq3A_563 : i32
        %select_n3A_565 = arith.constant 0 : i32
        %select_n3A_566 = arith.select %eq3A_564, %select_n3A_565, %select_n3A_562 : i32
        %add3A_567 = arith.constant 1 : i32
        %add3A_568 = arith.addi %select_n3A_555, %add3A_567 : i32
        %select_n3A_569 = arith.select %eq3A_564, %add3A_568, %select_n3A_555 : i32
        %eq3A_570 = arith.constant 25 : i32
        %eq3A_571 = arith.cmpi eq, %select_n3A_569, %eq3A_570 : i32
        %select_n3A_572 = arith.constant 0 : i32
        %select_n3A_573 = arith.select %eq3A_571, %select_n3A_572, %select_n3A_569 : i32
        %add3A_574 = arith.addi %select_n3A_573, %mul3A_142 : i32
        %add3A_575 = arith.constant 0 : i32
        %add3A_576 = arith.addi %select_n3A_566, %add3A_575 : i32
        %add3A_577 = arith.constant 1 : i32
        %add3A_578 = arith.addi %add3A_520, %add3A_577 : i32
        %min3A_579 = arith.constant 799 : i32
        %min3A_580 = arith.minsi %add3A_578, %min3A_579 : i32
        %add3A_581 = arith.constant 1 : i32
        %add3A_582 = arith.addi %add3A_556, %add3A_581 : i32
        %min3A_583 = arith.constant 799 : i32
        %min3A_584 = arith.minsi %add3A_582, %min3A_583 : i32
        %ne3A_585 = arith.cmpi ne, %min3A_580, %min3A_584 : i32
        %or3A = arith.constant false
        %or3A_586 = arith.ori %or3A, %ne3A_585 : i1
        %or3A_587 = arith.constant false
        %or3A_588 = arith.ori %or3A_586, %or3A_587 : i1
        %ge3A = arith.constant 99 : i32
        %ge3A_589 = arith.cmpi sge, %scan3A_509, %ge3A : i32
        %not3A = arith.constant true
        %not3A_590 = arith.xori %ge3A_589, %not3A : i1
        %and3A_591 = arith.andi %or3A_588, %not3A_590 : i1
        %convert_element_type3A = arith.extui %and3A_591 : i1 to i32
        %cond3A = arith.constant 0 : i32
        %cond3A_592 = arith.cmpi ne, %convert_element_type3A, %cond3A : i32
        scf.if %cond3A_592 {
          "tpu.trace_start"() <{level = 10 : i32, message = "ep_copy_in"}> : () -> ()
          %rem3A_1119 = arith.constant 2 : i32
          %rem3A_1120 = arith.remui %scan3A_510, %rem3A_1119 : i32
          %add3A_1121 = arith.constant 1 : i32
          %add3A_1122 = arith.addi %add3A_556, %add3A_1121 : i32
          %min3A_1123 = arith.constant 799 : i32
          %min3A_1124 = arith.minsi %add3A_1122, %min3A_1123 : i32
          %mul3A_1125 = arith.constant 8 : i32
          %mul3A_1126 = arith.muli %mul3A_1125, %min3A_1124 : i32
          %dma_start3A_1127 = arith.constant 0 : i32
          %dma_start3A_1128 = arith.constant 0 : i32
          %dma_start3A_1129 = tpu.memref_slice %run_scoped3A[%rem3A_1120, %dma_start3A_1127, %dma_start3A_1128] : memref<2x8x128xi32, #tpu.memory_space<vmem>> -> memref<1x8x128xi32, #tpu.memory_space<vmem>>
          %dma_start3A_1130 = tpu.memref_squeeze %dma_start3A_1129 : memref<1x8x128xi32, #tpu.memory_space<vmem>> -> memref<8x128xi32, #tpu.memory_space<vmem>>
          %dma_start3A_1131 = arith.constant 0 : i32
          %dma_start3A_1132 = tpu.memref_slice %arg3[%mul3A_1126, %dma_start3A_1131] : memref<6400x128xi32, #tpu.memory_space<hbm>> -> memref<8x128xi32, #tpu.memory_space<hbm>>
          %dma_start3A_1133 = tpu.memref_slice %run_scoped3A_285[%rem3A_1120] : memref<2x!tpu.dma_semaphore, #tpu.memory_space<semaphore_mem>> -> memref<1x!tpu.dma_semaphore, #tpu.memory_space<semaphore_mem>>
          %dma_start3A_1134 = tpu.memref_squeeze %dma_start3A_1133 : memref<1x!tpu.dma_semaphore, #tpu.memory_space<semaphore_mem>> -> memref<!tpu.dma_semaphore, #tpu.memory_space<semaphore_mem>>
          %dma_start3A_1135 = arith.constant 0 : i32
          %dma_start3A_1136 = arith.constant 0 : i32
          %dma_start3A_1137 = tpu.memref_slice %run_scoped3A[%rem3A_1120, %dma_start3A_1135, %dma_start3A_1136] : memref<2x8x128xi32, #tpu.memory_space<vmem>> -> memref<1x8x128xi32, #tpu.memory_space<vmem>>
          %dma_start3A_1138 = tpu.memref_squeeze %dma_start3A_1137 : memref<1x8x128xi32, #tpu.memory_space<vmem>> -> memref<8x128xi32, #tpu.memory_space<vmem>>
          %dma_start3A_1139 = arith.constant 0 : i32
          %dma_start3A_1140 = tpu.memref_slice %arg3[%mul3A_1126, %dma_start3A_1139] : memref<6400x128xi32, #tpu.memory_space<hbm>> -> memref<8x128xi32, #tpu.memory_space<hbm>>
          tpu.enqueue_dma source(%dma_start3A_1140 : memref<8x128xi32, #tpu.memory_space<hbm>>) target(%dma_start3A_1138 : memref<8x128xi32, #tpu.memory_space<vmem>>) target_semaphore(%dma_start3A_1134 : memref<!tpu.dma_semaphore, #tpu.memory_space<semaphore_mem>>)
          "tpu.trace_stop"() : () -> ()
        } else {
        }
        %and3A_593 = arith.constant true
        %and3A_594 = arith.andi %and3A_591, %and3A_593 : i1
        %add3A_595 = arith.constant 1 : i32
        %add3A_596 = arith.addi %scan3A_510, %add3A_595 : i32
        %select_n3A_597 = arith.select %and3A_594, %add3A_596, %scan3A_510 : i32
        %jit3A_598 = arith.constant 4 : i32
        %div3A_599 = arith.divsi %add3A_520, %jit3A_598 : i32
        %sign3A_600 = arith.constant 0 : i32
        %sign3A_601 = arith.cmpi sgt, %add3A_520, %sign3A_600 : i32
        %sign3A_602 = arith.extui %sign3A_601 : i1 to i32
        %sign3A_603 = arith.constant 0 : i32
        %sign3A_604 = arith.cmpi slt, %add3A_520, %sign3A_603 : i32
        %sign3A_605 = arith.extui %sign3A_604 : i1 to i32
        %sign3A_606 = arith.subi %sign3A_602, %sign3A_605 : i32
        %sign3A_607 = arith.constant 0 : i32
        %sign3A_608 = arith.cmpi sgt, %jit3A_598, %sign3A_607 : i32
        %sign3A_609 = arith.extui %sign3A_608 : i1 to i32
        %sign3A_610 = arith.constant 0 : i32
        %sign3A_611 = arith.cmpi slt, %jit3A_598, %sign3A_610 : i32
        %sign3A_612 = arith.extui %sign3A_611 : i1 to i32
        %sign3A_613 = arith.subi %sign3A_609, %sign3A_612 : i32
        %ne3A_614 = arith.cmpi ne, %sign3A_606, %sign3A_613 : i32
        %rem3A_615 = arith.remsi %add3A_520, %jit3A_598 : i32
        %ne3A_616 = arith.constant 0 : i32
        %ne3A_617 = arith.cmpi ne, %rem3A_615, %ne3A_616 : i32
        %and3A_618 = arith.andi %ne3A_614, %ne3A_617 : i1
        %sub3A_619 = arith.constant 1 : i32
        %sub3A_620 = arith.subi %div3A_599, %sub3A_619 : i32
        %select_n3A_621 = arith.select %and3A_618, %sub3A_620, %div3A_599 : i32
        %mul3A_622 = arith.constant 16 : i32
        %mul3A_623 = arith.muli %select_n3A_621, %mul3A_622 : i32
        %mul3A_624 = arith.constant 4 : i32
        %mul3A_625 = arith.muli %add3A_522, %mul3A_624 : i32
        %add3A_626 = arith.addi %mul3A_623, %mul3A_625 : i32
        %jit3A_627 = arith.constant 4 : i32
        %eq3A_628 = arith.constant 0 : i32
        %eq3A_629 = arith.cmpi eq, %jit3A_627, %eq3A_628 : i32
        %jit3A_630 = arith.constant 1 : i32
        %select_n3A_631 = arith.select %eq3A_629, %jit3A_630, %jit3A_627 : i32
        %rem3A_632 = arith.remsi %add3A_520, %select_n3A_631 : i32
        %ne3A_633 = arith.constant 0 : i32
        %ne3A_634 = arith.cmpi ne, %rem3A_632, %ne3A_633 : i32
        %lt3A_635 = arith.constant 0 : i32
        %lt3A_636 = arith.cmpi slt, %rem3A_632, %lt3A_635 : i32
        %lt3A_637 = arith.constant 0 : i32
        %lt3A_638 = arith.cmpi slt, %select_n3A_631, %lt3A_637 : i32
        %ne3A_639 = arith.xori %lt3A_636, %lt3A_638 : i1
        %and3A_640 = arith.andi %ne3A_639, %ne3A_634 : i1
        %add3A_641 = arith.addi %rem3A_632, %select_n3A_631 : i32
        %select_n3A_642 = arith.select %and3A_640, %add3A_641, %rem3A_632 : i32
        %add3A_643 = arith.addi %add3A_626, %select_n3A_642 : i32
        %jit3A_644 = arith.constant 4 : i32
        %div3A_645 = arith.divsi %add3A_556, %jit3A_644 : i32
        %sign3A_646 = arith.constant 0 : i32
        %sign3A_647 = arith.cmpi sgt, %add3A_556, %sign3A_646 : i32
        %sign3A_648 = arith.extui %sign3A_647 : i1 to i32
        %sign3A_649 = arith.constant 0 : i32
        %sign3A_650 = arith.cmpi slt, %add3A_556, %sign3A_649 : i32
        %sign3A_651 = arith.extui %sign3A_650 : i1 to i32
        %sign3A_652 = arith.subi %sign3A_648, %sign3A_651 : i32
        %sign3A_653 = arith.constant 0 : i32
        %sign3A_654 = arith.cmpi sgt, %jit3A_644, %sign3A_653 : i32
        %sign3A_655 = arith.extui %sign3A_654 : i1 to i32
        %sign3A_656 = arith.constant 0 : i32
        %sign3A_657 = arith.cmpi slt, %jit3A_644, %sign3A_656 : i32
        %sign3A_658 = arith.extui %sign3A_657 : i1 to i32
        %sign3A_659 = arith.subi %sign3A_655, %sign3A_658 : i32
        %ne3A_660 = arith.cmpi ne, %sign3A_652, %sign3A_659 : i32
        %rem3A_661 = arith.remsi %add3A_556, %jit3A_644 : i32
        %ne3A_662 = arith.constant 0 : i32
        %ne3A_663 = arith.cmpi ne, %rem3A_661, %ne3A_662 : i32
        %and3A_664 = arith.andi %ne3A_660, %ne3A_663 : i1
        %sub3A_665 = arith.constant 1 : i32
        %sub3A_666 = arith.subi %div3A_645, %sub3A_665 : i32
        %select_n3A_667 = arith.select %and3A_664, %sub3A_666, %div3A_645 : i32
        %mul3A_668 = arith.constant 16 : i32
        %mul3A_669 = arith.muli %select_n3A_667, %mul3A_668 : i32
        %mul3A_670 = arith.constant 4 : i32
        %mul3A_671 = arith.muli %add3A_558, %mul3A_670 : i32
        %add3A_672 = arith.addi %mul3A_669, %mul3A_671 : i32
        %jit3A_673 = arith.constant 4 : i32
        %eq3A_674 = arith.constant 0 : i32
        %eq3A_675 = arith.cmpi eq, %jit3A_673, %eq3A_674 : i32
        %jit3A_676 = arith.constant 1 : i32
        %select_n3A_677 = arith.select %eq3A_675, %jit3A_676, %jit3A_673 : i32
        %rem3A_678 = arith.remsi %add3A_556, %select_n3A_677 : i32
        %ne3A_679 = arith.constant 0 : i32
        %ne3A_680 = arith.cmpi ne, %rem3A_678, %ne3A_679 : i32
        %lt3A_681 = arith.constant 0 : i32
        %lt3A_682 = arith.cmpi slt, %rem3A_678, %lt3A_681 : i32
        %lt3A_683 = arith.constant 0 : i32
        %lt3A_684 = arith.cmpi slt, %select_n3A_677, %lt3A_683 : i32
        %ne3A_685 = arith.xori %lt3A_682, %lt3A_684 : i1
        %and3A_686 = arith.andi %ne3A_685, %ne3A_680 : i1
        %add3A_687 = arith.addi %rem3A_678, %select_n3A_677 : i32
        %select_n3A_688 = arith.select %and3A_686, %add3A_687, %rem3A_678 : i32
        %add3A_689 = arith.addi %add3A_672, %select_n3A_688 : i32
        %ne3A_690 = arith.cmpi ne, %add3A_643, %add3A_689 : i32
        %or3A_691 = arith.constant false
        %or3A_692 = arith.ori %or3A_691, %ne3A_690 : i1
        %or3A_693 = arith.constant false
        %or3A_694 = arith.ori %or3A_692, %or3A_693 : i1
        %ge3A_695 = arith.constant 99 : i32
        %ge3A_696 = arith.cmpi sge, %scan3A_509, %ge3A_695 : i32
        %not3A_697 = arith.constant true
        %not3A_698 = arith.xori %ge3A_696, %not3A_697 : i1
        %and3A_699 = arith.andi %or3A_694, %not3A_698 : i1
        %add3A_700 = arith.constant 1 : i32
        %add3A_701 = arith.addi %add3A_520, %add3A_700 : i32
        %min3A_702 = arith.constant 799 : i32
        %min3A_703 = arith.minsi %add3A_701, %min3A_702 : i32
        %add3A_704 = arith.constant 1 : i32
        %add3A_705 = arith.addi %add3A_538, %add3A_704 : i32
        %min3A_706 = arith.constant 799 : i32
        %min3A_707 = arith.minsi %add3A_705, %min3A_706 : i32
        %ne3A_708 = arith.cmpi ne, %min3A_703, %min3A_707 : i32
        %or3A_709 = arith.constant false
        %or3A_710 = arith.ori %or3A_709, %ne3A_708 : i1
        %or3A_711 = arith.constant false
        %or3A_712 = arith.ori %or3A_710, %or3A_711 : i1
        %or3A_713 = arith.ori %or3A_712, %eq3A_517 : i1
        %convert_element_type3A_714 = arith.extui %or3A_713 : i1 to i32
        %cond3A_715 = arith.constant 0 : i32
        %cond3A_716 = arith.cmpi ne, %convert_element_type3A_714, %cond3A_715 : i32
        scf.if %cond3A_716 {
          "tpu.trace_start"() <{level = 10 : i32, message = "ep_wait_in"}> : () -> ()
          %add3A_1119 = arith.constant 1 : i32
          %add3A_1120 = arith.addi %add3A_520, %add3A_1119 : i32
          %min3A_1121 = arith.constant 799 : i32
          %min3A_1122 = arith.minsi %add3A_1120, %min3A_1121 : i32
          %mul3A_1123 = arith.constant 8 : i32
          %mul3A_1124 = arith.muli %mul3A_1123, %min3A_1122 : i32
          %rem3A_1125 = arith.constant 2 : i32
          %rem3A_1126 = arith.remui %scan3A_511, %rem3A_1125 : i32
          %dma_wait3A_1127 = arith.constant 0 : i32
          %dma_wait3A_1128 = arith.constant 0 : i32
          %dma_wait3A_1129 = tpu.memref_slice %run_scoped3A[%rem3A_1126, %dma_wait3A_1127, %dma_wait3A_1128] : memref<2x8x128xi32, #tpu.memory_space<vmem>> -> memref<1x8x128xi32, #tpu.memory_space<vmem>>
          %dma_wait3A_1130 = tpu.memref_squeeze %dma_wait3A_1129 : memref<1x8x128xi32, #tpu.memory_space<vmem>> -> memref<8x128xi32, #tpu.memory_space<vmem>>
          %dma_wait3A_1131 = arith.constant 0 : i32
          %dma_wait3A_1132 = tpu.memref_slice %arg3[%mul3A_1124, %dma_wait3A_1131] : memref<6400x128xi32, #tpu.memory_space<hbm>> -> memref<8x128xi32, #tpu.memory_space<hbm>>
          %dma_wait3A_1133 = tpu.memref_slice %run_scoped3A_285[%rem3A_1126] : memref<2x!tpu.dma_semaphore, #tpu.memory_space<semaphore_mem>> -> memref<1x!tpu.dma_semaphore, #tpu.memory_space<semaphore_mem>>
          %dma_wait3A_1134 = tpu.memref_squeeze %dma_wait3A_1133 : memref<1x!tpu.dma_semaphore, #tpu.memory_space<semaphore_mem>> -> memref<!tpu.dma_semaphore, #tpu.memory_space<semaphore_mem>>
          %dma_wait3A_1135 = arith.constant 0 : i32
          %dma_wait3A_1136 = arith.constant 0 : i32
          %dma_wait3A_1137 = tpu.memref_slice %run_scoped3A[%rem3A_1126, %dma_wait3A_1135, %dma_wait3A_1136] : memref<2x8x128xi32, #tpu.memory_space<vmem>> -> memref<1x8x128xi32, #tpu.memory_space<vmem>>
          %dma_wait3A_1138 = tpu.memref_squeeze %dma_wait3A_1137 : memref<1x8x128xi32, #tpu.memory_space<vmem>> -> memref<8x128xi32, #tpu.memory_space<vmem>>
          %dma_wait3A_1139 = arith.constant 0 : i32
          %dma_wait3A_1140 = tpu.memref_slice %arg3[%mul3A_1124, %dma_wait3A_1139] : memref<6400x128xi32, #tpu.memory_space<hbm>> -> memref<8x128xi32, #tpu.memory_space<hbm>>
          tpu.wait_dma2 semaphore(%dma_wait3A_1134 : memref<!tpu.dma_semaphore, #tpu.memory_space<semaphore_mem>>) src(%dma_wait3A_1140 : memref<8x128xi32, #tpu.memory_space<hbm>>) dst(%dma_wait3A_1138 : memref<8x128xi32, #tpu.memory_space<vmem>>)
          "tpu.trace_stop"() : () -> ()
        } else {
        }
        %jit3A_717 = arith.constant 4 : i32
        %div3A_718 = arith.divsi %add3A_520, %jit3A_717 : i32
        %sign3A_719 = arith.constant 0 : i32
        %sign3A_720 = arith.cmpi sgt, %add3A_520, %sign3A_719 : i32
        %sign3A_721 = arith.extui %sign3A_720 : i1 to i32
        %sign3A_722 = arith.constant 0 : i32
        %sign3A_723 = arith.cmpi slt, %add3A_520, %sign3A_722 : i32
        %sign3A_724 = arith.extui %sign3A_723 : i1 to i32
        %sign3A_725 = arith.subi %sign3A_721, %sign3A_724 : i32
        %sign3A_726 = arith.constant 0 : i32
        %sign3A_727 = arith.cmpi sgt, %jit3A_717, %sign3A_726 : i32
        %sign3A_728 = arith.extui %sign3A_727 : i1 to i32
        %sign3A_729 = arith.constant 0 : i32
        %sign3A_730 = arith.cmpi slt, %jit3A_717, %sign3A_729 : i32
        %sign3A_731 = arith.extui %sign3A_730 : i1 to i32
        %sign3A_732 = arith.subi %sign3A_728, %sign3A_731 : i32
        %ne3A_733 = arith.cmpi ne, %sign3A_725, %sign3A_732 : i32
        %rem3A_734 = arith.remsi %add3A_520, %jit3A_717 : i32
        %ne3A_735 = arith.constant 0 : i32
        %ne3A_736 = arith.cmpi ne, %rem3A_734, %ne3A_735 : i32
        %and3A_737 = arith.andi %ne3A_733, %ne3A_736 : i1
        %sub3A_738 = arith.constant 1 : i32
        %sub3A_739 = arith.subi %div3A_718, %sub3A_738 : i32
        %select_n3A_740 = arith.select %and3A_737, %sub3A_739, %div3A_718 : i32
        %mul3A_741 = arith.constant 16 : i32
        %mul3A_742 = arith.muli %select_n3A_740, %mul3A_741 : i32
        %mul3A_743 = arith.constant 4 : i32
        %mul3A_744 = arith.muli %add3A_522, %mul3A_743 : i32
        %add3A_745 = arith.addi %mul3A_742, %mul3A_744 : i32
        %jit3A_746 = arith.constant 4 : i32
        %eq3A_747 = arith.constant 0 : i32
        %eq3A_748 = arith.cmpi eq, %jit3A_746, %eq3A_747 : i32
        %jit3A_749 = arith.constant 1 : i32
        %select_n3A_750 = arith.select %eq3A_748, %jit3A_749, %jit3A_746 : i32
        %rem3A_751 = arith.remsi %add3A_520, %select_n3A_750 : i32
        %ne3A_752 = arith.constant 0 : i32
        %ne3A_753 = arith.cmpi ne, %rem3A_751, %ne3A_752 : i32
        %lt3A_754 = arith.constant 0 : i32
        %lt3A_755 = arith.cmpi slt, %rem3A_751, %lt3A_754 : i32
        %lt3A_756 = arith.constant 0 : i32
        %lt3A_757 = arith.cmpi slt, %select_n3A_750, %lt3A_756 : i32
        %ne3A_758 = arith.xori %lt3A_755, %lt3A_757 : i1
        %and3A_759 = arith.andi %ne3A_758, %ne3A_753 : i1
        %add3A_760 = arith.addi %rem3A_751, %select_n3A_750 : i32
        %select_n3A_761 = arith.select %and3A_759, %add3A_760, %rem3A_751 : i32
        %add3A_762 = arith.addi %add3A_745, %select_n3A_761 : i32
        %jit3A_763 = arith.constant 4 : i32
        %div3A_764 = arith.divsi %add3A_538, %jit3A_763 : i32
        %sign3A_765 = arith.constant 0 : i32
        %sign3A_766 = arith.cmpi sgt, %add3A_538, %sign3A_765 : i32
        %sign3A_767 = arith.extui %sign3A_766 : i1 to i32
        %sign3A_768 = arith.constant 0 : i32
        %sign3A_769 = arith.cmpi slt, %add3A_538, %sign3A_768 : i32
        %sign3A_770 = arith.extui %sign3A_769 : i1 to i32
        %sign3A_771 = arith.subi %sign3A_767, %sign3A_770 : i32
        %sign3A_772 = arith.constant 0 : i32
        %sign3A_773 = arith.cmpi sgt, %jit3A_763, %sign3A_772 : i32
        %sign3A_774 = arith.extui %sign3A_773 : i1 to i32
        %sign3A_775 = arith.constant 0 : i32
        %sign3A_776 = arith.cmpi slt, %jit3A_763, %sign3A_775 : i32
        %sign3A_777 = arith.extui %sign3A_776 : i1 to i32
        %sign3A_778 = arith.subi %sign3A_774, %sign3A_777 : i32
        %ne3A_779 = arith.cmpi ne, %sign3A_771, %sign3A_778 : i32
        %rem3A_780 = arith.remsi %add3A_538, %jit3A_763 : i32
        %ne3A_781 = arith.constant 0 : i32
        %ne3A_782 = arith.cmpi ne, %rem3A_780, %ne3A_781 : i32
        %and3A_783 = arith.andi %ne3A_779, %ne3A_782 : i1
        %sub3A_784 = arith.constant 1 : i32
        %sub3A_785 = arith.subi %div3A_764, %sub3A_784 : i32
        %select_n3A_786 = arith.select %and3A_783, %sub3A_785, %div3A_764 : i32
        %mul3A_787 = arith.constant 16 : i32
        %mul3A_788 = arith.muli %select_n3A_786, %mul3A_787 : i32
        %mul3A_789 = arith.constant 4 : i32
        %mul3A_790 = arith.muli %add3A_540, %mul3A_789 : i32
        %add3A_791 = arith.addi %mul3A_788, %mul3A_790 : i32
        %jit3A_792 = arith.constant 4 : i32
        %eq3A_793 = arith.constant 0 : i32
        %eq3A_794 = arith.cmpi eq, %jit3A_792, %eq3A_793 : i32
        %jit3A_795 = arith.constant 1 : i32
        %select_n3A_796 = arith.select %eq3A_794, %jit3A_795, %jit3A_792 : i32
        %rem3A_797 = arith.remsi %add3A_538, %select_n3A_796 : i32
        %ne3A_798 = arith.constant 0 : i32
        %ne3A_799 = arith.cmpi ne, %rem3A_797, %ne3A_798 : i32
        %lt3A_800 = arith.constant 0 : i32
        %lt3A_801 = arith.cmpi slt, %rem3A_797, %lt3A_800 : i32
        %lt3A_802 = arith.constant 0 : i32
        %lt3A_803 = arith.cmpi slt, %select_n3A_796, %lt3A_802 : i32
        %ne3A_804 = arith.xori %lt3A_801, %lt3A_803 : i1
        %and3A_805 = arith.andi %ne3A_804, %ne3A_799 : i1
        %add3A_806 = arith.addi %rem3A_797, %select_n3A_796 : i32
        %select_n3A_807 = arith.select %and3A_805, %add3A_806, %rem3A_797 : i32
        %add3A_808 = arith.addi %add3A_791, %select_n3A_807 : i32
        %ne3A_809 = arith.cmpi ne, %add3A_762, %add3A_808 : i32
        %or3A_810 = arith.constant false
        %or3A_811 = arith.ori %or3A_810, %ne3A_809 : i1
        %or3A_812 = arith.constant false
        %or3A_813 = arith.ori %or3A_811, %or3A_812 : i1
        %or3A_814 = arith.ori %or3A_813, %eq3A_517 : i1
        %convert_element_type3A_815 = arith.extui %or3A_814 : i1 to i32
        %cond3A_816 = arith.constant 0 : i32
        %cond3A_817 = arith.cmpi ne, %convert_element_type3A_815, %cond3A_816 : i32
        scf.if %cond3A_817 {
        } else {
        }
        %rem3A_818 = arith.constant 2 : i32
        %rem3A_819 = arith.remui %scan3A_511, %rem3A_818 : i32
        %rem3A_820 = arith.constant 2 : i32
        %rem3A_821 = arith.remui %scan3A_512, %rem3A_820 : i32
        "tpu.trace_start"() <{level = 10 : i32, message = "ep_run_kernel"}> : () -> ()
        %and3A_822 = arith.constant 1 : i32
        %and3A_823 = arith.andi %add3A_520, %and3A_822 : i32
        %mul3A_824 = arith.constant 1024 : i32
        %mul3A_825 = arith.muli %and3A_823, %mul3A_824 : i32
        %eq3A_826 = arith.constant 0 : i32
        %eq3A_827 = arith.cmpi eq, %add3A_522, %eq3A_826 : i32
        %convert_element_type3A_828 = arith.extui %eq3A_827 : i1 to i32
        %cond3A_829 = arith.constant 0 : i32
        %cond3A_830 = arith.cmpi ne, %convert_element_type3A_828, %cond3A_829 : i32
        scf.if %cond3A_830 {
          %sub3A_1119 = arith.constant 1024 : i32
          %sub3A_1120 = arith.subi %sub3A_1119, %mul3A_825 : i32
          %add3A_1121 = arith.constant 0 : i32
          %add3A_1122 = arith.addi %sub3A_1120, %add3A_1121 : i32
          %add3A_1123 = arith.constant 1 : i32
          %add3A_1124 = arith.addi %add3A_520, %add3A_1123 : i32
          %and3A_1125 = arith.constant 1 : i32
          %and3A_1126 = arith.andi %add3A_1124, %and3A_1125 : i32
          %dma_start3A_1127 = arith.constant 0 : i32
          %dma_start3A_1128 = arith.constant 0 : i32
          %dma_start3A_1129 = tpu.memref_slice %arg5[%add3A_1122, %dma_start3A_1128] : memref<2048x32xf32, #tpu.memory_space<vmem>> -> memref<128x32xf32, #tpu.memory_space<vmem>>
          %dma_start3A_1130 = arith.constant 0 : i32
          %dma_start3A_1131 = arith.constant 0 : i32
          %dma_start3A_1132 = tpu.memref_slice %run_scoped3A[%rem3A_819, %dma_start3A_1130, %dma_start3A_1131] : memref<2x8x128xi32, #tpu.memory_space<vmem>> -> memref<1x8x128xi32, #tpu.memory_space<vmem>>
          %dma_start3A_1133 = tpu.memref_squeeze %dma_start3A_1132 : memref<1x8x128xi32, #tpu.memory_space<vmem>> -> memref<8x128xi32, #tpu.memory_space<vmem>>
          %dma_start3A_1134 = arith.constant 0 : i32
          %dma_start3A_1135 = tpu.memref_slice %dma_start3A_1133[%dma_start3A_1127, %dma_start3A_1134] : memref<8x128xi32, #tpu.memory_space<vmem>> -> memref<1x128xi32, #tpu.memory_space<vmem>>
          %dma_start3A_1136 = tpu.memref_squeeze %dma_start3A_1135 : memref<1x128xi32, #tpu.memory_space<vmem>> -> memref<128xi32, #tpu.memory_space<vmem>>
          %dma_start3A_1137 = arith.constant 0 : i32
          %dma_start3A_1138 = arith.constant 0 : i32
          %dma_start3A_1139 = tpu.memref_slice %arg2[%dma_start3A_1137, %dma_start3A_1138] : memref<1001472x32xf32, #tpu.memory_space<hbm>> -> memref<1001472x32xf32, #tpu.memory_space<hbm>>
          %dma_start3A_1140 = tpu.memref_slice %arg7[%and3A_1126] : memref<2x!tpu.dma_semaphore, #tpu.memory_space<semaphore_mem>> -> memref<1x!tpu.dma_semaphore, #tpu.memory_space<semaphore_mem>>
          %dma_start3A_1141 = tpu.memref_squeeze %dma_start3A_1140 : memref<1x!tpu.dma_semaphore, #tpu.memory_space<semaphore_mem>> -> memref<!tpu.dma_semaphore, #tpu.memory_space<semaphore_mem>>
          tpu.enqueue_indirect_dma source(%dma_start3A_1139 : memref<1001472x32xf32, #tpu.memory_space<hbm>>) target(%dma_start3A_1129 : memref<128x32xf32, #tpu.memory_space<vmem>>) offsets(%dma_start3A_1136 : memref<128xi32, #tpu.memory_space<vmem>>) semaphore(%dma_start3A_1141 : memref<!tpu.dma_semaphore, #tpu.memory_space<semaphore_mem>>)
          %add3A_1142 = arith.constant 128 : i32
          %add3A_1143 = arith.addi %sub3A_1120, %add3A_1142 : i32
          %add3A_1144 = arith.constant 1 : i32
          %add3A_1145 = arith.addi %add3A_520, %add3A_1144 : i32
          %and3A_1146 = arith.constant 1 : i32
          %and3A_1147 = arith.andi %add3A_1145, %and3A_1146 : i32
          %dma_start3A_1148 = arith.constant 1 : i32
          %dma_start3A_1149 = arith.constant 0 : i32
          %dma_start3A_1150 = tpu.memref_slice %arg5[%add3A_1143, %dma_start3A_1149] : memref<2048x32xf32, #tpu.memory_space<vmem>> -> memref<128x32xf32, #tpu.memory_space<vmem>>
          %dma_start3A_1151 = arith.constant 0 : i32
          %dma_start3A_1152 = arith.constant 0 : i32
          %dma_start3A_1153 = tpu.memref_slice %run_scoped3A[%rem3A_819, %dma_start3A_1151, %dma_start3A_1152] : memref<2x8x128xi32, #tpu.memory_space<vmem>> -> memref<1x8x128xi32, #tpu.memory_space<vmem>>
          %dma_start3A_1154 = tpu.memref_squeeze %dma_start3A_1153 : memref<1x8x128xi32, #tpu.memory_space<vmem>> -> memref<8x128xi32, #tpu.memory_space<vmem>>
          %dma_start3A_1155 = arith.constant 0 : i32
          %dma_start3A_1156 = tpu.memref_slice %dma_start3A_1154[%dma_start3A_1148, %dma_start3A_1155] : memref<8x128xi32, #tpu.memory_space<vmem>> -> memref<1x128xi32, #tpu.memory_space<vmem>>
          %dma_start3A_1157 = tpu.memref_squeeze %dma_start3A_1156 : memref<1x128xi32, #tpu.memory_space<vmem>> -> memref<128xi32, #tpu.memory_space<vmem>>
          %dma_start3A_1158 = arith.constant 0 : i32
          %dma_start3A_1159 = arith.constant 0 : i32
          %dma_start3A_1160 = tpu.memref_slice %arg2[%dma_start3A_1158, %dma_start3A_1159] : memref<1001472x32xf32, #tpu.memory_space<hbm>> -> memref<1001472x32xf32, #tpu.memory_space<hbm>>
          %dma_start3A_1161 = tpu.memref_slice %arg7[%and3A_1147] : memref<2x!tpu.dma_semaphore, #tpu.memory_space<semaphore_mem>> -> memref<1x!tpu.dma_semaphore, #tpu.memory_space<semaphore_mem>>
          %dma_start3A_1162 = tpu.memref_squeeze %dma_start3A_1161 : memref<1x!tpu.dma_semaphore, #tpu.memory_space<semaphore_mem>> -> memref<!tpu.dma_semaphore, #tpu.memory_space<semaphore_mem>>
          tpu.enqueue_indirect_dma source(%dma_start3A_1160 : memref<1001472x32xf32, #tpu.memory_space<hbm>>) target(%dma_start3A_1150 : memref<128x32xf32, #tpu.memory_space<vmem>>) offsets(%dma_start3A_1157 : memref<128xi32, #tpu.memory_space<vmem>>) semaphore(%dma_start3A_1162 : memref<!tpu.dma_semaphore, #tpu.memory_space<semaphore_mem>>)
          %add3A_1163 = arith.constant 256 : i32
          %add3A_1164 = arith.addi %sub3A_1120, %add3A_1163 : i32
          %add3A_1165 = arith.constant 1 : i32
          %add3A_1166 = arith.addi %add3A_520, %add3A_1165 : i32
          %and3A_1167 = arith.constant 1 : i32
          %and3A_1168 = arith.andi %add3A_1166, %and3A_1167 : i32
          %dma_start3A_1169 = arith.constant 2 : i32
          %dma_start3A_1170 = arith.constant 0 : i32
          %dma_start3A_1171 = tpu.memref_slice %arg5[%add3A_1164, %dma_start3A_1170] : memref<2048x32xf32, #tpu.memory_space<vmem>> -> memref<128x32xf32, #tpu.memory_space<vmem>>
          %dma_start3A_1172 = arith.constant 0 : i32
          %dma_start3A_1173 = arith.constant 0 : i32
          %dma_start3A_1174 = tpu.memref_slice %run_scoped3A[%rem3A_819, %dma_start3A_1172, %dma_start3A_1173] : memref<2x8x128xi32, #tpu.memory_space<vmem>> -> memref<1x8x128xi32, #tpu.memory_space<vmem>>
          %dma_start3A_1175 = tpu.memref_squeeze %dma_start3A_1174 : memref<1x8x128xi32, #tpu.memory_space<vmem>> -> memref<8x128xi32, #tpu.memory_space<vmem>>
          %dma_start3A_1176 = arith.constant 0 : i32
          %dma_start3A_1177 = tpu.memref_slice %dma_start3A_1175[%dma_start3A_1169, %dma_start3A_1176] : memref<8x128xi32, #tpu.memory_space<vmem>> -> memref<1x128xi32, #tpu.memory_space<vmem>>
          %dma_start3A_1178 = tpu.memref_squeeze %dma_start3A_1177 : memref<1x128xi32, #tpu.memory_space<vmem>> -> memref<128xi32, #tpu.memory_space<vmem>>
          %dma_start3A_1179 = arith.constant 0 : i32
          %dma_start3A_1180 = arith.constant 0 : i32
          %dma_start3A_1181 = tpu.memref_slice %arg2[%dma_start3A_1179, %dma_start3A_1180] : memref<1001472x32xf32, #tpu.memory_space<hbm>> -> memref<1001472x32xf32, #tpu.memory_space<hbm>>
          %dma_start3A_1182 = tpu.memref_slice %arg7[%and3A_1168] : memref<2x!tpu.dma_semaphore, #tpu.memory_space<semaphore_mem>> -> memref<1x!tpu.dma_semaphore, #tpu.memory_space<semaphore_mem>>
          %dma_start3A_1183 = tpu.memref_squeeze %dma_start3A_1182 : memref<1x!tpu.dma_semaphore, #tpu.memory_space<semaphore_mem>> -> memref<!tpu.dma_semaphore, #tpu.memory_space<semaphore_mem>>
          tpu.enqueue_indirect_dma source(%dma_start3A_1181 : memref<1001472x32xf32, #tpu.memory_space<hbm>>) target(%dma_start3A_1171 : memref<128x32xf32, #tpu.memory_space<vmem>>) offsets(%dma_start3A_1178 : memref<128xi32, #tpu.memory_space<vmem>>) semaphore(%dma_start3A_1183 : memref<!tpu.dma_semaphore, #tpu.memory_space<semaphore_mem>>)
          %add3A_1184 = arith.constant 384 : i32
          %add3A_1185 = arith.addi %sub3A_1120, %add3A_1184 : i32
          %add3A_1186 = arith.constant 1 : i32
          %add3A_1187 = arith.addi %add3A_520, %add3A_1186 : i32
          %and3A_1188 = arith.constant 1 : i32
          %and3A_1189 = arith.andi %add3A_1187, %and3A_1188 : i32
          %dma_start3A_1190 = arith.constant 3 : i32
          %dma_start3A_1191 = arith.constant 0 : i32
          %dma_start3A_1192 = tpu.memref_slice %arg5[%add3A_1185, %dma_start3A_1191] : memref<2048x32xf32, #tpu.memory_space<vmem>> -> memref<128x32xf32, #tpu.memory_space<vmem>>
          %dma_start3A_1193 = arith.constant 0 : i32
          %dma_start3A_1194 = arith.constant 0 : i32
          %dma_start3A_1195 = tpu.memref_slice %run_scoped3A[%rem3A_819, %dma_start3A_1193, %dma_start3A_1194] : memref<2x8x128xi32, #tpu.memory_space<vmem>> -> memref<1x8x128xi32, #tpu.memory_space<vmem>>
          %dma_start3A_1196 = tpu.memref_squeeze %dma_start3A_1195 : memref<1x8x128xi32, #tpu.memory_space<vmem>> -> memref<8x128xi32, #tpu.memory_space<vmem>>
          %dma_start3A_1197 = arith.constant 0 : i32
          %dma_start3A_1198 = tpu.memref_slice %dma_start3A_1196[%dma_start3A_1190, %dma_start3A_1197] : memref<8x128xi32, #tpu.memory_space<vmem>> -> memref<1x128xi32, #tpu.memory_space<vmem>>
          %dma_start3A_1199 = tpu.memref_squeeze %dma_start3A_1198 : memref<1x128xi32, #tpu.memory_space<vmem>> -> memref<128xi32, #tpu.memory_space<vmem>>
          %dma_start3A_1200 = arith.constant 0 : i32
          %dma_start3A_1201 = arith.constant 0 : i32
          %dma_start3A_1202 = tpu.memref_slice %arg2[%dma_start3A_1200, %dma_start3A_1201] : memref<1001472x32xf32, #tpu.memory_space<hbm>> -> memref<1001472x32xf32, #tpu.memory_space<hbm>>
          %dma_start3A_1203 = tpu.memref_slice %arg7[%and3A_1189] : memref<2x!tpu.dma_semaphore, #tpu.memory_space<semaphore_mem>> -> memref<1x!tpu.dma_semaphore, #tpu.memory_space<semaphore_mem>>
          %dma_start3A_1204 = tpu.memref_squeeze %dma_start3A_1203 : memref<1x!tpu.dma_semaphore, #tpu.memory_space<semaphore_mem>> -> memref<!tpu.dma_semaphore, #tpu.memory_space<semaphore_mem>>
          tpu.enqueue_indirect_dma source(%dma_start3A_1202 : memref<1001472x32xf32, #tpu.memory_space<hbm>>) target(%dma_start3A_1192 : memref<128x32xf32, #tpu.memory_space<vmem>>) offsets(%dma_start3A_1199 : memref<128xi32, #tpu.memory_space<vmem>>) semaphore(%dma_start3A_1204 : memref<!tpu.dma_semaphore, #tpu.memory_space<semaphore_mem>>)
          %add3A_1205 = arith.constant 512 : i32
          %add3A_1206 = arith.addi %sub3A_1120, %add3A_1205 : i32
          %add3A_1207 = arith.constant 1 : i32
          %add3A_1208 = arith.addi %add3A_520, %add3A_1207 : i32
          %and3A_1209 = arith.constant 1 : i32
          %and3A_1210 = arith.andi %add3A_1208, %and3A_1209 : i32
          %dma_start3A_1211 = arith.constant 4 : i32
          %dma_start3A_1212 = arith.constant 0 : i32
          %dma_start3A_1213 = tpu.memref_slice %arg5[%add3A_1206, %dma_start3A_1212] : memref<2048x32xf32, #tpu.memory_space<vmem>> -> memref<128x32xf32, #tpu.memory_space<vmem>>
          %dma_start3A_1214 = arith.constant 0 : i32
          %dma_start3A_1215 = arith.constant 0 : i32
          %dma_start3A_1216 = tpu.memref_slice %run_scoped3A[%rem3A_819, %dma_start3A_1214, %dma_start3A_1215] : memref<2x8x128xi32, #tpu.memory_space<vmem>> -> memref<1x8x128xi32, #tpu.memory_space<vmem>>
          %dma_start3A_1217 = tpu.memref_squeeze %dma_start3A_1216 : memref<1x8x128xi32, #tpu.memory_space<vmem>> -> memref<8x128xi32, #tpu.memory_space<vmem>>
          %dma_start3A_1218 = arith.constant 0 : i32
          %dma_start3A_1219 = tpu.memref_slice %dma_start3A_1217[%dma_start3A_1211, %dma_start3A_1218] : memref<8x128xi32, #tpu.memory_space<vmem>> -> memref<1x128xi32, #tpu.memory_space<vmem>>
          %dma_start3A_1220 = tpu.memref_squeeze %dma_start3A_1219 : memref<1x128xi32, #tpu.memory_space<vmem>> -> memref<128xi32, #tpu.memory_space<vmem>>
          %dma_start3A_1221 = arith.constant 0 : i32
          %dma_start3A_1222 = arith.constant 0 : i32
          %dma_start3A_1223 = tpu.memref_slice %arg2[%dma_start3A_1221, %dma_start3A_1222] : memref<1001472x32xf32, #tpu.memory_space<hbm>> -> memref<1001472x32xf32, #tpu.memory_space<hbm>>
          %dma_start3A_1224 = tpu.memref_slice %arg7[%and3A_1210] : memref<2x!tpu.dma_semaphore, #tpu.memory_space<semaphore_mem>> -> memref<1x!tpu.dma_semaphore, #tpu.memory_space<semaphore_mem>>
          %dma_start3A_1225 = tpu.memref_squeeze %dma_start3A_1224 : memref<1x!tpu.dma_semaphore, #tpu.memory_space<semaphore_mem>> -> memref<!tpu.dma_semaphore, #tpu.memory_space<semaphore_mem>>
          tpu.enqueue_indirect_dma source(%dma_start3A_1223 : memref<1001472x32xf32, #tpu.memory_space<hbm>>) target(%dma_start3A_1213 : memref<128x32xf32, #tpu.memory_space<vmem>>) offsets(%dma_start3A_1220 : memref<128xi32, #tpu.memory_space<vmem>>) semaphore(%dma_start3A_1225 : memref<!tpu.dma_semaphore, #tpu.memory_space<semaphore_mem>>)
          %add3A_1226 = arith.constant 640 : i32
          %add3A_1227 = arith.addi %sub3A_1120, %add3A_1226 : i32
          %add3A_1228 = arith.constant 1 : i32
          %add3A_1229 = arith.addi %add3A_520, %add3A_1228 : i32
          %and3A_1230 = arith.constant 1 : i32
          %and3A_1231 = arith.andi %add3A_1229, %and3A_1230 : i32
          %dma_start3A_1232 = arith.constant 5 : i32
          %dma_start3A_1233 = arith.constant 0 : i32
          %dma_start3A_1234 = tpu.memref_slice %arg5[%add3A_1227, %dma_start3A_1233] : memref<2048x32xf32, #tpu.memory_space<vmem>> -> memref<128x32xf32, #tpu.memory_space<vmem>>
          %dma_start3A_1235 = arith.constant 0 : i32
          %dma_start3A_1236 = arith.constant 0 : i32
          %dma_start3A_1237 = tpu.memref_slice %run_scoped3A[%rem3A_819, %dma_start3A_1235, %dma_start3A_1236] : memref<2x8x128xi32, #tpu.memory_space<vmem>> -> memref<1x8x128xi32, #tpu.memory_space<vmem>>
          %dma_start3A_1238 = tpu.memref_squeeze %dma_start3A_1237 : memref<1x8x128xi32, #tpu.memory_space<vmem>> -> memref<8x128xi32, #tpu.memory_space<vmem>>
          %dma_start3A_1239 = arith.constant 0 : i32
          %dma_start3A_1240 = tpu.memref_slice %dma_start3A_1238[%dma_start3A_1232, %dma_start3A_1239] : memref<8x128xi32, #tpu.memory_space<vmem>> -> memref<1x128xi32, #tpu.memory_space<vmem>>
          %dma_start3A_1241 = tpu.memref_squeeze %dma_start3A_1240 : memref<1x128xi32, #tpu.memory_space<vmem>> -> memref<128xi32, #tpu.memory_space<vmem>>
          %dma_start3A_1242 = arith.constant 0 : i32
          %dma_start3A_1243 = arith.constant 0 : i32
          %dma_start3A_1244 = tpu.memref_slice %arg2[%dma_start3A_1242, %dma_start3A_1243] : memref<1001472x32xf32, #tpu.memory_space<hbm>> -> memref<1001472x32xf32, #tpu.memory_space<hbm>>
          %dma_start3A_1245 = tpu.memref_slice %arg7[%and3A_1231] : memref<2x!tpu.dma_semaphore, #tpu.memory_space<semaphore_mem>> -> memref<1x!tpu.dma_semaphore, #tpu.memory_space<semaphore_mem>>
          %dma_start3A_1246 = tpu.memref_squeeze %dma_start3A_1245 : memref<1x!tpu.dma_semaphore, #tpu.memory_space<semaphore_mem>> -> memref<!tpu.dma_semaphore, #tpu.memory_space<semaphore_mem>>
          tpu.enqueue_indirect_dma source(%dma_start3A_1244 : memref<1001472x32xf32, #tpu.memory_space<hbm>>) target(%dma_start3A_1234 : memref<128x32xf32, #tpu.memory_space<vmem>>) offsets(%dma_start3A_1241 : memref<128xi32, #tpu.memory_space<vmem>>) semaphore(%dma_start3A_1246 : memref<!tpu.dma_semaphore, #tpu.memory_space<semaphore_mem>>)
          %add3A_1247 = arith.constant 768 : i32
          %add3A_1248 = arith.addi %sub3A_1120, %add3A_1247 : i32
          %add3A_1249 = arith.constant 1 : i32
          %add3A_1250 = arith.addi %add3A_520, %add3A_1249 : i32
          %and3A_1251 = arith.constant 1 : i32
          %and3A_1252 = arith.andi %add3A_1250, %and3A_1251 : i32
          %dma_start3A_1253 = arith.constant 6 : i32
          %dma_start3A_1254 = arith.constant 0 : i32
          %dma_start3A_1255 = tpu.memref_slice %arg5[%add3A_1248, %dma_start3A_1254] : memref<2048x32xf32, #tpu.memory_space<vmem>> -> memref<128x32xf32, #tpu.memory_space<vmem>>
          %dma_start3A_1256 = arith.constant 0 : i32
          %dma_start3A_1257 = arith.constant 0 : i32
          %dma_start3A_1258 = tpu.memref_slice %run_scoped3A[%rem3A_819, %dma_start3A_1256, %dma_start3A_1257] : memref<2x8x128xi32, #tpu.memory_space<vmem>> -> memref<1x8x128xi32, #tpu.memory_space<vmem>>
          %dma_start3A_1259 = tpu.memref_squeeze %dma_start3A_1258 : memref<1x8x128xi32, #tpu.memory_space<vmem>> -> memref<8x128xi32, #tpu.memory_space<vmem>>
          %dma_start3A_1260 = arith.constant 0 : i32
          %dma_start3A_1261 = tpu.memref_slice %dma_start3A_1259[%dma_start3A_1253, %dma_start3A_1260] : memref<8x128xi32, #tpu.memory_space<vmem>> -> memref<1x128xi32, #tpu.memory_space<vmem>>
          %dma_start3A_1262 = tpu.memref_squeeze %dma_start3A_1261 : memref<1x128xi32, #tpu.memory_space<vmem>> -> memref<128xi32, #tpu.memory_space<vmem>>
          %dma_start3A_1263 = arith.constant 0 : i32
          %dma_start3A_1264 = arith.constant 0 : i32
          %dma_start3A_1265 = tpu.memref_slice %arg2[%dma_start3A_1263, %dma_start3A_1264] : memref<1001472x32xf32, #tpu.memory_space<hbm>> -> memref<1001472x32xf32, #tpu.memory_space<hbm>>
          %dma_start3A_1266 = tpu.memref_slice %arg7[%and3A_1252] : memref<2x!tpu.dma_semaphore, #tpu.memory_space<semaphore_mem>> -> memref<1x!tpu.dma_semaphore, #tpu.memory_space<semaphore_mem>>
          %dma_start3A_1267 = tpu.memref_squeeze %dma_start3A_1266 : memref<1x!tpu.dma_semaphore, #tpu.memory_space<semaphore_mem>> -> memref<!tpu.dma_semaphore, #tpu.memory_space<semaphore_mem>>
          tpu.enqueue_indirect_dma source(%dma_start3A_1265 : memref<1001472x32xf32, #tpu.memory_space<hbm>>) target(%dma_start3A_1255 : memref<128x32xf32, #tpu.memory_space<vmem>>) offsets(%dma_start3A_1262 : memref<128xi32, #tpu.memory_space<vmem>>) semaphore(%dma_start3A_1267 : memref<!tpu.dma_semaphore, #tpu.memory_space<semaphore_mem>>)
          %add3A_1268 = arith.constant 896 : i32
          %add3A_1269 = arith.addi %sub3A_1120, %add3A_1268 : i32
          %add3A_1270 = arith.constant 1 : i32
          %add3A_1271 = arith.addi %add3A_520, %add3A_1270 : i32
          %and3A_1272 = arith.constant 1 : i32
          %and3A_1273 = arith.andi %add3A_1271, %and3A_1272 : i32
          %dma_start3A_1274 = arith.constant 7 : i32
          %dma_start3A_1275 = arith.constant 0 : i32
          %dma_start3A_1276 = tpu.memref_slice %arg5[%add3A_1269, %dma_start3A_1275] : memref<2048x32xf32, #tpu.memory_space<vmem>> -> memref<128x32xf32, #tpu.memory_space<vmem>>
          %dma_start3A_1277 = arith.constant 0 : i32
          %dma_start3A_1278 = arith.constant 0 : i32
          %dma_start3A_1279 = tpu.memref_slice %run_scoped3A[%rem3A_819, %dma_start3A_1277, %dma_start3A_1278] : memref<2x8x128xi32, #tpu.memory_space<vmem>> -> memref<1x8x128xi32, #tpu.memory_space<vmem>>
          %dma_start3A_1280 = tpu.memref_squeeze %dma_start3A_1279 : memref<1x8x128xi32, #tpu.memory_space<vmem>> -> memref<8x128xi32, #tpu.memory_space<vmem>>
          %dma_start3A_1281 = arith.constant 0 : i32
          %dma_start3A_1282 = tpu.memref_slice %dma_start3A_1280[%dma_start3A_1274, %dma_start3A_1281] : memref<8x128xi32, #tpu.memory_space<vmem>> -> memref<1x128xi32, #tpu.memory_space<vmem>>
          %dma_start3A_1283 = tpu.memref_squeeze %dma_start3A_1282 : memref<1x128xi32, #tpu.memory_space<vmem>> -> memref<128xi32, #tpu.memory_space<vmem>>
          %dma_start3A_1284 = arith.constant 0 : i32
          %dma_start3A_1285 = arith.constant 0 : i32
          %dma_start3A_1286 = tpu.memref_slice %arg2[%dma_start3A_1284, %dma_start3A_1285] : memref<1001472x32xf32, #tpu.memory_space<hbm>> -> memref<1001472x32xf32, #tpu.memory_space<hbm>>
          %dma_start3A_1287 = tpu.memref_slice %arg7[%and3A_1273] : memref<2x!tpu.dma_semaphore, #tpu.memory_space<semaphore_mem>> -> memref<1x!tpu.dma_semaphore, #tpu.memory_space<semaphore_mem>>
          %dma_start3A_1288 = tpu.memref_squeeze %dma_start3A_1287 : memref<1x!tpu.dma_semaphore, #tpu.memory_space<semaphore_mem>> -> memref<!tpu.dma_semaphore, #tpu.memory_space<semaphore_mem>>
          tpu.enqueue_indirect_dma source(%dma_start3A_1286 : memref<1001472x32xf32, #tpu.memory_space<hbm>>) target(%dma_start3A_1276 : memref<128x32xf32, #tpu.memory_space<vmem>>) offsets(%dma_start3A_1283 : memref<128xi32, #tpu.memory_space<vmem>>) semaphore(%dma_start3A_1288 : memref<!tpu.dma_semaphore, #tpu.memory_space<semaphore_mem>>)
          %add3A_1289 = arith.constant 0 : i32
          %add3A_1290 = arith.addi %mul3A_825, %add3A_1289 : i32
          %and3A_1291 = arith.constant 1 : i32
          %and3A_1292 = arith.andi %add3A_520, %and3A_1291 : i32
          %dma_wait3A_1293 = arith.constant 0 : i32
          %dma_wait3A_1294 = arith.constant 0 : i32
          %dma_wait3A_1295 = tpu.memref_slice %arg5[%add3A_1290, %dma_wait3A_1294] : memref<2048x32xf32, #tpu.memory_space<vmem>> -> memref<128x32xf32, #tpu.memory_space<vmem>>
          %dma_wait3A_1296 = arith.constant 0 : i32
          %dma_wait3A_1297 = arith.constant 0 : i32
          %dma_wait3A_1298 = tpu.memref_slice %run_scoped3A[%rem3A_819, %dma_wait3A_1296, %dma_wait3A_1297] : memref<2x8x128xi32, #tpu.memory_space<vmem>> -> memref<1x8x128xi32, #tpu.memory_space<vmem>>
          %dma_wait3A_1299 = tpu.memref_squeeze %dma_wait3A_1298 : memref<1x8x128xi32, #tpu.memory_space<vmem>> -> memref<8x128xi32, #tpu.memory_space<vmem>>
          %dma_wait3A_1300 = arith.constant 0 : i32
          %dma_wait3A_1301 = tpu.memref_slice %dma_wait3A_1299[%dma_wait3A_1293, %dma_wait3A_1300] : memref<8x128xi32, #tpu.memory_space<vmem>> -> memref<1x128xi32, #tpu.memory_space<vmem>>
          %dma_wait3A_1302 = tpu.memref_squeeze %dma_wait3A_1301 : memref<1x128xi32, #tpu.memory_space<vmem>> -> memref<128xi32, #tpu.memory_space<vmem>>
          %dma_wait3A_1303 = arith.constant 0 : i32
          %dma_wait3A_1304 = arith.constant 0 : i32
          %dma_wait3A_1305 = tpu.memref_slice %arg2[%dma_wait3A_1303, %dma_wait3A_1304] : memref<1001472x32xf32, #tpu.memory_space<hbm>> -> memref<1001472x32xf32, #tpu.memory_space<hbm>>
          %dma_wait3A_1306 = tpu.memref_slice %arg7[%and3A_1292] : memref<2x!tpu.dma_semaphore, #tpu.memory_space<semaphore_mem>> -> memref<1x!tpu.dma_semaphore, #tpu.memory_space<semaphore_mem>>
          %dma_wait3A_1307 = tpu.memref_squeeze %dma_wait3A_1306 : memref<1x!tpu.dma_semaphore, #tpu.memory_space<semaphore_mem>> -> memref<!tpu.dma_semaphore, #tpu.memory_space<semaphore_mem>>
          tpu.wait_indirect_dma semaphore(%dma_wait3A_1307 : memref<!tpu.dma_semaphore, #tpu.memory_space<semaphore_mem>>) src(%dma_wait3A_1305 : memref<1001472x32xf32, #tpu.memory_space<hbm>>) dst(%dma_wait3A_1295 : memref<128x32xf32, #tpu.memory_space<vmem>>)
          %add3A_1308 = arith.constant 128 : i32
          %add3A_1309 = arith.addi %mul3A_825, %add3A_1308 : i32
          %and3A_1310 = arith.constant 1 : i32
          %and3A_1311 = arith.andi %add3A_520, %and3A_1310 : i32
          %dma_wait3A_1312 = arith.constant 1 : i32
          %dma_wait3A_1313 = arith.constant 0 : i32
          %dma_wait3A_1314 = tpu.memref_slice %arg5[%add3A_1309, %dma_wait3A_1313] : memref<2048x32xf32, #tpu.memory_space<vmem>> -> memref<128x32xf32, #tpu.memory_space<vmem>>
          %dma_wait3A_1315 = arith.constant 0 : i32
          %dma_wait3A_1316 = arith.constant 0 : i32
          %dma_wait3A_1317 = tpu.memref_slice %run_scoped3A[%rem3A_819, %dma_wait3A_1315, %dma_wait3A_1316] : memref<2x8x128xi32, #tpu.memory_space<vmem>> -> memref<1x8x128xi32, #tpu.memory_space<vmem>>
          %dma_wait3A_1318 = tpu.memref_squeeze %dma_wait3A_1317 : memref<1x8x128xi32, #tpu.memory_space<vmem>> -> memref<8x128xi32, #tpu.memory_space<vmem>>
          %dma_wait3A_1319 = arith.constant 0 : i32
          %dma_wait3A_1320 = tpu.memref_slice %dma_wait3A_1318[%dma_wait3A_1312, %dma_wait3A_1319] : memref<8x128xi32, #tpu.memory_space<vmem>> -> memref<1x128xi32, #tpu.memory_space<vmem>>
          %dma_wait3A_1321 = tpu.memref_squeeze %dma_wait3A_1320 : memref<1x128xi32, #tpu.memory_space<vmem>> -> memref<128xi32, #tpu.memory_space<vmem>>
          %dma_wait3A_1322 = arith.constant 0 : i32
          %dma_wait3A_1323 = arith.constant 0 : i32
          %dma_wait3A_1324 = tpu.memref_slice %arg2[%dma_wait3A_1322, %dma_wait3A_1323] : memref<1001472x32xf32, #tpu.memory_space<hbm>> -> memref<1001472x32xf32, #tpu.memory_space<hbm>>
          %dma_wait3A_1325 = tpu.memref_slice %arg7[%and3A_1311] : memref<2x!tpu.dma_semaphore, #tpu.memory_space<semaphore_mem>> -> memref<1x!tpu.dma_semaphore, #tpu.memory_space<semaphore_mem>>
          %dma_wait3A_1326 = tpu.memref_squeeze %dma_wait3A_1325 : memref<1x!tpu.dma_semaphore, #tpu.memory_space<semaphore_mem>> -> memref<!tpu.dma_semaphore, #tpu.memory_space<semaphore_mem>>
          tpu.wait_indirect_dma semaphore(%dma_wait3A_1326 : memref<!tpu.dma_semaphore, #tpu.memory_space<semaphore_mem>>) src(%dma_wait3A_1324 : memref<1001472x32xf32, #tpu.memory_space<hbm>>) dst(%dma_wait3A_1314 : memref<128x32xf32, #tpu.memory_space<vmem>>)
          %add3A_1327 = arith.constant 256 : i32
          %add3A_1328 = arith.addi %mul3A_825, %add3A_1327 : i32
          %and3A_1329 = arith.constant 1 : i32
          %and3A_1330 = arith.andi %add3A_520, %and3A_1329 : i32
          %dma_wait3A_1331 = arith.constant 2 : i32
          %dma_wait3A_1332 = arith.constant 0 : i32
          %dma_wait3A_1333 = tpu.memref_slice %arg5[%add3A_1328, %dma_wait3A_1332] : memref<2048x32xf32, #tpu.memory_space<vmem>> -> memref<128x32xf32, #tpu.memory_space<vmem>>
          %dma_wait3A_1334 = arith.constant 0 : i32
          %dma_wait3A_1335 = arith.constant 0 : i32
          %dma_wait3A_1336 = tpu.memref_slice %run_scoped3A[%rem3A_819, %dma_wait3A_1334, %dma_wait3A_1335] : memref<2x8x128xi32, #tpu.memory_space<vmem>> -> memref<1x8x128xi32, #tpu.memory_space<vmem>>
          %dma_wait3A_1337 = tpu.memref_squeeze %dma_wait3A_1336 : memref<1x8x128xi32, #tpu.memory_space<vmem>> -> memref<8x128xi32, #tpu.memory_space<vmem>>
          %dma_wait3A_1338 = arith.constant 0 : i32
          %dma_wait3A_1339 = tpu.memref_slice %dma_wait3A_1337[%dma_wait3A_1331, %dma_wait3A_1338] : memref<8x128xi32, #tpu.memory_space<vmem>> -> memref<1x128xi32, #tpu.memory_space<vmem>>
          %dma_wait3A_1340 = tpu.memref_squeeze %dma_wait3A_1339 : memref<1x128xi32, #tpu.memory_space<vmem>> -> memref<128xi32, #tpu.memory_space<vmem>>
          %dma_wait3A_1341 = arith.constant 0 : i32
          %dma_wait3A_1342 = arith.constant 0 : i32
          %dma_wait3A_1343 = tpu.memref_slice %arg2[%dma_wait3A_1341, %dma_wait3A_1342] : memref<1001472x32xf32, #tpu.memory_space<hbm>> -> memref<1001472x32xf32, #tpu.memory_space<hbm>>
          %dma_wait3A_1344 = tpu.memref_slice %arg7[%and3A_1330] : memref<2x!tpu.dma_semaphore, #tpu.memory_space<semaphore_mem>> -> memref<1x!tpu.dma_semaphore, #tpu.memory_space<semaphore_mem>>
          %dma_wait3A_1345 = tpu.memref_squeeze %dma_wait3A_1344 : memref<1x!tpu.dma_semaphore, #tpu.memory_space<semaphore_mem>> -> memref<!tpu.dma_semaphore, #tpu.memory_space<semaphore_mem>>
          tpu.wait_indirect_dma semaphore(%dma_wait3A_1345 : memref<!tpu.dma_semaphore, #tpu.memory_space<semaphore_mem>>) src(%dma_wait3A_1343 : memref<1001472x32xf32, #tpu.memory_space<hbm>>) dst(%dma_wait3A_1333 : memref<128x32xf32, #tpu.memory_space<vmem>>)
          %add3A_1346 = arith.constant 384 : i32
          %add3A_1347 = arith.addi %mul3A_825, %add3A_1346 : i32
          %and3A_1348 = arith.constant 1 : i32
          %and3A_1349 = arith.andi %add3A_520, %and3A_1348 : i32
          %dma_wait3A_1350 = arith.constant 3 : i32
          %dma_wait3A_1351 = arith.constant 0 : i32
          %dma_wait3A_1352 = tpu.memref_slice %arg5[%add3A_1347, %dma_wait3A_1351] : memref<2048x32xf32, #tpu.memory_space<vmem>> -> memref<128x32xf32, #tpu.memory_space<vmem>>
          %dma_wait3A_1353 = arith.constant 0 : i32
          %dma_wait3A_1354 = arith.constant 0 : i32
          %dma_wait3A_1355 = tpu.memref_slice %run_scoped3A[%rem3A_819, %dma_wait3A_1353, %dma_wait3A_1354] : memref<2x8x128xi32, #tpu.memory_space<vmem>> -> memref<1x8x128xi32, #tpu.memory_space<vmem>>
          %dma_wait3A_1356 = tpu.memref_squeeze %dma_wait3A_1355 : memref<1x8x128xi32, #tpu.memory_space<vmem>> -> memref<8x128xi32, #tpu.memory_space<vmem>>
          %dma_wait3A_1357 = arith.constant 0 : i32
          %dma_wait3A_1358 = tpu.memref_slice %dma_wait3A_1356[%dma_wait3A_1350, %dma_wait3A_1357] : memref<8x128xi32, #tpu.memory_space<vmem>> -> memref<1x128xi32, #tpu.memory_space<vmem>>
          %dma_wait3A_1359 = tpu.memref_squeeze %dma_wait3A_1358 : memref<1x128xi32, #tpu.memory_space<vmem>> -> memref<128xi32, #tpu.memory_space<vmem>>
          %dma_wait3A_1360 = arith.constant 0 : i32
          %dma_wait3A_1361 = arith.constant 0 : i32
          %dma_wait3A_1362 = tpu.memref_slice %arg2[%dma_wait3A_1360, %dma_wait3A_1361] : memref<1001472x32xf32, #tpu.memory_space<hbm>> -> memref<1001472x32xf32, #tpu.memory_space<hbm>>
          %dma_wait3A_1363 = tpu.memref_slice %arg7[%and3A_1349] : memref<2x!tpu.dma_semaphore, #tpu.memory_space<semaphore_mem>> -> memref<1x!tpu.dma_semaphore, #tpu.memory_space<semaphore_mem>>
          %dma_wait3A_1364 = tpu.memref_squeeze %dma_wait3A_1363 : memref<1x!tpu.dma_semaphore, #tpu.memory_space<semaphore_mem>> -> memref<!tpu.dma_semaphore, #tpu.memory_space<semaphore_mem>>
          tpu.wait_indirect_dma semaphore(%dma_wait3A_1364 : memref<!tpu.dma_semaphore, #tpu.memory_space<semaphore_mem>>) src(%dma_wait3A_1362 : memref<1001472x32xf32, #tpu.memory_space<hbm>>) dst(%dma_wait3A_1352 : memref<128x32xf32, #tpu.memory_space<vmem>>)
          %add3A_1365 = arith.constant 512 : i32
          %add3A_1366 = arith.addi %mul3A_825, %add3A_1365 : i32
          %and3A_1367 = arith.constant 1 : i32
          %and3A_1368 = arith.andi %add3A_520, %and3A_1367 : i32
          %dma_wait3A_1369 = arith.constant 4 : i32
          %dma_wait3A_1370 = arith.constant 0 : i32
          %dma_wait3A_1371 = tpu.memref_slice %arg5[%add3A_1366, %dma_wait3A_1370] : memref<2048x32xf32, #tpu.memory_space<vmem>> -> memref<128x32xf32, #tpu.memory_space<vmem>>
          %dma_wait3A_1372 = arith.constant 0 : i32
          %dma_wait3A_1373 = arith.constant 0 : i32
          %dma_wait3A_1374 = tpu.memref_slice %run_scoped3A[%rem3A_819, %dma_wait3A_1372, %dma_wait3A_1373] : memref<2x8x128xi32, #tpu.memory_space<vmem>> -> memref<1x8x128xi32, #tpu.memory_space<vmem>>
          %dma_wait3A_1375 = tpu.memref_squeeze %dma_wait3A_1374 : memref<1x8x128xi32, #tpu.memory_space<vmem>> -> memref<8x128xi32, #tpu.memory_space<vmem>>
          %dma_wait3A_1376 = arith.constant 0 : i32
          %dma_wait3A_1377 = tpu.memref_slice %dma_wait3A_1375[%dma_wait3A_1369, %dma_wait3A_1376] : memref<8x128xi32, #tpu.memory_space<vmem>> -> memref<1x128xi32, #tpu.memory_space<vmem>>
          %dma_wait3A_1378 = tpu.memref_squeeze %dma_wait3A_1377 : memref<1x128xi32, #tpu.memory_space<vmem>> -> memref<128xi32, #tpu.memory_space<vmem>>
          %dma_wait3A_1379 = arith.constant 0 : i32
          %dma_wait3A_1380 = arith.constant 0 : i32
          %dma_wait3A_1381 = tpu.memref_slice %arg2[%dma_wait3A_1379, %dma_wait3A_1380] : memref<1001472x32xf32, #tpu.memory_space<hbm>> -> memref<1001472x32xf32, #tpu.memory_space<hbm>>
          %dma_wait3A_1382 = tpu.memref_slice %arg7[%and3A_1368] : memref<2x!tpu.dma_semaphore, #tpu.memory_space<semaphore_mem>> -> memref<1x!tpu.dma_semaphore, #tpu.memory_space<semaphore_mem>>
          %dma_wait3A_1383 = tpu.memref_squeeze %dma_wait3A_1382 : memref<1x!tpu.dma_semaphore, #tpu.memory_space<semaphore_mem>> -> memref<!tpu.dma_semaphore, #tpu.memory_space<semaphore_mem>>
          tpu.wait_indirect_dma semaphore(%dma_wait3A_1383 : memref<!tpu.dma_semaphore, #tpu.memory_space<semaphore_mem>>) src(%dma_wait3A_1381 : memref<1001472x32xf32, #tpu.memory_space<hbm>>) dst(%dma_wait3A_1371 : memref<128x32xf32, #tpu.memory_space<vmem>>)
          %add3A_1384 = arith.constant 640 : i32
          %add3A_1385 = arith.addi %mul3A_825, %add3A_1384 : i32
          %and3A_1386 = arith.constant 1 : i32
          %and3A_1387 = arith.andi %add3A_520, %and3A_1386 : i32
          %dma_wait3A_1388 = arith.constant 5 : i32
          %dma_wait3A_1389 = arith.constant 0 : i32
          %dma_wait3A_1390 = tpu.memref_slice %arg5[%add3A_1385, %dma_wait3A_1389] : memref<2048x32xf32, #tpu.memory_space<vmem>> -> memref<128x32xf32, #tpu.memory_space<vmem>>
          %dma_wait3A_1391 = arith.constant 0 : i32
          %dma_wait3A_1392 = arith.constant 0 : i32
          %dma_wait3A_1393 = tpu.memref_slice %run_scoped3A[%rem3A_819, %dma_wait3A_1391, %dma_wait3A_1392] : memref<2x8x128xi32, #tpu.memory_space<vmem>> -> memref<1x8x128xi32, #tpu.memory_space<vmem>>
          %dma_wait3A_1394 = tpu.memref_squeeze %dma_wait3A_1393 : memref<1x8x128xi32, #tpu.memory_space<vmem>> -> memref<8x128xi32, #tpu.memory_space<vmem>>
          %dma_wait3A_1395 = arith.constant 0 : i32
          %dma_wait3A_1396 = tpu.memref_slice %dma_wait3A_1394[%dma_wait3A_1388, %dma_wait3A_1395] : memref<8x128xi32, #tpu.memory_space<vmem>> -> memref<1x128xi32, #tpu.memory_space<vmem>>
          %dma_wait3A_1397 = tpu.memref_squeeze %dma_wait3A_1396 : memref<1x128xi32, #tpu.memory_space<vmem>> -> memref<128xi32, #tpu.memory_space<vmem>>
          %dma_wait3A_1398 = arith.constant 0 : i32
          %dma_wait3A_1399 = arith.constant 0 : i32
          %dma_wait3A_1400 = tpu.memref_slice %arg2[%dma_wait3A_1398, %dma_wait3A_1399] : memref<1001472x32xf32, #tpu.memory_space<hbm>> -> memref<1001472x32xf32, #tpu.memory_space<hbm>>
          %dma_wait3A_1401 = tpu.memref_slice %arg7[%and3A_1387] : memref<2x!tpu.dma_semaphore, #tpu.memory_space<semaphore_mem>> -> memref<1x!tpu.dma_semaphore, #tpu.memory_space<semaphore_mem>>
          %dma_wait3A_1402 = tpu.memref_squeeze %dma_wait3A_1401 : memref<1x!tpu.dma_semaphore, #tpu.memory_space<semaphore_mem>> -> memref<!tpu.dma_semaphore, #tpu.memory_space<semaphore_mem>>
          tpu.wait_indirect_dma semaphore(%dma_wait3A_1402 : memref<!tpu.dma_semaphore, #tpu.memory_space<semaphore_mem>>) src(%dma_wait3A_1400 : memref<1001472x32xf32, #tpu.memory_space<hbm>>) dst(%dma_wait3A_1390 : memref<128x32xf32, #tpu.memory_space<vmem>>)
          %add3A_1403 = arith.constant 768 : i32
          %add3A_1404 = arith.addi %mul3A_825, %add3A_1403 : i32
          %and3A_1405 = arith.constant 1 : i32
          %and3A_1406 = arith.andi %add3A_520, %and3A_1405 : i32
          %dma_wait3A_1407 = arith.constant 6 : i32
          %dma_wait3A_1408 = arith.constant 0 : i32
          %dma_wait3A_1409 = tpu.memref_slice %arg5[%add3A_1404, %dma_wait3A_1408] : memref<2048x32xf32, #tpu.memory_space<vmem>> -> memref<128x32xf32, #tpu.memory_space<vmem>>
          %dma_wait3A_1410 = arith.constant 0 : i32
          %dma_wait3A_1411 = arith.constant 0 : i32
          %dma_wait3A_1412 = tpu.memref_slice %run_scoped3A[%rem3A_819, %dma_wait3A_1410, %dma_wait3A_1411] : memref<2x8x128xi32, #tpu.memory_space<vmem>> -> memref<1x8x128xi32, #tpu.memory_space<vmem>>
          %dma_wait3A_1413 = tpu.memref_squeeze %dma_wait3A_1412 : memref<1x8x128xi32, #tpu.memory_space<vmem>> -> memref<8x128xi32, #tpu.memory_space<vmem>>
          %dma_wait3A_1414 = arith.constant 0 : i32
          %dma_wait3A_1415 = tpu.memref_slice %dma_wait3A_1413[%dma_wait3A_1407, %dma_wait3A_1414] : memref<8x128xi32, #tpu.memory_space<vmem>> -> memref<1x128xi32, #tpu.memory_space<vmem>>
          %dma_wait3A_1416 = tpu.memref_squeeze %dma_wait3A_1415 : memref<1x128xi32, #tpu.memory_space<vmem>> -> memref<128xi32, #tpu.memory_space<vmem>>
          %dma_wait3A_1417 = arith.constant 0 : i32
          %dma_wait3A_1418 = arith.constant 0 : i32
          %dma_wait3A_1419 = tpu.memref_slice %arg2[%dma_wait3A_1417, %dma_wait3A_1418] : memref<1001472x32xf32, #tpu.memory_space<hbm>> -> memref<1001472x32xf32, #tpu.memory_space<hbm>>
          %dma_wait3A_1420 = tpu.memref_slice %arg7[%and3A_1406] : memref<2x!tpu.dma_semaphore, #tpu.memory_space<semaphore_mem>> -> memref<1x!tpu.dma_semaphore, #tpu.memory_space<semaphore_mem>>
          %dma_wait3A_1421 = tpu.memref_squeeze %dma_wait3A_1420 : memref<1x!tpu.dma_semaphore, #tpu.memory_space<semaphore_mem>> -> memref<!tpu.dma_semaphore, #tpu.memory_space<semaphore_mem>>
          tpu.wait_indirect_dma semaphore(%dma_wait3A_1421 : memref<!tpu.dma_semaphore, #tpu.memory_space<semaphore_mem>>) src(%dma_wait3A_1419 : memref<1001472x32xf32, #tpu.memory_space<hbm>>) dst(%dma_wait3A_1409 : memref<128x32xf32, #tpu.memory_space<vmem>>)
          %add3A_1422 = arith.constant 896 : i32
          %add3A_1423 = arith.addi %mul3A_825, %add3A_1422 : i32
          %and3A_1424 = arith.constant 1 : i32
          %and3A_1425 = arith.andi %add3A_520, %and3A_1424 : i32
          %dma_wait3A_1426 = arith.constant 7 : i32
          %dma_wait3A_1427 = arith.constant 0 : i32
          %dma_wait3A_1428 = tpu.memref_slice %arg5[%add3A_1423, %dma_wait3A_1427] : memref<2048x32xf32, #tpu.memory_space<vmem>> -> memref<128x32xf32, #tpu.memory_space<vmem>>
          %dma_wait3A_1429 = arith.constant 0 : i32
          %dma_wait3A_1430 = arith.constant 0 : i32
          %dma_wait3A_1431 = tpu.memref_slice %run_scoped3A[%rem3A_819, %dma_wait3A_1429, %dma_wait3A_1430] : memref<2x8x128xi32, #tpu.memory_space<vmem>> -> memref<1x8x128xi32, #tpu.memory_space<vmem>>
          %dma_wait3A_1432 = tpu.memref_squeeze %dma_wait3A_1431 : memref<1x8x128xi32, #tpu.memory_space<vmem>> -> memref<8x128xi32, #tpu.memory_space<vmem>>
          %dma_wait3A_1433 = arith.constant 0 : i32
          %dma_wait3A_1434 = tpu.memref_slice %dma_wait3A_1432[%dma_wait3A_1426, %dma_wait3A_1433] : memref<8x128xi32, #tpu.memory_space<vmem>> -> memref<1x128xi32, #tpu.memory_space<vmem>>
          %dma_wait3A_1435 = tpu.memref_squeeze %dma_wait3A_1434 : memref<1x128xi32, #tpu.memory_space<vmem>> -> memref<128xi32, #tpu.memory_space<vmem>>
          %dma_wait3A_1436 = arith.constant 0 : i32
          %dma_wait3A_1437 = arith.constant 0 : i32
          %dma_wait3A_1438 = tpu.memref_slice %arg2[%dma_wait3A_1436, %dma_wait3A_1437] : memref<1001472x32xf32, #tpu.memory_space<hbm>> -> memref<1001472x32xf32, #tpu.memory_space<hbm>>
          %dma_wait3A_1439 = tpu.memref_slice %arg7[%and3A_1425] : memref<2x!tpu.dma_semaphore, #tpu.memory_space<semaphore_mem>> -> memref<1x!tpu.dma_semaphore, #tpu.memory_space<semaphore_mem>>
          %dma_wait3A_1440 = tpu.memref_squeeze %dma_wait3A_1439 : memref<1x!tpu.dma_semaphore, #tpu.memory_space<semaphore_mem>> -> memref<!tpu.dma_semaphore, #tpu.memory_space<semaphore_mem>>
          tpu.wait_indirect_dma semaphore(%dma_wait3A_1440 : memref<!tpu.dma_semaphore, #tpu.memory_space<semaphore_mem>>) src(%dma_wait3A_1438 : memref<1001472x32xf32, #tpu.memory_space<hbm>>) dst(%dma_wait3A_1428 : memref<128x32xf32, #tpu.memory_space<vmem>>)
        } else {
        }
        %parallel_loop3A = arith.constant 0 : i32
        %parallel_loop3A_831 = arith.constant 64 : i32
        %parallel_loop3A_832 = arith.constant 1 : i32
        scf.for %parallel_loop3A_1119 = %parallel_loop3A to %parallel_loop3A_831 step %parallel_loop3A_832  : i32 {
          %parallel_loop3A_1120 = arith.constant 3 : i32
          %parallel_loop3A_1121 = arith.shrsi %parallel_loop3A_1119, %parallel_loop3A_1120 : i32
          %parallel_loop3A_1122 = arith.constant 7 : i32
          %parallel_loop3A_1123 = arith.andi %parallel_loop3A_1119, %parallel_loop3A_1122 : i32
          %parallel_loop3A_1124 = arith.constant 8 : i32
          %parallel_loop3A_1125 = arith.muli %parallel_loop3A_1124, %add3A_522 : i32
          %parallel_loop3A_1126 = arith.addi %parallel_loop3A_1125, %parallel_loop3A_1123 : i32
          %parallel_loop3A_1127 = vector.broadcast %parallel_loop3A_1126 : i32 to vector<16xi32>
          %parallel_loop3A_1128 = arith.constant 128 : i32
          %parallel_loop3A_1129 = arith.muli %parallel_loop3A_1128, %parallel_loop3A_1121 : i32
          %parallel_loop3A_1130 = arith.addi %mul3A_825, %parallel_loop3A_1129 : i32
          %parallel_loop3A_1131 = arith.constant 0 : i32
          %parallel_loop3A_1132 = arith.addi %parallel_loop3A_1130, %parallel_loop3A_1131 : i32
          %parallel_loop3A_1133 = vector.broadcast %parallel_loop3A_1132 : i32 to vector<16xi32>
          %parallel_loop3A_1134 = arith.addi %parallel_loop3A_1133, %iota3A : vector<16xi32>
          %parallel_loop3A_1135 = tpu.vector_load_idx %arg5[%parallel_loop3A_1134, %parallel_loop3A_1127] : memref<2048x32xf32, #tpu.memory_space<vmem>>[vector<16xi32>, vector<16xi32>], vector<16xf32>,
          %parallel_loop3A_1136 = arith.constant 0 : i32
          %parallel_loop3A_1137 = arith.constant 0 : i32
          %parallel_loop3A_1138 = tpu.memref_slice %run_scoped3A_286[%rem3A_821, %parallel_loop3A_1136, %parallel_loop3A_1137] : memref<2x64x128xf32, #tpu.memory_space<vmem>> -> memref<1x64x128xf32, #tpu.memory_space<vmem>>
          %parallel_loop3A_1139 = tpu.memref_squeeze %parallel_loop3A_1138 : memref<1x64x128xf32, #tpu.memory_space<vmem>> -> memref<64x128xf32, #tpu.memory_space<vmem>>
          %parallel_loop3A_1140 = arith.index_cast %parallel_loop3A_1119 : i32 to index
          %parallel_loop3A_1141 = arith.constant 0 : index
          %parallel_loop3A_1142 = tpu.vector_load %parallel_loop3A_1139[%parallel_loop3A_1140, %parallel_loop3A_1141] {strides = array<i32>} : memref<64x128xf32, #tpu.memory_space<vmem>>, vector<16xf32>,
          tpu.vector_store %parallel_loop3A_1139[%parallel_loop3A_1140, %parallel_loop3A_1141], %parallel_loop3A_1135 {strides = array<i32>} : memref<64x128xf32, #tpu.memory_space<vmem>>, vector<16xf32>,
          %parallel_loop3A_1143 = arith.constant 128 : i32
          %parallel_loop3A_1144 = arith.muli %parallel_loop3A_1143, %parallel_loop3A_1121 : i32
          %parallel_loop3A_1145 = arith.addi %mul3A_825, %parallel_loop3A_1144 : i32
          %parallel_loop3A_1146 = arith.constant 16 : i32
          %parallel_loop3A_1147 = arith.addi %parallel_loop3A_1145, %parallel_loop3A_1146 : i32
          %parallel_loop3A_1148 = vector.broadcast %parallel_loop3A_1147 : i32 to vector<16xi32>
          %parallel_loop3A_1149 = arith.addi %parallel_loop3A_1148, %iota3A : vector<16xi32>
          %parallel_loop3A_1150 = tpu.vector_load_idx %arg5[%parallel_loop3A_1149, %parallel_loop3A_1127] : memref<2048x32xf32, #tpu.memory_space<vmem>>[vector<16xi32>, vector<16xi32>], vector<16xf32>,
          %parallel_loop3A_1151 = arith.constant 0 : i32
          %parallel_loop3A_1152 = arith.constant 0 : i32
          %parallel_loop3A_1153 = tpu.memref_slice %run_scoped3A_286[%rem3A_821, %parallel_loop3A_1151, %parallel_loop3A_1152] : memref<2x64x128xf32, #tpu.memory_space<vmem>> -> memref<1x64x128xf32, #tpu.memory_space<vmem>>
          %parallel_loop3A_1154 = tpu.memref_squeeze %parallel_loop3A_1153 : memref<1x64x128xf32, #tpu.memory_space<vmem>> -> memref<64x128xf32, #tpu.memory_space<vmem>>
          %parallel_loop3A_1155 = arith.index_cast %parallel_loop3A_1119 : i32 to index
          %parallel_loop3A_1156 = arith.constant 16 : index
          %parallel_loop3A_1157 = tpu.vector_load %parallel_loop3A_1154[%parallel_loop3A_1155, %parallel_loop3A_1156] {strides = array<i32>} : memref<64x128xf32, #tpu.memory_space<vmem>>, vector<16xf32>,
          tpu.vector_store %parallel_loop3A_1154[%parallel_loop3A_1155, %parallel_loop3A_1156], %parallel_loop3A_1150 {strides = array<i32>} : memref<64x128xf32, #tpu.memory_space<vmem>>, vector<16xf32>,
          %parallel_loop3A_1158 = arith.constant 128 : i32
          %parallel_loop3A_1159 = arith.muli %parallel_loop3A_1158, %parallel_loop3A_1121 : i32
          %parallel_loop3A_1160 = arith.addi %mul3A_825, %parallel_loop3A_1159 : i32
          %parallel_loop3A_1161 = arith.constant 32 : i32
          %parallel_loop3A_1162 = arith.addi %parallel_loop3A_1160, %parallel_loop3A_1161 : i32
          %parallel_loop3A_1163 = vector.broadcast %parallel_loop3A_1162 : i32 to vector<16xi32>
          %parallel_loop3A_1164 = arith.addi %parallel_loop3A_1163, %iota3A : vector<16xi32>
          %parallel_loop3A_1165 = tpu.vector_load_idx %arg5[%parallel_loop3A_1164, %parallel_loop3A_1127] : memref<2048x32xf32, #tpu.memory_space<vmem>>[vector<16xi32>, vector<16xi32>], vector<16xf32>,
          %parallel_loop3A_1166 = arith.constant 0 : i32
          %parallel_loop3A_1167 = arith.constant 0 : i32
          %parallel_loop3A_1168 = tpu.memref_slice %run_scoped3A_286[%rem3A_821, %parallel_loop3A_1166, %parallel_loop3A_1167] : memref<2x64x128xf32, #tpu.memory_space<vmem>> -> memref<1x64x128xf32, #tpu.memory_space<vmem>>
          %parallel_loop3A_1169 = tpu.memref_squeeze %parallel_loop3A_1168 : memref<1x64x128xf32, #tpu.memory_space<vmem>> -> memref<64x128xf32, #tpu.memory_space<vmem>>
          %parallel_loop3A_1170 = arith.index_cast %parallel_loop3A_1119 : i32 to index
          %parallel_loop3A_1171 = arith.constant 32 : index
          %parallel_loop3A_1172 = tpu.vector_load %parallel_loop3A_1169[%parallel_loop3A_1170, %parallel_loop3A_1171] {strides = array<i32>} : memref<64x128xf32, #tpu.memory_space<vmem>>, vector<16xf32>,
          tpu.vector_store %parallel_loop3A_1169[%parallel_loop3A_1170, %parallel_loop3A_1171], %parallel_loop3A_1165 {strides = array<i32>} : memref<64x128xf32, #tpu.memory_space<vmem>>, vector<16xf32>,
          %parallel_loop3A_1173 = arith.constant 128 : i32
          %parallel_loop3A_1174 = arith.muli %parallel_loop3A_1173, %parallel_loop3A_1121 : i32
          %parallel_loop3A_1175 = arith.addi %mul3A_825, %parallel_loop3A_1174 : i32
          %parallel_loop3A_1176 = arith.constant 48 : i32
          %parallel_loop3A_1177 = arith.addi %parallel_loop3A_1175, %parallel_loop3A_1176 : i32
          %parallel_loop3A_1178 = vector.broadcast %parallel_loop3A_1177 : i32 to vector<16xi32>
          %parallel_loop3A_1179 = arith.addi %parallel_loop3A_1178, %iota3A : vector<16xi32>
          %parallel_loop3A_1180 = tpu.vector_load_idx %arg5[%parallel_loop3A_1179, %parallel_loop3A_1127] : memref<2048x32xf32, #tpu.memory_space<vmem>>[vector<16xi32>, vector<16xi32>], vector<16xf32>,
          %parallel_loop3A_1181 = arith.constant 0 : i32
          %parallel_loop3A_1182 = arith.constant 0 : i32
          %parallel_loop3A_1183 = tpu.memref_slice %run_scoped3A_286[%rem3A_821, %parallel_loop3A_1181, %parallel_loop3A_1182] : memref<2x64x128xf32, #tpu.memory_space<vmem>> -> memref<1x64x128xf32, #tpu.memory_space<vmem>>
          %parallel_loop3A_1184 = tpu.memref_squeeze %parallel_loop3A_1183 : memref<1x64x128xf32, #tpu.memory_space<vmem>> -> memref<64x128xf32, #tpu.memory_space<vmem>>
          %parallel_loop3A_1185 = arith.index_cast %parallel_loop3A_1119 : i32 to index
          %parallel_loop3A_1186 = arith.constant 48 : index
          %parallel_loop3A_1187 = tpu.vector_load %parallel_loop3A_1184[%parallel_loop3A_1185, %parallel_loop3A_1186] {strides = array<i32>} : memref<64x128xf32, #tpu.memory_space<vmem>>, vector<16xf32>,
          tpu.vector_store %parallel_loop3A_1184[%parallel_loop3A_1185, %parallel_loop3A_1186], %parallel_loop3A_1180 {strides = array<i32>} : memref<64x128xf32, #tpu.memory_space<vmem>>, vector<16xf32>,
          %parallel_loop3A_1188 = arith.constant 128 : i32
          %parallel_loop3A_1189 = arith.muli %parallel_loop3A_1188, %parallel_loop3A_1121 : i32
          %parallel_loop3A_1190 = arith.addi %mul3A_825, %parallel_loop3A_1189 : i32
          %parallel_loop3A_1191 = arith.constant 64 : i32
          %parallel_loop3A_1192 = arith.addi %parallel_loop3A_1190, %parallel_loop3A_1191 : i32
          %parallel_loop3A_1193 = vector.broadcast %parallel_loop3A_1192 : i32 to vector<16xi32>
          %parallel_loop3A_1194 = arith.addi %parallel_loop3A_1193, %iota3A : vector<16xi32>
          %parallel_loop3A_1195 = tpu.vector_load_idx %arg5[%parallel_loop3A_1194, %parallel_loop3A_1127] : memref<2048x32xf32, #tpu.memory_space<vmem>>[vector<16xi32>, vector<16xi32>], vector<16xf32>,
          %parallel_loop3A_1196 = arith.constant 0 : i32
          %parallel_loop3A_1197 = arith.constant 0 : i32
          %parallel_loop3A_1198 = tpu.memref_slice %run_scoped3A_286[%rem3A_821, %parallel_loop3A_1196, %parallel_loop3A_1197] : memref<2x64x128xf32, #tpu.memory_space<vmem>> -> memref<1x64x128xf32, #tpu.memory_space<vmem>>
          %parallel_loop3A_1199 = tpu.memref_squeeze %parallel_loop3A_1198 : memref<1x64x128xf32, #tpu.memory_space<vmem>> -> memref<64x128xf32, #tpu.memory_space<vmem>>
          %parallel_loop3A_1200 = arith.index_cast %parallel_loop3A_1119 : i32 to index
          %parallel_loop3A_1201 = arith.constant 64 : index
          %parallel_loop3A_1202 = tpu.vector_load %parallel_loop3A_1199[%parallel_loop3A_1200, %parallel_loop3A_1201] {strides = array<i32>} : memref<64x128xf32, #tpu.memory_space<vmem>>, vector<16xf32>,
          tpu.vector_store %parallel_loop3A_1199[%parallel_loop3A_1200, %parallel_loop3A_1201], %parallel_loop3A_1195 {strides = array<i32>} : memref<64x128xf32, #tpu.memory_space<vmem>>, vector<16xf32>,
          %parallel_loop3A_1203 = arith.constant 128 : i32
          %parallel_loop3A_1204 = arith.muli %parallel_loop3A_1203, %parallel_loop3A_1121 : i32
          %parallel_loop3A_1205 = arith.addi %mul3A_825, %parallel_loop3A_1204 : i32
          %parallel_loop3A_1206 = arith.constant 80 : i32
          %parallel_loop3A_1207 = arith.addi %parallel_loop3A_1205, %parallel_loop3A_1206 : i32
          %parallel_loop3A_1208 = vector.broadcast %parallel_loop3A_1207 : i32 to vector<16xi32>
          %parallel_loop3A_1209 = arith.addi %parallel_loop3A_1208, %iota3A : vector<16xi32>
          %parallel_loop3A_1210 = tpu.vector_load_idx %arg5[%parallel_loop3A_1209, %parallel_loop3A_1127] : memref<2048x32xf32, #tpu.memory_space<vmem>>[vector<16xi32>, vector<16xi32>], vector<16xf32>,
          %parallel_loop3A_1211 = arith.constant 0 : i32
          %parallel_loop3A_1212 = arith.constant 0 : i32
          %parallel_loop3A_1213 = tpu.memref_slice %run_scoped3A_286[%rem3A_821, %parallel_loop3A_1211, %parallel_loop3A_1212] : memref<2x64x128xf32, #tpu.memory_space<vmem>> -> memref<1x64x128xf32, #tpu.memory_space<vmem>>
          %parallel_loop3A_1214 = tpu.memref_squeeze %parallel_loop3A_1213 : memref<1x64x128xf32, #tpu.memory_space<vmem>> -> memref<64x128xf32, #tpu.memory_space<vmem>>
          %parallel_loop3A_1215 = arith.index_cast %parallel_loop3A_1119 : i32 to index
          %parallel_loop3A_1216 = arith.constant 80 : index
          %parallel_loop3A_1217 = tpu.vector_load %parallel_loop3A_1214[%parallel_loop3A_1215, %parallel_loop3A_1216] {strides = array<i32>} : memref<64x128xf32, #tpu.memory_space<vmem>>, vector<16xf32>,
          tpu.vector_store %parallel_loop3A_1214[%parallel_loop3A_1215, %parallel_loop3A_1216], %parallel_loop3A_1210 {strides = array<i32>} : memref<64x128xf32, #tpu.memory_space<vmem>>, vector<16xf32>,
          %parallel_loop3A_1218 = arith.constant 128 : i32
          %parallel_loop3A_1219 = arith.muli %parallel_loop3A_1218, %parallel_loop3A_1121 : i32
          %parallel_loop3A_1220 = arith.addi %mul3A_825, %parallel_loop3A_1219 : i32
          %parallel_loop3A_1221 = arith.constant 96 : i32
          %parallel_loop3A_1222 = arith.addi %parallel_loop3A_1220, %parallel_loop3A_1221 : i32
          %parallel_loop3A_1223 = vector.broadcast %parallel_loop3A_1222 : i32 to vector<16xi32>
          %parallel_loop3A_1224 = arith.addi %parallel_loop3A_1223, %iota3A : vector<16xi32>
          %parallel_loop3A_1225 = tpu.vector_load_idx %arg5[%parallel_loop3A_1224, %parallel_loop3A_1127] : memref<2048x32xf32, #tpu.memory_space<vmem>>[vector<16xi32>, vector<16xi32>], vector<16xf32>,
          %parallel_loop3A_1226 = arith.constant 0 : i32
          %parallel_loop3A_1227 = arith.constant 0 : i32
          %parallel_loop3A_1228 = tpu.memref_slice %run_scoped3A_286[%rem3A_821, %parallel_loop3A_1226, %parallel_loop3A_1227] : memref<2x64x128xf32, #tpu.memory_space<vmem>> -> memref<1x64x128xf32, #tpu.memory_space<vmem>>
          %parallel_loop3A_1229 = tpu.memref_squeeze %parallel_loop3A_1228 : memref<1x64x128xf32, #tpu.memory_space<vmem>> -> memref<64x128xf32, #tpu.memory_space<vmem>>
          %parallel_loop3A_1230 = arith.index_cast %parallel_loop3A_1119 : i32 to index
          %parallel_loop3A_1231 = arith.constant 96 : index
          %parallel_loop3A_1232 = tpu.vector_load %parallel_loop3A_1229[%parallel_loop3A_1230, %parallel_loop3A_1231] {strides = array<i32>} : memref<64x128xf32, #tpu.memory_space<vmem>>, vector<16xf32>,
          tpu.vector_store %parallel_loop3A_1229[%parallel_loop3A_1230, %parallel_loop3A_1231], %parallel_loop3A_1225 {strides = array<i32>} : memref<64x128xf32, #tpu.memory_space<vmem>>, vector<16xf32>,
          %parallel_loop3A_1233 = arith.constant 128 : i32
          %parallel_loop3A_1234 = arith.muli %parallel_loop3A_1233, %parallel_loop3A_1121 : i32
          %parallel_loop3A_1235 = arith.addi %mul3A_825, %parallel_loop3A_1234 : i32
          %parallel_loop3A_1236 = arith.constant 112 : i32
          %parallel_loop3A_1237 = arith.addi %parallel_loop3A_1235, %parallel_loop3A_1236 : i32
          %parallel_loop3A_1238 = vector.broadcast %parallel_loop3A_1237 : i32 to vector<16xi32>
          %parallel_loop3A_1239 = arith.addi %parallel_loop3A_1238, %iota3A : vector<16xi32>
          %parallel_loop3A_1240 = tpu.vector_load_idx %arg5[%parallel_loop3A_1239, %parallel_loop3A_1127] : memref<2048x32xf32, #tpu.memory_space<vmem>>[vector<16xi32>, vector<16xi32>], vector<16xf32>,
          %parallel_loop3A_1241 = arith.constant 0 : i32
          %parallel_loop3A_1242 = arith.constant 0 : i32
          %parallel_loop3A_1243 = tpu.memref_slice %run_scoped3A_286[%rem3A_821, %parallel_loop3A_1241, %parallel_loop3A_1242] : memref<2x64x128xf32, #tpu.memory_space<vmem>> -> memref<1x64x128xf32, #tpu.memory_space<vmem>>
          %parallel_loop3A_1244 = tpu.memref_squeeze %parallel_loop3A_1243 : memref<1x64x128xf32, #tpu.memory_space<vmem>> -> memref<64x128xf32, #tpu.memory_space<vmem>>
          %parallel_loop3A_1245 = arith.index_cast %parallel_loop3A_1119 : i32 to index
          %parallel_loop3A_1246 = arith.constant 112 : index
          %parallel_loop3A_1247 = tpu.vector_load %parallel_loop3A_1244[%parallel_loop3A_1245, %parallel_loop3A_1246] {strides = array<i32>} : memref<64x128xf32, #tpu.memory_space<vmem>>, vector<16xf32>,
          tpu.vector_store %parallel_loop3A_1244[%parallel_loop3A_1245, %parallel_loop3A_1246], %parallel_loop3A_1240 {strides = array<i32>} : memref<64x128xf32, #tpu.memory_space<vmem>>, vector<16xf32>,
        } {sc.loop_unroll_factor = 4 : i64, sc.parallel_access}
        "tpu.trace_stop"() : () -> ()
        %add3A_833 = arith.constant 1 : i32
        %add3A_834 = arith.addi %add3A_520, %add3A_833 : i32
        %min3A_835 = arith.constant 799 : i32
        %min3A_836 = arith.minsi %add3A_834, %min3A_835 : i32
        %add3A_837 = arith.constant 1 : i32
        %add3A_838 = arith.addi %add3A_556, %add3A_837 : i32
        %min3A_839 = arith.constant 799 : i32
        %min3A_840 = arith.minsi %add3A_838, %min3A_839 : i32
        %ne3A_841 = arith.cmpi ne, %min3A_836, %min3A_840 : i32
        %or3A_842 = arith.constant false
        %or3A_843 = arith.ori %or3A_842, %ne3A_841 : i1
        %or3A_844 = arith.constant false
        %or3A_845 = arith.ori %or3A_843, %or3A_844 : i1
        %or3A_846 = arith.ori %or3A_845, %eq3A_519 : i1
        %convert_element_type3A_847 = arith.extui %or3A_846 : i1 to i32
        %cond3A_848 = arith.constant 0 : i32
        %cond3A_849 = arith.cmpi ne, %convert_element_type3A_847, %cond3A_848 : i32
        scf.if %cond3A_849 {
        } else {
        }
        %and3A_850 = arith.constant false
        %and3A_851 = arith.andi %or3A_846, %and3A_850 : i1
        %jit3A_852 = arith.constant 4 : i32
        %div3A_853 = arith.divsi %add3A_520, %jit3A_852 : i32
        %sign3A_854 = arith.constant 0 : i32
        %sign3A_855 = arith.cmpi sgt, %add3A_520, %sign3A_854 : i32
        %sign3A_856 = arith.extui %sign3A_855 : i1 to i32
        %sign3A_857 = arith.constant 0 : i32
        %sign3A_858 = arith.cmpi slt, %add3A_520, %sign3A_857 : i32
        %sign3A_859 = arith.extui %sign3A_858 : i1 to i32
        %sign3A_860 = arith.subi %sign3A_856, %sign3A_859 : i32
        %sign3A_861 = arith.constant 0 : i32
        %sign3A_862 = arith.cmpi sgt, %jit3A_852, %sign3A_861 : i32
        %sign3A_863 = arith.extui %sign3A_862 : i1 to i32
        %sign3A_864 = arith.constant 0 : i32
        %sign3A_865 = arith.cmpi slt, %jit3A_852, %sign3A_864 : i32
        %sign3A_866 = arith.extui %sign3A_865 : i1 to i32
        %sign3A_867 = arith.subi %sign3A_863, %sign3A_866 : i32
        %ne3A_868 = arith.cmpi ne, %sign3A_860, %sign3A_867 : i32
        %rem3A_869 = arith.remsi %add3A_520, %jit3A_852 : i32
        %ne3A_870 = arith.constant 0 : i32
        %ne3A_871 = arith.cmpi ne, %rem3A_869, %ne3A_870 : i32
        %and3A_872 = arith.andi %ne3A_868, %ne3A_871 : i1
        %sub3A_873 = arith.constant 1 : i32
        %sub3A_874 = arith.subi %div3A_853, %sub3A_873 : i32
        %select_n3A_875 = arith.select %and3A_872, %sub3A_874, %div3A_853 : i32
        %mul3A_876 = arith.constant 16 : i32
        %mul3A_877 = arith.muli %select_n3A_875, %mul3A_876 : i32
        %mul3A_878 = arith.constant 4 : i32
        %mul3A_879 = arith.muli %add3A_522, %mul3A_878 : i32
        %add3A_880 = arith.addi %mul3A_877, %mul3A_879 : i32
        %jit3A_881 = arith.constant 4 : i32
        %eq3A_882 = arith.constant 0 : i32
        %eq3A_883 = arith.cmpi eq, %jit3A_881, %eq3A_882 : i32
        %jit3A_884 = arith.constant 1 : i32
        %select_n3A_885 = arith.select %eq3A_883, %jit3A_884, %jit3A_881 : i32
        %rem3A_886 = arith.remsi %add3A_520, %select_n3A_885 : i32
        %ne3A_887 = arith.constant 0 : i32
        %ne3A_888 = arith.cmpi ne, %rem3A_886, %ne3A_887 : i32
        %lt3A_889 = arith.constant 0 : i32
        %lt3A_890 = arith.cmpi slt, %rem3A_886, %lt3A_889 : i32
        %lt3A_891 = arith.constant 0 : i32
        %lt3A_892 = arith.cmpi slt, %select_n3A_885, %lt3A_891 : i32
        %ne3A_893 = arith.xori %lt3A_890, %lt3A_892 : i1
        %and3A_894 = arith.andi %ne3A_893, %ne3A_888 : i1
        %add3A_895 = arith.addi %rem3A_886, %select_n3A_885 : i32
        %select_n3A_896 = arith.select %and3A_894, %add3A_895, %rem3A_886 : i32
        %add3A_897 = arith.addi %add3A_880, %select_n3A_896 : i32
        %jit3A_898 = arith.constant 4 : i32
        %div3A_899 = arith.divsi %add3A_556, %jit3A_898 : i32
        %sign3A_900 = arith.constant 0 : i32
        %sign3A_901 = arith.cmpi sgt, %add3A_556, %sign3A_900 : i32
        %sign3A_902 = arith.extui %sign3A_901 : i1 to i32
        %sign3A_903 = arith.constant 0 : i32
        %sign3A_904 = arith.cmpi slt, %add3A_556, %sign3A_903 : i32
        %sign3A_905 = arith.extui %sign3A_904 : i1 to i32
        %sign3A_906 = arith.subi %sign3A_902, %sign3A_905 : i32
        %sign3A_907 = arith.constant 0 : i32
        %sign3A_908 = arith.cmpi sgt, %jit3A_898, %sign3A_907 : i32
        %sign3A_909 = arith.extui %sign3A_908 : i1 to i32
        %sign3A_910 = arith.constant 0 : i32
        %sign3A_911 = arith.cmpi slt, %jit3A_898, %sign3A_910 : i32
        %sign3A_912 = arith.extui %sign3A_911 : i1 to i32
        %sign3A_913 = arith.subi %sign3A_909, %sign3A_912 : i32
        %ne3A_914 = arith.cmpi ne, %sign3A_906, %sign3A_913 : i32
        %rem3A_915 = arith.remsi %add3A_556, %jit3A_898 : i32
        %ne3A_916 = arith.constant 0 : i32
        %ne3A_917 = arith.cmpi ne, %rem3A_915, %ne3A_916 : i32
        %and3A_918 = arith.andi %ne3A_914, %ne3A_917 : i1
        %sub3A_919 = arith.constant 1 : i32
        %sub3A_920 = arith.subi %div3A_899, %sub3A_919 : i32
        %select_n3A_921 = arith.select %and3A_918, %sub3A_920, %div3A_899 : i32
        %mul3A_922 = arith.constant 16 : i32
        %mul3A_923 = arith.muli %select_n3A_921, %mul3A_922 : i32
        %mul3A_924 = arith.constant 4 : i32
        %mul3A_925 = arith.muli %add3A_558, %mul3A_924 : i32
        %add3A_926 = arith.addi %mul3A_923, %mul3A_925 : i32
        %jit3A_927 = arith.constant 4 : i32
        %eq3A_928 = arith.constant 0 : i32
        %eq3A_929 = arith.cmpi eq, %jit3A_927, %eq3A_928 : i32
        %jit3A_930 = arith.constant 1 : i32
        %select_n3A_931 = arith.select %eq3A_929, %jit3A_930, %jit3A_927 : i32
        %rem3A_932 = arith.remsi %add3A_556, %select_n3A_931 : i32
        %ne3A_933 = arith.constant 0 : i32
        %ne3A_934 = arith.cmpi ne, %rem3A_932, %ne3A_933 : i32
        %lt3A_935 = arith.constant 0 : i32
        %lt3A_936 = arith.cmpi slt, %rem3A_932, %lt3A_935 : i32
        %lt3A_937 = arith.constant 0 : i32
        %lt3A_938 = arith.cmpi slt, %select_n3A_931, %lt3A_937 : i32
        %ne3A_939 = arith.xori %lt3A_936, %lt3A_938 : i1
        %and3A_940 = arith.andi %ne3A_939, %ne3A_934 : i1
        %add3A_941 = arith.addi %rem3A_932, %select_n3A_931 : i32
        %select_n3A_942 = arith.select %and3A_940, %add3A_941, %rem3A_932 : i32
        %add3A_943 = arith.addi %add3A_926, %select_n3A_942 : i32
        %ne3A_944 = arith.cmpi ne, %add3A_897, %add3A_943 : i32
        %or3A_945 = arith.constant false
        %or3A_946 = arith.ori %or3A_945, %ne3A_944 : i1
        %or3A_947 = arith.constant false
        %or3A_948 = arith.ori %or3A_946, %or3A_947 : i1
        %or3A_949 = arith.ori %or3A_948, %eq3A_519 : i1
        %convert_element_type3A_950 = arith.extui %or3A_949 : i1 to i32
        %cond3A_951 = arith.constant 0 : i32
        %cond3A_952 = arith.cmpi ne, %convert_element_type3A_950, %cond3A_951 : i32
        scf.if %cond3A_952 {
          "tpu.trace_start"() <{level = 10 : i32, message = "ep_copy_out"}> : () -> ()
          %rem3A_1119 = arith.constant 2 : i32
          %rem3A_1120 = arith.remui %scan3A_512, %rem3A_1119 : i32
          %jit3A_1121 = arith.constant 4 : i32
          %div3A_1122 = arith.divsi %add3A_520, %jit3A_1121 : i32
          %sign3A_1123 = arith.constant 0 : i32
          %sign3A_1124 = arith.cmpi sgt, %add3A_520, %sign3A_1123 : i32
          %sign3A_1125 = arith.extui %sign3A_1124 : i1 to i32
          %sign3A_1126 = arith.constant 0 : i32
          %sign3A_1127 = arith.cmpi slt, %add3A_520, %sign3A_1126 : i32
          %sign3A_1128 = arith.extui %sign3A_1127 : i1 to i32
          %sign3A_1129 = arith.subi %sign3A_1125, %sign3A_1128 : i32
          %sign3A_1130 = arith.constant 0 : i32
          %sign3A_1131 = arith.cmpi sgt, %jit3A_1121, %sign3A_1130 : i32
          %sign3A_1132 = arith.extui %sign3A_1131 : i1 to i32
          %sign3A_1133 = arith.constant 0 : i32
          %sign3A_1134 = arith.cmpi slt, %jit3A_1121, %sign3A_1133 : i32
          %sign3A_1135 = arith.extui %sign3A_1134 : i1 to i32
          %sign3A_1136 = arith.subi %sign3A_1132, %sign3A_1135 : i32
          %ne3A_1137 = arith.cmpi ne, %sign3A_1129, %sign3A_1136 : i32
          %rem3A_1138 = arith.remsi %add3A_520, %jit3A_1121 : i32
          %ne3A_1139 = arith.constant 0 : i32
          %ne3A_1140 = arith.cmpi ne, %rem3A_1138, %ne3A_1139 : i32
          %and3A_1141 = arith.andi %ne3A_1137, %ne3A_1140 : i1
          %sub3A_1142 = arith.constant 1 : i32
          %sub3A_1143 = arith.subi %div3A_1122, %sub3A_1142 : i32
          %select_n3A_1144 = arith.select %and3A_1141, %sub3A_1143, %div3A_1122 : i32
          %mul3A_1145 = arith.constant 16 : i32
          %mul3A_1146 = arith.muli %select_n3A_1144, %mul3A_1145 : i32
          %mul3A_1147 = arith.constant 4 : i32
          %mul3A_1148 = arith.muli %add3A_522, %mul3A_1147 : i32
          %add3A_1149 = arith.addi %mul3A_1146, %mul3A_1148 : i32
          %jit3A_1150 = arith.constant 4 : i32
          %eq3A_1151 = arith.constant 0 : i32
          %eq3A_1152 = arith.cmpi eq, %jit3A_1150, %eq3A_1151 : i32
          %jit3A_1153 = arith.constant 1 : i32
          %select_n3A_1154 = arith.select %eq3A_1152, %jit3A_1153, %jit3A_1150 : i32
          %rem3A_1155 = arith.remsi %add3A_520, %select_n3A_1154 : i32
          %ne3A_1156 = arith.constant 0 : i32
          %ne3A_1157 = arith.cmpi ne, %rem3A_1155, %ne3A_1156 : i32
          %lt3A_1158 = arith.constant 0 : i32
          %lt3A_1159 = arith.cmpi slt, %rem3A_1155, %lt3A_1158 : i32
          %lt3A_1160 = arith.constant 0 : i32
          %lt3A_1161 = arith.cmpi slt, %select_n3A_1154, %lt3A_1160 : i32
          %ne3A_1162 = arith.xori %lt3A_1159, %lt3A_1161 : i1
          %and3A_1163 = arith.andi %ne3A_1162, %ne3A_1157 : i1
          %add3A_1164 = arith.addi %rem3A_1155, %select_n3A_1154 : i32
          %select_n3A_1165 = arith.select %and3A_1163, %add3A_1164, %rem3A_1155 : i32
          %add3A_1166 = arith.addi %add3A_1149, %select_n3A_1165 : i32
          %mul3A_1167 = arith.constant 64 : i32
          %mul3A_1168 = arith.muli %mul3A_1167, %add3A_1166 : i32
          %dma_start3A_1169 = arith.constant 0 : i32
          %dma_start3A_1170 = arith.constant 0 : i32
          %dma_start3A_1171 = tpu.memref_slice %run_scoped3A_286[%rem3A_1120, %dma_start3A_1169, %dma_start3A_1170] : memref<2x64x128xf32, #tpu.memory_space<vmem>> -> memref<1x64x128xf32, #tpu.memory_space<vmem>>
          %dma_start3A_1172 = tpu.memref_squeeze %dma_start3A_1171 : memref<1x64x128xf32, #tpu.memory_space<vmem>> -> memref<64x128xf32, #tpu.memory_space<vmem>>
          %dma_start3A_1173 = arith.constant 0 : i32
          %dma_start3A_1174 = tpu.memref_slice %arg4[%mul3A_1168, %dma_start3A_1173] : memref<204800x128xf32, #tpu.memory_space<hbm>> -> memref<64x128xf32, #tpu.memory_space<hbm>>
          %dma_start3A_1175 = tpu.memref_slice %run_scoped3A_287[%rem3A_1120] : memref<2x!tpu.dma_semaphore, #tpu.memory_space<semaphore_mem>> -> memref<1x!tpu.dma_semaphore, #tpu.memory_space<semaphore_mem>>
          %dma_start3A_1176 = tpu.memref_squeeze %dma_start3A_1175 : memref<1x!tpu.dma_semaphore, #tpu.memory_space<semaphore_mem>> -> memref<!tpu.dma_semaphore, #tpu.memory_space<semaphore_mem>>
          %dma_start3A_1177 = arith.constant 0 : i32
          %dma_start3A_1178 = tpu.memref_slice %arg4[%mul3A_1168, %dma_start3A_1177] : memref<204800x128xf32, #tpu.memory_space<hbm>> -> memref<64x128xf32, #tpu.memory_space<hbm>>
          %dma_start3A_1179 = arith.constant 0 : i32
          %dma_start3A_1180 = arith.constant 0 : i32
          %dma_start3A_1181 = tpu.memref_slice %run_scoped3A_286[%rem3A_1120, %dma_start3A_1179, %dma_start3A_1180] : memref<2x64x128xf32, #tpu.memory_space<vmem>> -> memref<1x64x128xf32, #tpu.memory_space<vmem>>
          %dma_start3A_1182 = tpu.memref_squeeze %dma_start3A_1181 : memref<1x64x128xf32, #tpu.memory_space<vmem>> -> memref<64x128xf32, #tpu.memory_space<vmem>>
          tpu.enqueue_dma source(%dma_start3A_1182 : memref<64x128xf32, #tpu.memory_space<vmem>>) target(%dma_start3A_1178 : memref<64x128xf32, #tpu.memory_space<hbm>>) target_semaphore(%dma_start3A_1176 : memref<!tpu.dma_semaphore, #tpu.memory_space<semaphore_mem>>)
          "tpu.trace_stop"() : () -> ()
        } else {
        }
        %and3A_953 = arith.constant true
        %and3A_954 = arith.andi %or3A_949, %and3A_953 : i1
        %add3A_955 = arith.constant 1 : i32
        %add3A_956 = arith.addi %scan3A_512, %add3A_955 : i32
        %select_n3A_957 = arith.select %and3A_954, %add3A_956, %scan3A_512 : i32
        %add3A_958 = arith.constant 1 : i32
        %add3A_959 = arith.addi %add3A_520, %add3A_958 : i32
        %min3A_960 = arith.constant 799 : i32
        %min3A_961 = arith.minsi %add3A_959, %min3A_960 : i32
        %add3A_962 = arith.constant 1 : i32
        %add3A_963 = arith.addi %add3A_538, %add3A_962 : i32
        %min3A_964 = arith.constant 799 : i32
        %min3A_965 = arith.minsi %add3A_963, %min3A_964 : i32
        %ne3A_966 = arith.cmpi ne, %min3A_961, %min3A_965 : i32
        %or3A_967 = arith.constant false
        %or3A_968 = arith.ori %or3A_967, %ne3A_966 : i1
        %or3A_969 = arith.constant false
        %or3A_970 = arith.ori %or3A_968, %or3A_969 : i1
        %not3A_971 = arith.constant true
        %not3A_972 = arith.xori %eq3A_517, %not3A_971 : i1
        %and3A_973 = arith.andi %or3A_970, %not3A_972 : i1
        %convert_element_type3A_974 = arith.extui %and3A_973 : i1 to i32
        %cond3A_975 = arith.constant 0 : i32
        %cond3A_976 = arith.cmpi ne, %convert_element_type3A_974, %cond3A_975 : i32
        scf.if %cond3A_976 {
        } else {
        }
        %and3A_977 = arith.constant false
        %and3A_978 = arith.andi %and3A_973, %and3A_977 : i1
        %jit3A_979 = arith.constant 4 : i32
        %div3A_980 = arith.divsi %add3A_520, %jit3A_979 : i32
        %sign3A_981 = arith.constant 0 : i32
        %sign3A_982 = arith.cmpi sgt, %add3A_520, %sign3A_981 : i32
        %sign3A_983 = arith.extui %sign3A_982 : i1 to i32
        %sign3A_984 = arith.constant 0 : i32
        %sign3A_985 = arith.cmpi slt, %add3A_520, %sign3A_984 : i32
        %sign3A_986 = arith.extui %sign3A_985 : i1 to i32
        %sign3A_987 = arith.subi %sign3A_983, %sign3A_986 : i32
        %sign3A_988 = arith.constant 0 : i32
        %sign3A_989 = arith.cmpi sgt, %jit3A_979, %sign3A_988 : i32
        %sign3A_990 = arith.extui %sign3A_989 : i1 to i32
        %sign3A_991 = arith.constant 0 : i32
        %sign3A_992 = arith.cmpi slt, %jit3A_979, %sign3A_991 : i32
        %sign3A_993 = arith.extui %sign3A_992 : i1 to i32
        %sign3A_994 = arith.subi %sign3A_990, %sign3A_993 : i32
        %ne3A_995 = arith.cmpi ne, %sign3A_987, %sign3A_994 : i32
        %rem3A_996 = arith.remsi %add3A_520, %jit3A_979 : i32
        %ne3A_997 = arith.constant 0 : i32
        %ne3A_998 = arith.cmpi ne, %rem3A_996, %ne3A_997 : i32
        %and3A_999 = arith.andi %ne3A_995, %ne3A_998 : i1
        %sub3A_1000 = arith.constant 1 : i32
        %sub3A_1001 = arith.subi %div3A_980, %sub3A_1000 : i32
        %select_n3A_1002 = arith.select %and3A_999, %sub3A_1001, %div3A_980 : i32
        %mul3A_1003 = arith.constant 16 : i32
        %mul3A_1004 = arith.muli %select_n3A_1002, %mul3A_1003 : i32
        %mul3A_1005 = arith.constant 4 : i32
        %mul3A_1006 = arith.muli %add3A_522, %mul3A_1005 : i32
        %add3A_1007 = arith.addi %mul3A_1004, %mul3A_1006 : i32
        %jit3A_1008 = arith.constant 4 : i32
        %eq3A_1009 = arith.constant 0 : i32
        %eq3A_1010 = arith.cmpi eq, %jit3A_1008, %eq3A_1009 : i32
        %jit3A_1011 = arith.constant 1 : i32
        %select_n3A_1012 = arith.select %eq3A_1010, %jit3A_1011, %jit3A_1008 : i32
        %rem3A_1013 = arith.remsi %add3A_520, %select_n3A_1012 : i32
        %ne3A_1014 = arith.constant 0 : i32
        %ne3A_1015 = arith.cmpi ne, %rem3A_1013, %ne3A_1014 : i32
        %lt3A_1016 = arith.constant 0 : i32
        %lt3A_1017 = arith.cmpi slt, %rem3A_1013, %lt3A_1016 : i32
        %lt3A_1018 = arith.constant 0 : i32
        %lt3A_1019 = arith.cmpi slt, %select_n3A_1012, %lt3A_1018 : i32
        %ne3A_1020 = arith.xori %lt3A_1017, %lt3A_1019 : i1
        %and3A_1021 = arith.andi %ne3A_1020, %ne3A_1015 : i1
        %add3A_1022 = arith.addi %rem3A_1013, %select_n3A_1012 : i32
        %select_n3A_1023 = arith.select %and3A_1021, %add3A_1022, %rem3A_1013 : i32
        %add3A_1024 = arith.addi %add3A_1007, %select_n3A_1023 : i32
        %jit3A_1025 = arith.constant 4 : i32
        %div3A_1026 = arith.divsi %add3A_538, %jit3A_1025 : i32
        %sign3A_1027 = arith.constant 0 : i32
        %sign3A_1028 = arith.cmpi sgt, %add3A_538, %sign3A_1027 : i32
        %sign3A_1029 = arith.extui %sign3A_1028 : i1 to i32
        %sign3A_1030 = arith.constant 0 : i32
        %sign3A_1031 = arith.cmpi slt, %add3A_538, %sign3A_1030 : i32
        %sign3A_1032 = arith.extui %sign3A_1031 : i1 to i32
        %sign3A_1033 = arith.subi %sign3A_1029, %sign3A_1032 : i32
        %sign3A_1034 = arith.constant 0 : i32
        %sign3A_1035 = arith.cmpi sgt, %jit3A_1025, %sign3A_1034 : i32
        %sign3A_1036 = arith.extui %sign3A_1035 : i1 to i32
        %sign3A_1037 = arith.constant 0 : i32
        %sign3A_1038 = arith.cmpi slt, %jit3A_1025, %sign3A_1037 : i32
        %sign3A_1039 = arith.extui %sign3A_1038 : i1 to i32
        %sign3A_1040 = arith.subi %sign3A_1036, %sign3A_1039 : i32
        %ne3A_1041 = arith.cmpi ne, %sign3A_1033, %sign3A_1040 : i32
        %rem3A_1042 = arith.remsi %add3A_538, %jit3A_1025 : i32
        %ne3A_1043 = arith.constant 0 : i32
        %ne3A_1044 = arith.cmpi ne, %rem3A_1042, %ne3A_1043 : i32
        %and3A_1045 = arith.andi %ne3A_1041, %ne3A_1044 : i1
        %sub3A_1046 = arith.constant 1 : i32
        %sub3A_1047 = arith.subi %div3A_1026, %sub3A_1046 : i32
        %select_n3A_1048 = arith.select %and3A_1045, %sub3A_1047, %div3A_1026 : i32
        %mul3A_1049 = arith.constant 16 : i32
        %mul3A_1050 = arith.muli %select_n3A_1048, %mul3A_1049 : i32
        %mul3A_1051 = arith.constant 4 : i32
        %mul3A_1052 = arith.muli %add3A_540, %mul3A_1051 : i32
        %add3A_1053 = arith.addi %mul3A_1050, %mul3A_1052 : i32
        %jit3A_1054 = arith.constant 4 : i32
        %eq3A_1055 = arith.constant 0 : i32
        %eq3A_1056 = arith.cmpi eq, %jit3A_1054, %eq3A_1055 : i32
        %jit3A_1057 = arith.constant 1 : i32
        %select_n3A_1058 = arith.select %eq3A_1056, %jit3A_1057, %jit3A_1054 : i32
        %rem3A_1059 = arith.remsi %add3A_538, %select_n3A_1058 : i32
        %ne3A_1060 = arith.constant 0 : i32
        %ne3A_1061 = arith.cmpi ne, %rem3A_1059, %ne3A_1060 : i32
        %lt3A_1062 = arith.constant 0 : i32
        %lt3A_1063 = arith.cmpi slt, %rem3A_1059, %lt3A_1062 : i32
        %lt3A_1064 = arith.constant 0 : i32
        %lt3A_1065 = arith.cmpi slt, %select_n3A_1058, %lt3A_1064 : i32
        %ne3A_1066 = arith.xori %lt3A_1063, %lt3A_1065 : i1
        %and3A_1067 = arith.andi %ne3A_1066, %ne3A_1061 : i1
        %add3A_1068 = arith.addi %rem3A_1059, %select_n3A_1058 : i32
        %select_n3A_1069 = arith.select %and3A_1067, %add3A_1068, %rem3A_1059 : i32
        %add3A_1070 = arith.addi %add3A_1053, %select_n3A_1069 : i32
        %ne3A_1071 = arith.cmpi ne, %add3A_1024, %add3A_1070 : i32
        %or3A_1072 = arith.constant false
        %or3A_1073 = arith.ori %or3A_1072, %ne3A_1071 : i1
        %or3A_1074 = arith.constant false
        %or3A_1075 = arith.ori %or3A_1073, %or3A_1074 : i1
        %not3A_1076 = arith.constant true
        %not3A_1077 = arith.xori %eq3A_517, %not3A_1076 : i1
        %and3A_1078 = arith.andi %or3A_1075, %not3A_1077 : i1
        %convert_element_type3A_1079 = arith.extui %and3A_1078 : i1 to i32
        %cond3A_1080 = arith.constant 0 : i32
        %cond3A_1081 = arith.cmpi ne, %convert_element_type3A_1079, %cond3A_1080 : i32
        scf.if %cond3A_1081 {
          "tpu.trace_start"() <{level = 10 : i32, message = "ep_wait_out"}> : () -> ()
          %rem3A_1119 = arith.constant 2 : i32
          %rem3A_1120 = arith.remui %scan3A_513, %rem3A_1119 : i32
          %jit3A_1121 = arith.constant 4 : i32
          %div3A_1122 = arith.divsi %add3A_538, %jit3A_1121 : i32
          %sign3A_1123 = arith.constant 0 : i32
          %sign3A_1124 = arith.cmpi sgt, %add3A_538, %sign3A_1123 : i32
          %sign3A_1125 = arith.extui %sign3A_1124 : i1 to i32
          %sign3A_1126 = arith.constant 0 : i32
          %sign3A_1127 = arith.cmpi slt, %add3A_538, %sign3A_1126 : i32
          %sign3A_1128 = arith.extui %sign3A_1127 : i1 to i32
          %sign3A_1129 = arith.subi %sign3A_1125, %sign3A_1128 : i32
          %sign3A_1130 = arith.constant 0 : i32
          %sign3A_1131 = arith.cmpi sgt, %jit3A_1121, %sign3A_1130 : i32
          %sign3A_1132 = arith.extui %sign3A_1131 : i1 to i32
          %sign3A_1133 = arith.constant 0 : i32
          %sign3A_1134 = arith.cmpi slt, %jit3A_1121, %sign3A_1133 : i32
          %sign3A_1135 = arith.extui %sign3A_1134 : i1 to i32
          %sign3A_1136 = arith.subi %sign3A_1132, %sign3A_1135 : i32
          %ne3A_1137 = arith.cmpi ne, %sign3A_1129, %sign3A_1136 : i32
          %rem3A_1138 = arith.remsi %add3A_538, %jit3A_1121 : i32
          %ne3A_1139 = arith.constant 0 : i32
          %ne3A_1140 = arith.cmpi ne, %rem3A_1138, %ne3A_1139 : i32
          %and3A_1141 = arith.andi %ne3A_1137, %ne3A_1140 : i1
          %sub3A_1142 = arith.constant 1 : i32
          %sub3A_1143 = arith.subi %div3A_1122, %sub3A_1142 : i32
          %select_n3A_1144 = arith.select %and3A_1141, %sub3A_1143, %div3A_1122 : i32
          %mul3A_1145 = arith.constant 16 : i32
          %mul3A_1146 = arith.muli %select_n3A_1144, %mul3A_1145 : i32
          %mul3A_1147 = arith.constant 4 : i32
          %mul3A_1148 = arith.muli %add3A_540, %mul3A_1147 : i32
          %add3A_1149 = arith.addi %mul3A_1146, %mul3A_1148 : i32
          %jit3A_1150 = arith.constant 4 : i32
          %eq3A_1151 = arith.constant 0 : i32
          %eq3A_1152 = arith.cmpi eq, %jit3A_1150, %eq3A_1151 : i32
          %jit3A_1153 = arith.constant 1 : i32
          %select_n3A_1154 = arith.select %eq3A_1152, %jit3A_1153, %jit3A_1150 : i32
          %rem3A_1155 = arith.remsi %add3A_538, %select_n3A_1154 : i32
          %ne3A_1156 = arith.constant 0 : i32
          %ne3A_1157 = arith.cmpi ne, %rem3A_1155, %ne3A_1156 : i32
          %lt3A_1158 = arith.constant 0 : i32
          %lt3A_1159 = arith.cmpi slt, %rem3A_1155, %lt3A_1158 : i32
          %lt3A_1160 = arith.constant 0 : i32
          %lt3A_1161 = arith.cmpi slt, %select_n3A_1154, %lt3A_1160 : i32
          %ne3A_1162 = arith.xori %lt3A_1159, %lt3A_1161 : i1
          %and3A_1163 = arith.andi %ne3A_1162, %ne3A_1157 : i1
          %add3A_1164 = arith.addi %rem3A_1155, %select_n3A_1154 : i32
          %select_n3A_1165 = arith.select %and3A_1163, %add3A_1164, %rem3A_1155 : i32
          %add3A_1166 = arith.addi %add3A_1149, %select_n3A_1165 : i32
          %mul3A_1167 = arith.constant 64 : i32
          %mul3A_1168 = arith.muli %mul3A_1167, %add3A_1166 : i32
          %dma_wait3A_1169 = arith.constant 0 : i32
          %dma_wait3A_1170 = arith.constant 0 : i32
          %dma_wait3A_1171 = tpu.memref_slice %run_scoped3A_286[%rem3A_1120, %dma_wait3A_1169, %dma_wait3A_1170] : memref<2x64x128xf32, #tpu.memory_space<vmem>> -> memref<1x64x128xf32, #tpu.memory_space<vmem>>
          %dma_wait3A_1172 = tpu.memref_squeeze %dma_wait3A_1171 : memref<1x64x128xf32, #tpu.memory_space<vmem>> -> memref<64x128xf32, #tpu.memory_space<vmem>>
          %dma_wait3A_1173 = arith.constant 0 : i32
          %dma_wait3A_1174 = tpu.memref_slice %arg4[%mul3A_1168, %dma_wait3A_1173] : memref<204800x128xf32, #tpu.memory_space<hbm>> -> memref<64x128xf32, #tpu.memory_space<hbm>>
          %dma_wait3A_1175 = tpu.memref_slice %run_scoped3A_287[%rem3A_1120] : memref<2x!tpu.dma_semaphore, #tpu.memory_space<semaphore_mem>> -> memref<1x!tpu.dma_semaphore, #tpu.memory_space<semaphore_mem>>
          %dma_wait3A_1176 = tpu.memref_squeeze %dma_wait3A_1175 : memref<1x!tpu.dma_semaphore, #tpu.memory_space<semaphore_mem>> -> memref<!tpu.dma_semaphore, #tpu.memory_space<semaphore_mem>>
          %dma_wait3A_1177 = arith.constant 0 : i32
          %dma_wait3A_1178 = tpu.memref_slice %arg4[%mul3A_1168, %dma_wait3A_1177] : memref<204800x128xf32, #tpu.memory_space<hbm>> -> memref<64x128xf32, #tpu.memory_space<hbm>>
          %dma_wait3A_1179 = arith.constant 0 : i32
          %dma_wait3A_1180 = arith.constant 0 : i32
          %dma_wait3A_1181 = tpu.memref_slice %run_scoped3A_286[%rem3A_1120, %dma_wait3A_1179, %dma_wait3A_1180] : memref<2x64x128xf32, #tpu.memory_space<vmem>> -> memref<1x64x128xf32, #tpu.memory_space<vmem>>
          %dma_wait3A_1182 = tpu.memref_squeeze %dma_wait3A_1181 : memref<1x64x128xf32, #tpu.memory_space<vmem>> -> memref<64x128xf32, #tpu.memory_space<vmem>>
          tpu.wait_dma2 semaphore(%dma_wait3A_1176 : memref<!tpu.dma_semaphore, #tpu.memory_space<semaphore_mem>>) src(%dma_wait3A_1182 : memref<64x128xf32, #tpu.memory_space<vmem>>) dst(%dma_wait3A_1178 : memref<64x128xf32, #tpu.memory_space<hbm>>)
          "tpu.trace_stop"() : () -> ()
        } else {
        }
        %and3A_1082 = arith.constant true
        %and3A_1083 = arith.andi %and3A_1078, %and3A_1082 : i1
        %add3A_1084 = arith.constant 1 : i32
        %add3A_1085 = arith.addi %scan3A_513, %add3A_1084 : i32
        %select_n3A_1086 = arith.select %and3A_1083, %add3A_1085, %scan3A_513 : i32
        %add3A_1087 = arith.constant 1 : i32
        %add3A_1088 = arith.addi %add3A_520, %add3A_1087 : i32
        %min3A_1089 = arith.constant 799 : i32
        %min3A_1090 = arith.minsi %add3A_1088, %min3A_1089 : i32
        %add3A_1091 = arith.constant 1 : i32
        %add3A_1092 = arith.addi %add3A_556, %add3A_1091 : i32
        %min3A_1093 = arith.constant 799 : i32
        %min3A_1094 = arith.minsi %add3A_1092, %min3A_1093 : i32
        %ne3A_1095 = arith.cmpi ne, %min3A_1090, %min3A_1094 : i32
        %or3A_1096 = arith.constant false
        %or3A_1097 = arith.ori %or3A_1096, %ne3A_1095 : i1
        %or3A_1098 = arith.constant false
        %or3A_1099 = arith.ori %or3A_1097, %or3A_1098 : i1
        %or3A_1100 = arith.ori %or3A_1099, %eq3A_519 : i1
        %add3A_1101 = arith.constant 1 : i32
        %add3A_1102 = arith.addi %scan3A_511, %add3A_1101 : i32
        %select_n3A_1103 = arith.select %or3A_1100, %add3A_1102, %scan3A_511 : i32
        %add3A_1104 = arith.constant 1 : i32
        %add3A_1105 = arith.addi %scan3A_515, %add3A_1104 : i32
        %select_n3A_1106 = arith.constant true
        %select_n3A_1107 = arith.select %select_n3A_1106, %add3A_1105, %scan3A_515 : i32
        %eq3A_1108 = arith.constant 4 : i32
        %eq3A_1109 = arith.cmpi eq, %select_n3A_1107, %eq3A_1108 : i32
        %select_n3A_1110 = arith.constant 0 : i32
        %select_n3A_1111 = arith.select %eq3A_1109, %select_n3A_1110, %select_n3A_1107 : i32
        %add3A_1112 = arith.constant 1 : i32
        %add3A_1113 = arith.addi %scan3A_514, %add3A_1112 : i32
        %select_n3A_1114 = arith.select %eq3A_1109, %add3A_1113, %scan3A_514 : i32
        %eq3A_1115 = arith.constant 25 : i32
        %eq3A_1116 = arith.cmpi eq, %select_n3A_1114, %eq3A_1115 : i32
        %select_n3A_1117 = arith.constant 0 : i32
        %select_n3A_1118 = arith.select %eq3A_1116, %select_n3A_1117, %select_n3A_1114 : i32
        scf.yield %select_n3A_597, %select_n3A_1103, %select_n3A_957, %select_n3A_1086, %select_n3A_1118, %select_n3A_1111 : i32, i32, i32, i32, i32, i32
      }
      %scan3A_378 = arith.constant 100 : i32
      %sub3A = arith.constant 1 : i32
      %sub3A_379 = arith.subi %scan3A_377#5, %sub3A : i32
      %select_n3A_380 = arith.constant true
      %select_n3A_381 = arith.select %select_n3A_380, %sub3A_379, %scan3A_377#5 : i32
      %eq3A_382 = arith.constant -1 : i32
      %eq3A_383 = arith.cmpi eq, %select_n3A_381, %eq3A_382 : i32
      %select_n3A_384 = arith.constant 3 : i32
      %select_n3A_385 = arith.select %eq3A_383, %select_n3A_384, %select_n3A_381 : i32
      %sub3A_386 = arith.constant 1 : i32
      %sub3A_387 = arith.subi %scan3A_377#4, %sub3A_386 : i32
      %select_n3A_388 = arith.select %eq3A_383, %sub3A_387, %scan3A_377#4 : i32
      %eq3A_389 = arith.constant -1 : i32
      %eq3A_390 = arith.cmpi eq, %select_n3A_388, %eq3A_389 : i32
      %select_n3A_391 = arith.constant 24 : i32
      %select_n3A_392 = arith.select %eq3A_390, %select_n3A_391, %select_n3A_388 : i32
      %add3A_393 = arith.addi %select_n3A_392, %mul3A_142 : i32
      %add3A_394 = arith.constant 0 : i32
      %add3A_395 = arith.addi %select_n3A_385, %add3A_394 : i32
      %sub3A_396 = arith.constant 1 : i32
      %sub3A_397 = arith.subi %select_n3A_385, %sub3A_396 : i32
      %select_n3A_398 = arith.constant true
      %select_n3A_399 = arith.select %select_n3A_398, %sub3A_397, %select_n3A_385 : i32
      %eq3A_400 = arith.constant -1 : i32
      %eq3A_401 = arith.cmpi eq, %select_n3A_399, %eq3A_400 : i32
      %select_n3A_402 = arith.constant 3 : i32
      %select_n3A_403 = arith.select %eq3A_401, %select_n3A_402, %select_n3A_399 : i32
      %sub3A_404 = arith.constant 1 : i32
      %sub3A_405 = arith.subi %select_n3A_392, %sub3A_404 : i32
      %select_n3A_406 = arith.select %eq3A_401, %sub3A_405, %select_n3A_392 : i32
      %eq3A_407 = arith.constant -1 : i32
      %eq3A_408 = arith.cmpi eq, %select_n3A_406, %eq3A_407 : i32
      %select_n3A_409 = arith.constant 24 : i32
      %select_n3A_410 = arith.select %eq3A_408, %select_n3A_409, %select_n3A_406 : i32
      %add3A_411 = arith.addi %select_n3A_410, %mul3A_142 : i32
      %add3A_412 = arith.constant 0 : i32
      %add3A_413 = arith.addi %select_n3A_403, %add3A_412 : i32
      %add3A_414 = arith.constant 1 : i32
      %add3A_415 = arith.addi %select_n3A_385, %add3A_414 : i32
      %select_n3A_416 = arith.constant true
      %select_n3A_417 = arith.select %select_n3A_416, %add3A_415, %select_n3A_385 : i32
      %eq3A_418 = arith.constant 4 : i32
      %eq3A_419 = arith.cmpi eq, %select_n3A_417, %eq3A_418 : i32
      %select_n3A_420 = arith.constant 0 : i32
      %select_n3A_421 = arith.select %eq3A_419, %select_n3A_420, %select_n3A_417 : i32
      %add3A_422 = arith.constant 1 : i32
      %add3A_423 = arith.addi %select_n3A_392, %add3A_422 : i32
      %select_n3A_424 = arith.select %eq3A_419, %add3A_423, %select_n3A_392 : i32
      %eq3A_425 = arith.constant 25 : i32
      %eq3A_426 = arith.cmpi eq, %select_n3A_424, %eq3A_425 : i32
      %select_n3A_427 = arith.constant 0 : i32
      %select_n3A_428 = arith.select %eq3A_426, %select_n3A_427, %select_n3A_424 : i32
      %add3A_429 = arith.addi %select_n3A_428, %mul3A_142 : i32
      %add3A_430 = arith.constant 0 : i32
      %add3A_431 = arith.addi %select_n3A_421, %add3A_430 : i32
      %add3A_432 = arith.constant 1 : i32
      %add3A_433 = arith.addi %select_n3A_421, %add3A_432 : i32
      %select_n3A_434 = arith.constant true
      %select_n3A_435 = arith.select %select_n3A_434, %add3A_433, %select_n3A_421 : i32
      %eq3A_436 = arith.constant 4 : i32
      %eq3A_437 = arith.cmpi eq, %select_n3A_435, %eq3A_436 : i32
      %select_n3A_438 = arith.constant 0 : i32
      %select_n3A_439 = arith.select %eq3A_437, %select_n3A_438, %select_n3A_435 : i32
      %add3A_440 = arith.constant 1 : i32
      %add3A_441 = arith.addi %select_n3A_428, %add3A_440 : i32
      %select_n3A_442 = arith.select %eq3A_437, %add3A_441, %select_n3A_428 : i32
      %eq3A_443 = arith.constant 25 : i32
      %eq3A_444 = arith.cmpi eq, %select_n3A_442, %eq3A_443 : i32
      %select_n3A_445 = arith.constant 0 : i32
      %select_n3A_446 = arith.select %eq3A_444, %select_n3A_445, %select_n3A_442 : i32
      %add3A_447 = arith.addi %select_n3A_446, %mul3A_142 : i32
      %add3A_448 = arith.constant 0 : i32
      %add3A_449 = arith.addi %select_n3A_439, %add3A_448 : i32
      "tpu.trace_start"() <{level = 10 : i32, message = "ep_finalize"}> : () -> ()
      %rem3A_450 = arith.constant 2 : i32
      %rem3A_451 = arith.remui %scan3A_377#3, %rem3A_450 : i32
      %jit3A = arith.constant 4 : i32
      %div3A = arith.divsi %add3A_393, %jit3A : i32
      %sign3A = arith.constant 0 : i32
      %sign3A_452 = arith.cmpi sgt, %add3A_393, %sign3A : i32
      %sign3A_453 = arith.extui %sign3A_452 : i1 to i32
      %sign3A_454 = arith.constant 0 : i32
      %sign3A_455 = arith.cmpi slt, %add3A_393, %sign3A_454 : i32
      %sign3A_456 = arith.extui %sign3A_455 : i1 to i32
      %sign3A_457 = arith.subi %sign3A_453, %sign3A_456 : i32
      %sign3A_458 = arith.constant 0 : i32
      %sign3A_459 = arith.cmpi sgt, %jit3A, %sign3A_458 : i32
      %sign3A_460 = arith.extui %sign3A_459 : i1 to i32
      %sign3A_461 = arith.constant 0 : i32
      %sign3A_462 = arith.cmpi slt, %jit3A, %sign3A_461 : i32
      %sign3A_463 = arith.extui %sign3A_462 : i1 to i32
      %sign3A_464 = arith.subi %sign3A_460, %sign3A_463 : i32
      %ne3A = arith.cmpi ne, %sign3A_457, %sign3A_464 : i32
      %rem3A_465 = arith.remsi %add3A_393, %jit3A : i32
      %ne3A_466 = arith.constant 0 : i32
      %ne3A_467 = arith.cmpi ne, %rem3A_465, %ne3A_466 : i32
      %and3A_468 = arith.andi %ne3A, %ne3A_467 : i1
      %sub3A_469 = arith.constant 1 : i32
      %sub3A_470 = arith.subi %div3A, %sub3A_469 : i32
      %select_n3A_471 = arith.select %and3A_468, %sub3A_470, %div3A : i32
      %mul3A_472 = arith.constant 16 : i32
      %mul3A_473 = arith.muli %select_n3A_471, %mul3A_472 : i32
      %mul3A_474 = arith.constant 4 : i32
      %mul3A_475 = arith.muli %add3A_395, %mul3A_474 : i32
      %add3A_476 = arith.addi %mul3A_473, %mul3A_475 : i32
      %jit3A_477 = arith.constant 4 : i32
      %eq3A_478 = arith.constant 0 : i32
      %eq3A_479 = arith.cmpi eq, %jit3A_477, %eq3A_478 : i32
      %jit3A_480 = arith.constant 1 : i32
      %select_n3A_481 = arith.select %eq3A_479, %jit3A_480, %jit3A_477 : i32
      %rem3A_482 = arith.remsi %add3A_393, %select_n3A_481 : i32
      %ne3A_483 = arith.constant 0 : i32
      %ne3A_484 = arith.cmpi ne, %rem3A_482, %ne3A_483 : i32
      %lt3A = arith.constant 0 : i32
      %lt3A_485 = arith.cmpi slt, %rem3A_482, %lt3A : i32
      %lt3A_486 = arith.constant 0 : i32
      %lt3A_487 = arith.cmpi slt, %select_n3A_481, %lt3A_486 : i32
      %ne3A_488 = arith.xori %lt3A_485, %lt3A_487 : i1
      %and3A_489 = arith.andi %ne3A_488, %ne3A_484 : i1
      %add3A_490 = arith.addi %rem3A_482, %select_n3A_481 : i32
      %select_n3A_491 = arith.select %and3A_489, %add3A_490, %rem3A_482 : i32
      %add3A_492 = arith.addi %add3A_476, %select_n3A_491 : i32
      %mul3A_493 = arith.constant 64 : i32
      %mul3A_494 = arith.muli %mul3A_493, %add3A_492 : i32
      %dma_wait3A_495 = arith.constant 0 : i32
      %dma_wait3A_496 = arith.constant 0 : i32
      %dma_wait3A_497 = tpu.memref_slice %run_scoped3A_286[%rem3A_451, %dma_wait3A_495, %dma_wait3A_496] : memref<2x64x128xf32, #tpu.memory_space<vmem>> -> memref<1x64x128xf32, #tpu.memory_space<vmem>>
      %dma_wait3A_498 = tpu.memref_squeeze %dma_wait3A_497 : memref<1x64x128xf32, #tpu.memory_space<vmem>> -> memref<64x128xf32, #tpu.memory_space<vmem>>
      %dma_wait3A_499 = arith.constant 0 : i32
      %dma_wait3A_500 = tpu.memref_slice %arg4[%mul3A_494, %dma_wait3A_499] : memref<204800x128xf32, #tpu.memory_space<hbm>> -> memref<64x128xf32, #tpu.memory_space<hbm>>
      %dma_wait3A_501 = tpu.memref_slice %run_scoped3A_287[%rem3A_451] : memref<2x!tpu.dma_semaphore, #tpu.memory_space<semaphore_mem>> -> memref<1x!tpu.dma_semaphore, #tpu.memory_space<semaphore_mem>>
      %dma_wait3A_502 = tpu.memref_squeeze %dma_wait3A_501 : memref<1x!tpu.dma_semaphore, #tpu.memory_space<semaphore_mem>> -> memref<!tpu.dma_semaphore, #tpu.memory_space<semaphore_mem>>
      %dma_wait3A_503 = arith.constant 0 : i32
      %dma_wait3A_504 = tpu.memref_slice %arg4[%mul3A_494, %dma_wait3A_503] : memref<204800x128xf32, #tpu.memory_space<hbm>> -> memref<64x128xf32, #tpu.memory_space<hbm>>
      %dma_wait3A_505 = arith.constant 0 : i32
      %dma_wait3A_506 = arith.constant 0 : i32
      %dma_wait3A_507 = tpu.memref_slice %run_scoped3A_286[%rem3A_451, %dma_wait3A_505, %dma_wait3A_506] : memref<2x64x128xf32, #tpu.memory_space<vmem>> -> memref<1x64x128xf32, #tpu.memory_space<vmem>>
      %dma_wait3A_508 = tpu.memref_squeeze %dma_wait3A_507 : memref<1x64x128xf32, #tpu.memory_space<vmem>> -> memref<64x128xf32, #tpu.memory_space<vmem>>
      tpu.wait_dma2 semaphore(%dma_wait3A_502 : memref<!tpu.dma_semaphore, #tpu.memory_space<semaphore_mem>>) src(%dma_wait3A_508 : memref<64x128xf32, #tpu.memory_space<vmem>>) dst(%dma_wait3A_504 : memref<64x128xf32, #tpu.memory_space<hbm>>)
      "tpu.trace_stop"() : () -> ()
      tpu.yield
    }) : () -> ()
    %add3A_143 = arith.constant 25 : i32
    %add3A_144 = arith.addi %mul3A_2, %add3A_143 : i32
    %and3A_145 = arith.constant 1 : i32
    %and3A_146 = arith.andi %add3A_144, %and3A_145 : i32
    %mul3A_147 = arith.constant 1024 : i32
    %mul3A_148 = arith.muli %and3A_146, %mul3A_147 : i32
    %add3A_149 = arith.constant 0 : i32
    %add3A_150 = arith.addi %mul3A_148, %add3A_149 : i32
    %add3A_151 = arith.constant 25 : i32
    %add3A_152 = arith.addi %mul3A_2, %add3A_151 : i32
    %and3A_153 = arith.constant 1 : i32
    %and3A_154 = arith.andi %add3A_152, %and3A_153 : i32
    %dma_wait3A_155 = arith.constant 0 : i32
    %dma_wait3A_156 = arith.constant 0 : i32
    %dma_wait3A_157 = tpu.memref_slice %arg5[%add3A_150, %dma_wait3A_156] : memref<2048x32xf32, #tpu.memory_space<vmem>> -> memref<128x32xf32, #tpu.memory_space<vmem>>
    %dma_wait3A_158 = arith.constant 0 : i32
    %dma_wait3A_159 = tpu.memref_slice %arg6[%dma_wait3A_155, %dma_wait3A_158] : memref<8x128xi32, #tpu.memory_space<vmem>> -> memref<1x128xi32, #tpu.memory_space<vmem>>
    %dma_wait3A_160 = tpu.memref_squeeze %dma_wait3A_159 : memref<1x128xi32, #tpu.memory_space<vmem>> -> memref<128xi32, #tpu.memory_space<vmem>>
    %dma_wait3A_161 = arith.constant 0 : i32
    %dma_wait3A_162 = arith.constant 0 : i32
    %dma_wait3A_163 = tpu.memref_slice %arg2[%dma_wait3A_161, %dma_wait3A_162] : memref<1001472x32xf32, #tpu.memory_space<hbm>> -> memref<1001472x32xf32, #tpu.memory_space<hbm>>
    %dma_wait3A_164 = tpu.memref_slice %arg7[%and3A_154] : memref<2x!tpu.dma_semaphore, #tpu.memory_space<semaphore_mem>> -> memref<1x!tpu.dma_semaphore, #tpu.memory_space<semaphore_mem>>
    %dma_wait3A_165 = tpu.memref_squeeze %dma_wait3A_164 : memref<1x!tpu.dma_semaphore, #tpu.memory_space<semaphore_mem>> -> memref<!tpu.dma_semaphore, #tpu.memory_space<semaphore_mem>>
    tpu.wait_indirect_dma semaphore(%dma_wait3A_165 : memref<!tpu.dma_semaphore, #tpu.memory_space<semaphore_mem>>) src(%dma_wait3A_163 : memref<1001472x32xf32, #tpu.memory_space<hbm>>) dst(%dma_wait3A_157 : memref<128x32xf32, #tpu.memory_space<vmem>>)
    %add3A_166 = arith.constant 128 : i32
    %add3A_167 = arith.addi %mul3A_148, %add3A_166 : i32
    %add3A_168 = arith.constant 25 : i32
    %add3A_169 = arith.addi %mul3A_2, %add3A_168 : i32
    %and3A_170 = arith.constant 1 : i32
    %and3A_171 = arith.andi %add3A_169, %and3A_170 : i32
    %dma_wait3A_172 = arith.constant 1 : i32
    %dma_wait3A_173 = arith.constant 0 : i32
    %dma_wait3A_174 = tpu.memref_slice %arg5[%add3A_167, %dma_wait3A_173] : memref<2048x32xf32, #tpu.memory_space<vmem>> -> memref<128x32xf32, #tpu.memory_space<vmem>>
    %dma_wait3A_175 = arith.constant 0 : i32
    %dma_wait3A_176 = tpu.memref_slice %arg6[%dma_wait3A_172, %dma_wait3A_175] : memref<8x128xi32, #tpu.memory_space<vmem>> -> memref<1x128xi32, #tpu.memory_space<vmem>>
    %dma_wait3A_177 = tpu.memref_squeeze %dma_wait3A_176 : memref<1x128xi32, #tpu.memory_space<vmem>> -> memref<128xi32, #tpu.memory_space<vmem>>
    %dma_wait3A_178 = arith.constant 0 : i32
    %dma_wait3A_179 = arith.constant 0 : i32
    %dma_wait3A_180 = tpu.memref_slice %arg2[%dma_wait3A_178, %dma_wait3A_179] : memref<1001472x32xf32, #tpu.memory_space<hbm>> -> memref<1001472x32xf32, #tpu.memory_space<hbm>>
    %dma_wait3A_181 = tpu.memref_slice %arg7[%and3A_171] : memref<2x!tpu.dma_semaphore, #tpu.memory_space<semaphore_mem>> -> memref<1x!tpu.dma_semaphore, #tpu.memory_space<semaphore_mem>>
    %dma_wait3A_182 = tpu.memref_squeeze %dma_wait3A_181 : memref<1x!tpu.dma_semaphore, #tpu.memory_space<semaphore_mem>> -> memref<!tpu.dma_semaphore, #tpu.memory_space<semaphore_mem>>
    tpu.wait_indirect_dma semaphore(%dma_wait3A_182 : memref<!tpu.dma_semaphore, #tpu.memory_space<semaphore_mem>>) src(%dma_wait3A_180 : memref<1001472x32xf32, #tpu.memory_space<hbm>>) dst(%dma_wait3A_174 : memref<128x32xf32, #tpu.memory_space<vmem>>)
    %add3A_183 = arith.constant 256 : i32
    %add3A_184 = arith.addi %mul3A_148, %add3A_183 : i32
    %add3A_185 = arith.constant 25 : i32
    %add3A_186 = arith.addi %mul3A_2, %add3A_185 : i32
    %and3A_187 = arith.constant 1 : i32
    %and3A_188 = arith.andi %add3A_186, %and3A_187 : i32
    %dma_wait3A_189 = arith.constant 2 : i32
    %dma_wait3A_190 = arith.constant 0 : i32
    %dma_wait3A_191 = tpu.memref_slice %arg5[%add3A_184, %dma_wait3A_190] : memref<2048x32xf32, #tpu.memory_space<vmem>> -> memref<128x32xf32, #tpu.memory_space<vmem>>
    %dma_wait3A_192 = arith.constant 0 : i32
    %dma_wait3A_193 = tpu.memref_slice %arg6[%dma_wait3A_189, %dma_wait3A_192] : memref<8x128xi32, #tpu.memory_space<vmem>> -> memref<1x128xi32, #tpu.memory_space<vmem>>
    %dma_wait3A_194 = tpu.memref_squeeze %dma_wait3A_193 : memref<1x128xi32, #tpu.memory_space<vmem>> -> memref<128xi32, #tpu.memory_space<vmem>>
    %dma_wait3A_195 = arith.constant 0 : i32
    %dma_wait3A_196 = arith.constant 0 : i32
    %dma_wait3A_197 = tpu.memref_slice %arg2[%dma_wait3A_195, %dma_wait3A_196] : memref<1001472x32xf32, #tpu.memory_space<hbm>> -> memref<1001472x32xf32, #tpu.memory_space<hbm>>
    %dma_wait3A_198 = tpu.memref_slice %arg7[%and3A_188] : memref<2x!tpu.dma_semaphore, #tpu.memory_space<semaphore_mem>> -> memref<1x!tpu.dma_semaphore, #tpu.memory_space<semaphore_mem>>
    %dma_wait3A_199 = tpu.memref_squeeze %dma_wait3A_198 : memref<1x!tpu.dma_semaphore, #tpu.memory_space<semaphore_mem>> -> memref<!tpu.dma_semaphore, #tpu.memory_space<semaphore_mem>>
    tpu.wait_indirect_dma semaphore(%dma_wait3A_199 : memref<!tpu.dma_semaphore, #tpu.memory_space<semaphore_mem>>) src(%dma_wait3A_197 : memref<1001472x32xf32, #tpu.memory_space<hbm>>) dst(%dma_wait3A_191 : memref<128x32xf32, #tpu.memory_space<vmem>>)
    %add3A_200 = arith.constant 384 : i32
    %add3A_201 = arith.addi %mul3A_148, %add3A_200 : i32
    %add3A_202 = arith.constant 25 : i32
    %add3A_203 = arith.addi %mul3A_2, %add3A_202 : i32
    %and3A_204 = arith.constant 1 : i32
    %and3A_205 = arith.andi %add3A_203, %and3A_204 : i32
    %dma_wait3A_206 = arith.constant 3 : i32
    %dma_wait3A_207 = arith.constant 0 : i32
    %dma_wait3A_208 = tpu.memref_slice %arg5[%add3A_201, %dma_wait3A_207] : memref<2048x32xf32, #tpu.memory_space<vmem>> -> memref<128x32xf32, #tpu.memory_space<vmem>>
    %dma_wait3A_209 = arith.constant 0 : i32
    %dma_wait3A_210 = tpu.memref_slice %arg6[%dma_wait3A_206, %dma_wait3A_209] : memref<8x128xi32, #tpu.memory_space<vmem>> -> memref<1x128xi32, #tpu.memory_space<vmem>>
    %dma_wait3A_211 = tpu.memref_squeeze %dma_wait3A_210 : memref<1x128xi32, #tpu.memory_space<vmem>> -> memref<128xi32, #tpu.memory_space<vmem>>
    %dma_wait3A_212 = arith.constant 0 : i32
    %dma_wait3A_213 = arith.constant 0 : i32
    %dma_wait3A_214 = tpu.memref_slice %arg2[%dma_wait3A_212, %dma_wait3A_213] : memref<1001472x32xf32, #tpu.memory_space<hbm>> -> memref<1001472x32xf32, #tpu.memory_space<hbm>>
    %dma_wait3A_215 = tpu.memref_slice %arg7[%and3A_205] : memref<2x!tpu.dma_semaphore, #tpu.memory_space<semaphore_mem>> -> memref<1x!tpu.dma_semaphore, #tpu.memory_space<semaphore_mem>>
    %dma_wait3A_216 = tpu.memref_squeeze %dma_wait3A_215 : memref<1x!tpu.dma_semaphore, #tpu.memory_space<semaphore_mem>> -> memref<!tpu.dma_semaphore, #tpu.memory_space<semaphore_mem>>
    tpu.wait_indirect_dma semaphore(%dma_wait3A_216 : memref<!tpu.dma_semaphore, #tpu.memory_space<semaphore_mem>>) src(%dma_wait3A_214 : memref<1001472x32xf32, #tpu.memory_space<hbm>>) dst(%dma_wait3A_208 : memref<128x32xf32, #tpu.memory_space<vmem>>)
    %add3A_217 = arith.constant 512 : i32
    %add3A_218 = arith.addi %mul3A_148, %add3A_217 : i32
    %add3A_219 = arith.constant 25 : i32
    %add3A_220 = arith.addi %mul3A_2, %add3A_219 : i32
    %and3A_221 = arith.constant 1 : i32
    %and3A_222 = arith.andi %add3A_220, %and3A_221 : i32
    %dma_wait3A_223 = arith.constant 4 : i32
    %dma_wait3A_224 = arith.constant 0 : i32
    %dma_wait3A_225 = tpu.memref_slice %arg5[%add3A_218, %dma_wait3A_224] : memref<2048x32xf32, #tpu.memory_space<vmem>> -> memref<128x32xf32, #tpu.memory_space<vmem>>
    %dma_wait3A_226 = arith.constant 0 : i32
    %dma_wait3A_227 = tpu.memref_slice %arg6[%dma_wait3A_223, %dma_wait3A_226] : memref<8x128xi32, #tpu.memory_space<vmem>> -> memref<1x128xi32, #tpu.memory_space<vmem>>
    %dma_wait3A_228 = tpu.memref_squeeze %dma_wait3A_227 : memref<1x128xi32, #tpu.memory_space<vmem>> -> memref<128xi32, #tpu.memory_space<vmem>>
    %dma_wait3A_229 = arith.constant 0 : i32
    %dma_wait3A_230 = arith.constant 0 : i32
    %dma_wait3A_231 = tpu.memref_slice %arg2[%dma_wait3A_229, %dma_wait3A_230] : memref<1001472x32xf32, #tpu.memory_space<hbm>> -> memref<1001472x32xf32, #tpu.memory_space<hbm>>
    %dma_wait3A_232 = tpu.memref_slice %arg7[%and3A_222] : memref<2x!tpu.dma_semaphore, #tpu.memory_space<semaphore_mem>> -> memref<1x!tpu.dma_semaphore, #tpu.memory_space<semaphore_mem>>
    %dma_wait3A_233 = tpu.memref_squeeze %dma_wait3A_232 : memref<1x!tpu.dma_semaphore, #tpu.memory_space<semaphore_mem>> -> memref<!tpu.dma_semaphore, #tpu.memory_space<semaphore_mem>>
    tpu.wait_indirect_dma semaphore(%dma_wait3A_233 : memref<!tpu.dma_semaphore, #tpu.memory_space<semaphore_mem>>) src(%dma_wait3A_231 : memref<1001472x32xf32, #tpu.memory_space<hbm>>) dst(%dma_wait3A_225 : memref<128x32xf32, #tpu.memory_space<vmem>>)
    %add3A_234 = arith.constant 640 : i32
    %add3A_235 = arith.addi %mul3A_148, %add3A_234 : i32
    %add3A_236 = arith.constant 25 : i32
    %add3A_237 = arith.addi %mul3A_2, %add3A_236 : i32
    %and3A_238 = arith.constant 1 : i32
    %and3A_239 = arith.andi %add3A_237, %and3A_238 : i32
    %dma_wait3A_240 = arith.constant 5 : i32
    %dma_wait3A_241 = arith.constant 0 : i32
    %dma_wait3A_242 = tpu.memref_slice %arg5[%add3A_235, %dma_wait3A_241] : memref<2048x32xf32, #tpu.memory_space<vmem>> -> memref<128x32xf32, #tpu.memory_space<vmem>>
    %dma_wait3A_243 = arith.constant 0 : i32
    %dma_wait3A_244 = tpu.memref_slice %arg6[%dma_wait3A_240, %dma_wait3A_243] : memref<8x128xi32, #tpu.memory_space<vmem>> -> memref<1x128xi32, #tpu.memory_space<vmem>>
    %dma_wait3A_245 = tpu.memref_squeeze %dma_wait3A_244 : memref<1x128xi32, #tpu.memory_space<vmem>> -> memref<128xi32, #tpu.memory_space<vmem>>
    %dma_wait3A_246 = arith.constant 0 : i32
    %dma_wait3A_247 = arith.constant 0 : i32
    %dma_wait3A_248 = tpu.memref_slice %arg2[%dma_wait3A_246, %dma_wait3A_247] : memref<1001472x32xf32, #tpu.memory_space<hbm>> -> memref<1001472x32xf32, #tpu.memory_space<hbm>>
    %dma_wait3A_249 = tpu.memref_slice %arg7[%and3A_239] : memref<2x!tpu.dma_semaphore, #tpu.memory_space<semaphore_mem>> -> memref<1x!tpu.dma_semaphore, #tpu.memory_space<semaphore_mem>>
    %dma_wait3A_250 = tpu.memref_squeeze %dma_wait3A_249 : memref<1x!tpu.dma_semaphore, #tpu.memory_space<semaphore_mem>> -> memref<!tpu.dma_semaphore, #tpu.memory_space<semaphore_mem>>
    tpu.wait_indirect_dma semaphore(%dma_wait3A_250 : memref<!tpu.dma_semaphore, #tpu.memory_space<semaphore_mem>>) src(%dma_wait3A_248 : memref<1001472x32xf32, #tpu.memory_space<hbm>>) dst(%dma_wait3A_242 : memref<128x32xf32, #tpu.memory_space<vmem>>)
    %add3A_251 = arith.constant 768 : i32
    %add3A_252 = arith.addi %mul3A_148, %add3A_251 : i32
    %add3A_253 = arith.constant 25 : i32
    %add3A_254 = arith.addi %mul3A_2, %add3A_253 : i32
    %and3A_255 = arith.constant 1 : i32
    %and3A_256 = arith.andi %add3A_254, %and3A_255 : i32
    %dma_wait3A_257 = arith.constant 6 : i32
    %dma_wait3A_258 = arith.constant 0 : i32
    %dma_wait3A_259 = tpu.memref_slice %arg5[%add3A_252, %dma_wait3A_258] : memref<2048x32xf32, #tpu.memory_space<vmem>> -> memref<128x32xf32, #tpu.memory_space<vmem>>
    %dma_wait3A_260 = arith.constant 0 : i32
    %dma_wait3A_261 = tpu.memref_slice %arg6[%dma_wait3A_257, %dma_wait3A_260] : memref<8x128xi32, #tpu.memory_space<vmem>> -> memref<1x128xi32, #tpu.memory_space<vmem>>
    %dma_wait3A_262 = tpu.memref_squeeze %dma_wait3A_261 : memref<1x128xi32, #tpu.memory_space<vmem>> -> memref<128xi32, #tpu.memory_space<vmem>>
    %dma_wait3A_263 = arith.constant 0 : i32
    %dma_wait3A_264 = arith.constant 0 : i32
    %dma_wait3A_265 = tpu.memref_slice %arg2[%dma_wait3A_263, %dma_wait3A_264] : memref<1001472x32xf32, #tpu.memory_space<hbm>> -> memref<1001472x32xf32, #tpu.memory_space<hbm>>
    %dma_wait3A_266 = tpu.memref_slice %arg7[%and3A_256] : memref<2x!tpu.dma_semaphore, #tpu.memory_space<semaphore_mem>> -> memref<1x!tpu.dma_semaphore, #tpu.memory_space<semaphore_mem>>
    %dma_wait3A_267 = tpu.memref_squeeze %dma_wait3A_266 : memref<1x!tpu.dma_semaphore, #tpu.memory_space<semaphore_mem>> -> memref<!tpu.dma_semaphore, #tpu.memory_space<semaphore_mem>>
    tpu.wait_indirect_dma semaphore(%dma_wait3A_267 : memref<!tpu.dma_semaphore, #tpu.memory_space<semaphore_mem>>) src(%dma_wait3A_265 : memref<1001472x32xf32, #tpu.memory_space<hbm>>) dst(%dma_wait3A_259 : memref<128x32xf32, #tpu.memory_space<vmem>>)
    %add3A_268 = arith.constant 896 : i32
    %add3A_269 = arith.addi %mul3A_148, %add3A_268 : i32
    %add3A_270 = arith.constant 25 : i32
    %add3A_271 = arith.addi %mul3A_2, %add3A_270 : i32
    %and3A_272 = arith.constant 1 : i32
    %and3A_273 = arith.andi %add3A_271, %and3A_272 : i32
    %dma_wait3A_274 = arith.constant 7 : i32
    %dma_wait3A_275 = arith.constant 0 : i32
    %dma_wait3A_276 = tpu.memref_slice %arg5[%add3A_269, %dma_wait3A_275] : memref<2048x32xf32, #tpu.memory_space<vmem>> -> memref<128x32xf32, #tpu.memory_space<vmem>>
    %dma_wait3A_277 = arith.constant 0 : i32
    %dma_wait3A_278 = tpu.memref_slice %arg6[%dma_wait3A_274, %dma_wait3A_277] : memref<8x128xi32, #tpu.memory_space<vmem>> -> memref<1x128xi32, #tpu.memory_space<vmem>>
    %dma_wait3A_279 = tpu.memref_squeeze %dma_wait3A_278 : memref<1x128xi32, #tpu.memory_space<vmem>> -> memref<128xi32, #tpu.memory_space<vmem>>
    %dma_wait3A_280 = arith.constant 0 : i32
    %dma_wait3A_281 = arith.constant 0 : i32
    %dma_wait3A_282 = tpu.memref_slice %arg2[%dma_wait3A_280, %dma_wait3A_281] : memref<1001472x32xf32, #tpu.memory_space<hbm>> -> memref<1001472x32xf32, #tpu.memory_space<hbm>>
    %dma_wait3A_283 = tpu.memref_slice %arg7[%and3A_273] : memref<2x!tpu.dma_semaphore, #tpu.memory_space<semaphore_mem>> -> memref<1x!tpu.dma_semaphore, #tpu.memory_space<semaphore_mem>>
    %dma_wait3A_284 = tpu.memref_squeeze %dma_wait3A_283 : memref<1x!tpu.dma_semaphore, #tpu.memory_space<semaphore_mem>> -> memref<!tpu.dma_semaphore, #tpu.memory_space<semaphore_mem>>
    tpu.wait_indirect_dma semaphore(%dma_wait3A_284 : memref<!tpu.dma_semaphore, #tpu.memory_space<semaphore_mem>>) src(%dma_wait3A_282 : memref<1001472x32xf32, #tpu.memory_space<hbm>>) dst(%dma_wait3A_276 : memref<128x32xf32, #tpu.memory_space<vmem>>)
    return
  }
}

module attributes {stable_mosaic.version = 14 : i64} {
  func.func @body(%arg0: i32, %arg1: memref<32x2048xf32, #tpu.memory_space<vmem>>, %arg2: memref<512x128xf32, #tpu.memory_space<vmem>>) attributes {dimension_semantics = [#tpu.dimension_semantics<arbitrary>], iteration_bounds = array<i64: 489>, scalar_prefetch = 0 : i64, scratch_operands = 0 : i64, tpu.core_type = #tpu.core_type<tc>, window_params = [{transform_indices = @transform_0, window_bounds = array<i64: 32, 2048>}, {transform_indices = @transform_1, window_bounds = array<i64: 512, 128>}]} {
    %get3A = arith.constant 0 : index
    %get3A_0 = arith.constant 0 : index
    %get3A_1 = vector.load %arg1[%get3A, %get3A_0] : memref<32x2048xf32, #tpu.memory_space<vmem>>, vector<32x128xf32>
    %transpose3A = tpu.transpose %get3A_1, [1, 0] : vector<32x128xf32> -> vector<128x32xf32>
    %swap3A = arith.constant 0 : index
    %swap3A_2 = arith.constant 0 : index
    %swap3A_3 = vector.load %arg2[%swap3A, %swap3A_2] : memref<512x128xf32, #tpu.memory_space<vmem>>, vector<128x32xf32>
    tpu.vector_store %arg2[%swap3A, %swap3A_2], %transpose3A {strides = array<i32>} : memref<512x128xf32, #tpu.memory_space<vmem>>, vector<128x32xf32>,
    %get3A_4 = arith.constant 0 : index
    %get3A_5 = arith.constant 128 : index
    %get3A_6 = vector.load %arg1[%get3A_4, %get3A_5] : memref<32x2048xf32, #tpu.memory_space<vmem>>, vector<32x128xf32>
    %transpose3A_7 = tpu.transpose %get3A_6, [1, 0] : vector<32x128xf32> -> vector<128x32xf32>
    %swap3A_8 = arith.constant 0 : index
    %swap3A_9 = arith.constant 32 : index
    %swap3A_10 = vector.load %arg2[%swap3A_8, %swap3A_9] : memref<512x128xf32, #tpu.memory_space<vmem>>, vector<128x32xf32>
    tpu.vector_store %arg2[%swap3A_8, %swap3A_9], %transpose3A_7 {strides = array<i32>} : memref<512x128xf32, #tpu.memory_space<vmem>>, vector<128x32xf32>,
    %get3A_11 = arith.constant 0 : index
    %get3A_12 = arith.constant 256 : index
    %get3A_13 = vector.load %arg1[%get3A_11, %get3A_12] : memref<32x2048xf32, #tpu.memory_space<vmem>>, vector<32x128xf32>
    %transpose3A_14 = tpu.transpose %get3A_13, [1, 0] : vector<32x128xf32> -> vector<128x32xf32>
    %swap3A_15 = arith.constant 0 : index
    %swap3A_16 = arith.constant 64 : index
    %swap3A_17 = vector.load %arg2[%swap3A_15, %swap3A_16] : memref<512x128xf32, #tpu.memory_space<vmem>>, vector<128x32xf32>
    tpu.vector_store %arg2[%swap3A_15, %swap3A_16], %transpose3A_14 {strides = array<i32>} : memref<512x128xf32, #tpu.memory_space<vmem>>, vector<128x32xf32>,
    %get3A_18 = arith.constant 0 : index
    %get3A_19 = arith.constant 384 : index
    %get3A_20 = vector.load %arg1[%get3A_18, %get3A_19] : memref<32x2048xf32, #tpu.memory_space<vmem>>, vector<32x128xf32>
    %transpose3A_21 = tpu.transpose %get3A_20, [1, 0] : vector<32x128xf32> -> vector<128x32xf32>
    %swap3A_22 = arith.constant 0 : index
    %swap3A_23 = arith.constant 96 : index
    %swap3A_24 = vector.load %arg2[%swap3A_22, %swap3A_23] : memref<512x128xf32, #tpu.memory_space<vmem>>, vector<128x32xf32>
    tpu.vector_store %arg2[%swap3A_22, %swap3A_23], %transpose3A_21 {strides = array<i32>} : memref<512x128xf32, #tpu.memory_space<vmem>>, vector<128x32xf32>,
    %get3A_25 = arith.constant 0 : index
    %get3A_26 = arith.constant 512 : index
    %get3A_27 = vector.load %arg1[%get3A_25, %get3A_26] : memref<32x2048xf32, #tpu.memory_space<vmem>>, vector<32x128xf32>
    %transpose3A_28 = tpu.transpose %get3A_27, [1, 0] : vector<32x128xf32> -> vector<128x32xf32>
    %swap3A_29 = arith.constant 128 : index
    %swap3A_30 = arith.constant 0 : index
    %swap3A_31 = vector.load %arg2[%swap3A_29, %swap3A_30] : memref<512x128xf32, #tpu.memory_space<vmem>>, vector<128x32xf32>
    tpu.vector_store %arg2[%swap3A_29, %swap3A_30], %transpose3A_28 {strides = array<i32>} : memref<512x128xf32, #tpu.memory_space<vmem>>, vector<128x32xf32>,
    %get3A_32 = arith.constant 0 : index
    %get3A_33 = arith.constant 640 : index
    %get3A_34 = vector.load %arg1[%get3A_32, %get3A_33] : memref<32x2048xf32, #tpu.memory_space<vmem>>, vector<32x128xf32>
    %transpose3A_35 = tpu.transpose %get3A_34, [1, 0] : vector<32x128xf32> -> vector<128x32xf32>
    %swap3A_36 = arith.constant 128 : index
    %swap3A_37 = arith.constant 32 : index
    %swap3A_38 = vector.load %arg2[%swap3A_36, %swap3A_37] : memref<512x128xf32, #tpu.memory_space<vmem>>, vector<128x32xf32>
    tpu.vector_store %arg2[%swap3A_36, %swap3A_37], %transpose3A_35 {strides = array<i32>} : memref<512x128xf32, #tpu.memory_space<vmem>>, vector<128x32xf32>,
    %get3A_39 = arith.constant 0 : index
    %get3A_40 = arith.constant 768 : index
    %get3A_41 = vector.load %arg1[%get3A_39, %get3A_40] : memref<32x2048xf32, #tpu.memory_space<vmem>>, vector<32x128xf32>
    %transpose3A_42 = tpu.transpose %get3A_41, [1, 0] : vector<32x128xf32> -> vector<128x32xf32>
    %swap3A_43 = arith.constant 128 : index
    %swap3A_44 = arith.constant 64 : index
    %swap3A_45 = vector.load %arg2[%swap3A_43, %swap3A_44] : memref<512x128xf32, #tpu.memory_space<vmem>>, vector<128x32xf32>
    tpu.vector_store %arg2[%swap3A_43, %swap3A_44], %transpose3A_42 {strides = array<i32>} : memref<512x128xf32, #tpu.memory_space<vmem>>, vector<128x32xf32>,
    %get3A_46 = arith.constant 0 : index
    %get3A_47 = arith.constant 896 : index
    %get3A_48 = vector.load %arg1[%get3A_46, %get3A_47] : memref<32x2048xf32, #tpu.memory_space<vmem>>, vector<32x128xf32>
    %transpose3A_49 = tpu.transpose %get3A_48, [1, 0] : vector<32x128xf32> -> vector<128x32xf32>
    %swap3A_50 = arith.constant 128 : index
    %swap3A_51 = arith.constant 96 : index
    %swap3A_52 = vector.load %arg2[%swap3A_50, %swap3A_51] : memref<512x128xf32, #tpu.memory_space<vmem>>, vector<128x32xf32>
    tpu.vector_store %arg2[%swap3A_50, %swap3A_51], %transpose3A_49 {strides = array<i32>} : memref<512x128xf32, #tpu.memory_space<vmem>>, vector<128x32xf32>,
    %get3A_53 = arith.constant 0 : index
    %get3A_54 = arith.constant 1024 : index
    %get3A_55 = vector.load %arg1[%get3A_53, %get3A_54] : memref<32x2048xf32, #tpu.memory_space<vmem>>, vector<32x128xf32>
    %transpose3A_56 = tpu.transpose %get3A_55, [1, 0] : vector<32x128xf32> -> vector<128x32xf32>
    %swap3A_57 = arith.constant 256 : index
    %swap3A_58 = arith.constant 0 : index
    %swap3A_59 = vector.load %arg2[%swap3A_57, %swap3A_58] : memref<512x128xf32, #tpu.memory_space<vmem>>, vector<128x32xf32>
    tpu.vector_store %arg2[%swap3A_57, %swap3A_58], %transpose3A_56 {strides = array<i32>} : memref<512x128xf32, #tpu.memory_space<vmem>>, vector<128x32xf32>,
    %get3A_60 = arith.constant 0 : index
    %get3A_61 = arith.constant 1152 : index
    %get3A_62 = vector.load %arg1[%get3A_60, %get3A_61] : memref<32x2048xf32, #tpu.memory_space<vmem>>, vector<32x128xf32>
    %transpose3A_63 = tpu.transpose %get3A_62, [1, 0] : vector<32x128xf32> -> vector<128x32xf32>
    %swap3A_64 = arith.constant 256 : index
    %swap3A_65 = arith.constant 32 : index
    %swap3A_66 = vector.load %arg2[%swap3A_64, %swap3A_65] : memref<512x128xf32, #tpu.memory_space<vmem>>, vector<128x32xf32>
    tpu.vector_store %arg2[%swap3A_64, %swap3A_65], %transpose3A_63 {strides = array<i32>} : memref<512x128xf32, #tpu.memory_space<vmem>>, vector<128x32xf32>,
    %get3A_67 = arith.constant 0 : index
    %get3A_68 = arith.constant 1280 : index
    %get3A_69 = vector.load %arg1[%get3A_67, %get3A_68] : memref<32x2048xf32, #tpu.memory_space<vmem>>, vector<32x128xf32>
    %transpose3A_70 = tpu.transpose %get3A_69, [1, 0] : vector<32x128xf32> -> vector<128x32xf32>
    %swap3A_71 = arith.constant 256 : index
    %swap3A_72 = arith.constant 64 : index
    %swap3A_73 = vector.load %arg2[%swap3A_71, %swap3A_72] : memref<512x128xf32, #tpu.memory_space<vmem>>, vector<128x32xf32>
    tpu.vector_store %arg2[%swap3A_71, %swap3A_72], %transpose3A_70 {strides = array<i32>} : memref<512x128xf32, #tpu.memory_space<vmem>>, vector<128x32xf32>,
    %get3A_74 = arith.constant 0 : index
    %get3A_75 = arith.constant 1408 : index
    %get3A_76 = vector.load %arg1[%get3A_74, %get3A_75] : memref<32x2048xf32, #tpu.memory_space<vmem>>, vector<32x128xf32>
    %transpose3A_77 = tpu.transpose %get3A_76, [1, 0] : vector<32x128xf32> -> vector<128x32xf32>
    %swap3A_78 = arith.constant 256 : index
    %swap3A_79 = arith.constant 96 : index
    %swap3A_80 = vector.load %arg2[%swap3A_78, %swap3A_79] : memref<512x128xf32, #tpu.memory_space<vmem>>, vector<128x32xf32>
    tpu.vector_store %arg2[%swap3A_78, %swap3A_79], %transpose3A_77 {strides = array<i32>} : memref<512x128xf32, #tpu.memory_space<vmem>>, vector<128x32xf32>,
    %get3A_81 = arith.constant 0 : index
    %get3A_82 = arith.constant 1536 : index
    %get3A_83 = vector.load %arg1[%get3A_81, %get3A_82] : memref<32x2048xf32, #tpu.memory_space<vmem>>, vector<32x128xf32>
    %transpose3A_84 = tpu.transpose %get3A_83, [1, 0] : vector<32x128xf32> -> vector<128x32xf32>
    %swap3A_85 = arith.constant 384 : index
    %swap3A_86 = arith.constant 0 : index
    %swap3A_87 = vector.load %arg2[%swap3A_85, %swap3A_86] : memref<512x128xf32, #tpu.memory_space<vmem>>, vector<128x32xf32>
    tpu.vector_store %arg2[%swap3A_85, %swap3A_86], %transpose3A_84 {strides = array<i32>} : memref<512x128xf32, #tpu.memory_space<vmem>>, vector<128x32xf32>,
    %get3A_88 = arith.constant 0 : index
    %get3A_89 = arith.constant 1664 : index
    %get3A_90 = vector.load %arg1[%get3A_88, %get3A_89] : memref<32x2048xf32, #tpu.memory_space<vmem>>, vector<32x128xf32>
    %transpose3A_91 = tpu.transpose %get3A_90, [1, 0] : vector<32x128xf32> -> vector<128x32xf32>
    %swap3A_92 = arith.constant 384 : index
    %swap3A_93 = arith.constant 32 : index
    %swap3A_94 = vector.load %arg2[%swap3A_92, %swap3A_93] : memref<512x128xf32, #tpu.memory_space<vmem>>, vector<128x32xf32>
    tpu.vector_store %arg2[%swap3A_92, %swap3A_93], %transpose3A_91 {strides = array<i32>} : memref<512x128xf32, #tpu.memory_space<vmem>>, vector<128x32xf32>,
    %get3A_95 = arith.constant 0 : index
    %get3A_96 = arith.constant 1792 : index
    %get3A_97 = vector.load %arg1[%get3A_95, %get3A_96] : memref<32x2048xf32, #tpu.memory_space<vmem>>, vector<32x128xf32>
    %transpose3A_98 = tpu.transpose %get3A_97, [1, 0] : vector<32x128xf32> -> vector<128x32xf32>
    %swap3A_99 = arith.constant 384 : index
    %swap3A_100 = arith.constant 64 : index
    %swap3A_101 = vector.load %arg2[%swap3A_99, %swap3A_100] : memref<512x128xf32, #tpu.memory_space<vmem>>, vector<128x32xf32>
    tpu.vector_store %arg2[%swap3A_99, %swap3A_100], %transpose3A_98 {strides = array<i32>} : memref<512x128xf32, #tpu.memory_space<vmem>>, vector<128x32xf32>,
    %get3A_102 = arith.constant 0 : index
    %get3A_103 = arith.constant 1920 : index
    %get3A_104 = vector.load %arg1[%get3A_102, %get3A_103] : memref<32x2048xf32, #tpu.memory_space<vmem>>, vector<32x128xf32>
    %transpose3A_105 = tpu.transpose %get3A_104, [1, 0] : vector<32x128xf32> -> vector<128x32xf32>
    %swap3A_106 = arith.constant 384 : index
    %swap3A_107 = arith.constant 96 : index
    %swap3A_108 = vector.load %arg2[%swap3A_106, %swap3A_107] : memref<512x128xf32, #tpu.memory_space<vmem>>, vector<128x32xf32>
    tpu.vector_store %arg2[%swap3A_106, %swap3A_107], %transpose3A_105 {strides = array<i32>} : memref<512x128xf32, #tpu.memory_space<vmem>>, vector<128x32xf32>,
    return
  }
  func.func @transform_0(%arg0: i32) -> (i32, i32) {
    %c0_i32 = arith.constant 0 : i32
    %c0_i32_0 = arith.constant 0 : i32
    return %c0_i32, %arg0 : i32, i32
  }
  func.func @transform_1(%arg0: i32) -> (i32, i32) {
    %c0_i32 = arith.constant 0 : i32
    %c0_i32_0 = arith.constant 0 : i32
    return %arg0, %c0_i32 : i32, i32
  }
}

</mosaic_0001>

<sc_bundles>
// kernel: kernel.4.cloned.1.call-start
scs
__scs_entry_jumppad:
0x0: {  	(pc) =	sbr.rel $0x88, $3  }
0x1: {  	(tag) =	ssettag $0x0;
	lr =	simm.s32 $0x1  }
0x2: {  	[smem:$0x3F9F] =	sst lr;
	_ =	strace $0xD0000000  }
0x3: {  	_ = 	snop  }
0x4: {  	_ = 	snop  }
0x5: {  	_ = 	snop  }
0x6: {  	_ = 	snop  }
0x7: {  	_ = 	snop  }
__scs_overlays_trampoline_lowered:
0x8: {  	[smem:$0x3FAE] =	sst s0  }
0x9: {  	[smem:$0x3FAF] =	sst s1  }
0xa: {  	[smem:$0x3FB0] =	sst s2  }
0xb: {  	[smem:$0x3FB1] =	sst s3  }
0xc: {  	[smem:$0x3FB2] =	sst s4  }
0xd: {  	[smem:$0x3FB3] =	sst s5  }
0xe: {  	[smem:$0x3FB4] =	sst s6  }
0xf: {  	[smem:$0x3FB5] =	sst s7  }
0x10: {  	[smem:$0x3FB6] =	sst s8  }
0x11: {  	[smem:$0x3FB7] =	sst s9;
	s0 =	simm.s32 @!p0 $0x0  }
0x12: {  	s1 =	sld [smem:$0x3F9D];
	s0 =	simm.s32 @p0 $0x1  }
0x13: {  	[smem:$0x3FB8] =	sst s0;
	s0 =	simm.s32 @!p1 $0x0  }
0x14: {  	s2 =	sld [smem:$0x3F9C];
	s0 =	simm.s32 @p1 $0x1  }
0x15: {  	[smem:$0x3FB9] =	sst s0;
	s0 =	simm.s32 @!p2 $0x0  }
0x16: {  	s3 =	sld [smem:$0x3FDB];
	s0 =	simm.s32 @p2 $0x1  }
0x17: {  	s4 =	simm.s32 $0x1BF5;
	[smem:$0x3FBB] =	sst s0  }
0x18: {  	s0 =	sld [smem:$0x3F9E];
	_ =	swait.ge [sflag:s4], $0x0  }
0x19: {  	s7 =	sld [smem:$0x3F9F]  }
0x1a: {  	s8 =	sadd.s32 $0xFFFFE003, lr  }
0x1b: {  	s9 =	sadd.s32 $0xFFFFFEF7, lr;
	s5 =	simm.s32 $0xFFFFFFFF;
	p2 =	slt.u32 s8, $0xFFFFF086  }
0x1c: {  	p1 =	slt.u32 s9, $0xF7A;
	s5 =	simm.s32 @!p2 $0x0  }
0x1d: {  	s5 =	simm.s32 @p1 $0x1;
	p0 =	seq.s32 s7, s2  }
0x1e: {  	s7 =	smul.u32 @!p0 $0xF7A, s2;
	p2 =	seq.s32 @!p0 s5, $0x0  }
0x1f: {  	s9 =	smul.u32 $0xF7A, s1;
	s8 =	simm.s32 @!p0 $0x1BF5;
	p2 =	por !p2, p0  }
0x20: {  	[sflag:s8] =	ssyncset.s32 @!p0 $0xFFFFF086;
	s6 =	sadd.s32 @!p0 s3, s7;
	s7 =	simm.s32 @!p0 $0x108  }
0x21: {  	s3 =	sadd.s32 s3, s9;
	s6 =	sadd.s32 @!p0 $0x88, s6;
	s7 =	simm.s32 @p2 $0x1082  }
0x22: {  	[simem:s7], [sflag:s8] =	dma.local @!p0 [hbm:s6], $0xF7A  }
0x23: {  	s9 =	sor.u32 $0xD0000000, s2;
	s6 =	simm.s32 $0x108;
	_ =	swait.ge @!p0 [sflag:s8], $0x0  }
0x24: {  	s3 =	sadd.s32 $0x88, s3;
	s6 =	simm.s32 @!p1 $0x1082;
	[sflag:s4] =	ssyncset.s32 $0xFFFFF086  }
0x25: {  	[simem:s6], [sflag:s4] =	dma.local [hbm:s3], $0xF7A  }
0x26: {  	[smem:$0x3F9F] =	sst s1;
	(tag) =	ssettag s2;
	_ =	strace s9  }
0x27: {  	s1 =	sld [smem:$0x3FAF]  }
0x28: {  	s2 =	sld [smem:$0x3FB0]  }
0x29: {  	s4 =	sld [smem:$0x3FB2]  }
0x2a: {  	p0 =	seq.s32 s5, $0x0;
	s5 =	sld [smem:$0x3FB3]  }
0x2b: {  	s6 =	sld [smem:$0x3FB4]  }
0x2c: {  	s7 =	sld [smem:$0x3FB5]  }
0x2d: {  	s3 =	simm.s32 $0x108;
	s8 =	sld [smem:$0x3FB6]  }
0x2e: {  	s3 =	simm.s32 @!p0 $0x1082;
	s9 =	sld [smem:$0x3FB7]  }
0x2f: {  	lr =	sadd.s32 s0, s3;
	s0 =	sld [smem:$0x3FAE]  }
0x30: {  	s3 =	sld [smem:$0x3FB1]  }
0x31: {  	[smem:$0x3FBA] =	sst s10  }
0x32: {  	s10 =	sld [smem:$0x3FB8];
	_ =	sdelay $0x3  }
0x33: {  	p0 =	seq.s32 s10, $0x1;
	s10 =	sld [smem:$0x3FBA];
	_ =	sdelay $0x3  }
0x34: {  	[smem:$0x3FBA] =	sst s10  }
0x35: {  	s10 =	sld [smem:$0x3FB9];
	_ =	sdelay $0x3  }
0x36: {  	p1 =	seq.s32 s10, $0x1;
	s10 =	sld [smem:$0x3FBA];
	_ =	sdelay $0x3  }
0x37: {  	[smem:$0x3FBA] =	sst s10  }
0x38: {  	s10 =	sld [smem:$0x3FBB]  }
0x39: {  	_ = 	snop;
	(pc) =	sbr.ind lr, $3  }
0x3a: {  	_ = 	snop  }
0x3b: {  	_ = 	snop  }
0x3c: {  	p2 =	seq.s32 s10, $0x1;
	s10 =	sld [smem:$0x3FBA]  }
0x3d: {  	_ =	shalt  }
0x3e: {  	_ =	shalt  }
0x3f: {  	_ =	shalt  }
0x40: {  	_ =	shalt  }
0x41: {  	_ =	shalt  }
0x42: {  	_ =	shalt  }
0x43: {  	_ =	shalt  }
0x44: {  	_ =	shalt  }
0x45: {  	_ =	shalt  }
0x46: {  	_ =	shalt  }
0x47: {  	_ =	shalt  }
0x48: {  	_ =	shalt  }
0x49: {  	_ =	shalt  }
0x4a: {  	_ =	shalt  }
0x4b: {  	_ =	shalt  }
0x4c: {  	_ =	shalt  }
0x4d: {  	_ =	shalt  }
0x4e: {  	_ =	shalt  }
0x4f: {  	_ =	shalt  }
0x50: {  	_ =	shalt  }
0x51: {  	_ =	shalt  }
0x52: {  	_ =	shalt  }
0x53: {  	_ =	shalt  }
0x54: {  	_ =	shalt  }
0x55: {  	_ =	shalt  }
0x56: {  	_ =	shalt  }
0x57: {  	_ =	shalt  }
0x58: {  	_ =	shalt  }
0x59: {  	_ =	shalt  }
0x5a: {  	_ =	shalt  }
0x5b: {  	_ =	shalt  }
0x5c: {  	_ =	shalt  }
0x5d: {  	_ =	shalt  }
0x5e: {  	_ =	shalt  }
0x5f: {  	_ =	shalt  }
0x60: {  	_ =	shalt  }
0x61: {  	_ =	shalt  }
0x62: {  	_ =	shalt  }
0x63: {  	_ =	shalt  }
0x64: {  	_ =	shalt  }
0x65: {  	_ =	shalt  }
0x66: {  	_ =	shalt  }
0x67: {  	_ =	shalt  }
0x68: {  	_ =	shalt  }
0x69: {  	_ =	shalt  }
0x6a: {  	_ =	shalt  }
0x6b: {  	_ =	shalt  }
0x6c: {  	_ =	shalt  }
0x6d: {  	_ =	shalt  }
0x6e: {  	_ =	shalt  }
0x6f: {  	_ =	shalt  }
0x70: {  	_ =	shalt  }
0x71: {  	_ =	shalt  }
0x72: {  	_ =	shalt  }
0x73: {  	_ =	shalt  }
0x74: {  	_ =	shalt  }
0x75: {  	_ =	shalt  }
0x76: {  	_ =	shalt  }
0x77: {  	_ =	shalt  }
0x78: {  	_ =	shalt  }
0x79: {  	_ =	shalt  }
0x7a: {  	_ =	shalt  }
0x7b: {  	_ =	shalt  }
0x7c: {  	_ =	shalt  }
0x7d: {  	_ =	shalt  }
0x7e: {  	_ =	shalt  }
0x7f: {  	_ =	shalt  }
0x80: {  	_ =	shalt  }
0x81: {  	_ =	shalt  }
0x82: {  	_ =	shalt  }
0x83: {  	_ =	shalt  }
0x84: {  	_ =	shalt  }
0x85: {  	_ =	shalt  }
0x86: {  	_ =	shalt  }
0x87: {  	_ =	shalt  }
.Lfunc_end0:
.L_simem_size_0:
called_computation_lowered:
.L_overlay_start_0:
0x88: {  	s2 =	sld [smem:$0x3FD9]  }
0x89: {  	s3 =	sld [smem:$0x3FFE];
	_ =	sdelay $0x1  }
0x8a: {  	s1 =	srdreg.scid  }
0x8b: {  	s0 =	sand.u32 $0x1, s1  }
0x8c: {  	s17 =	sshll.u32 s0, $0xA;
	s2 =	sadd.s32 s3, s2  }
0x8d: {  	s2 =	sadd.s32 s2, s17  }
0x8e: {  	[smem:$0x3FC6] =	sst s2  }
0x8f: {  	_ = 	snop  }
0x90: {  	s2 =	sld [smem:$0x3FD0];
	(tm) =	ssettm $0x1  }
0x91: {  	s18 =	sld [smem:$0x3FFB];
	_ =	sdelay $0x3  }
0x92: {  	_ =	strace s18  }
0x93: {  	s3 =	sld [smem:$0x3FFC];
	_ =	sdelay $0x3  }
0x94: {  	_ =	strace s3  }
0x95: {  	s3 =	sld [smem:$0x3FFD];
	_ =	sdelay $0x3  }
0x96: {  	_ =	strace s3  }
0x97: {  	_ =	strace $0x8FFFFFFF  }
0x98: {  	s19 =	sld [smem:$0x3FDB];
	_ =	sdelay $0x1  }
0x99: {  	s4 =	simm.s32 $_scs_section_size  }
0x9a: {  	s5 =	simm.s32 $_size__tile_overlayer_lowered;
	s6 =	simm.s32 $_tile_overlayer_lowered  }
0x9b: {  	s22 =	simm.s32 $0x1BFF;
	s21 =	sshll.u32 s6, $0x1;
	s3 =	sadd.s32 s4, s19  }
0x9c: {  	s7 =	simm.s32 $0x0;
	s20 =	sshll.u32 s5, $0x1;
	s5 =	sadd.s32 s21, s3  }
0x9d: {  	[timem:s7], [sflag:s22] =	dma.local [hbm:s5], s20  }
0x9e: {  	_ =	swait.ge [sflag:s22], s20  }
0x9f: {  	s4 =	ssub.s32 $0x0, s20;
	[sflag:s22] =	ssyncset.done $0x0  }
0xa0: {  	[sflag:s22] =	ssyncadd.s32 s4;
	_ =	sdelay $0x1  }
0xa1: {  	s23 =	simm.s32 $0x1B8B  }
0xa2: {  	_ =	swait.ge [sflag:s23], $0x1  }
0xa3: {  	[sflag:s23] =	ssyncset.done $0x0  }
0xa4: {  	s25 =	simm.s32 $0x1B8E;
	s24 =	sld [smem:$0x3FFE];
	[sflag:s23] =	ssyncadd.s32 $0xFFFFFFFF  }
0xa5: {  	s26 =	simm.s32 $execute0_lowered;
	[smem:$0x3FD2] =	sst s25  }
0xa6: {  	s5 =	sshll.u32 s26, $0x1;
	_ =	strace $0x80000046;
	[dreg:$0x1] =	wrdreg $0xFFFFFFFF  }
0xa7: {  	s28 =	simm.s32 $_size_execute0_lowered;
	s3 =	sadd.s32 s3, s5;
	[dreg:$0x0] =	wrdreg $0x0  }
0xa8: {  	s5 =	sshll.u32 s28, $0x1;
	[dreg:$0x2] =	wrdreg s3  }
0xa9: {  	[dreg:$0x3] =	wrdreg s5  }
0xaa: {  	[dreg:$0x4] =	wrdreg $0xC0  }
0xab: {  	_ =	task [dreg:s7], $0x5FFFF  }
0xac: {  	[dreg:$0x1] =	wrdreg $0xFFFFFFFF  }
0xad: {  	[dreg:$0x0] =	wrdreg $0x60  }
0xae: {  	[dreg:$0x2] =	wrdreg s24  }
0xaf: {  	[dreg:$0x3] =	wrdreg s2  }
0xb0: {  	[dreg:$0x4] =	wrdreg $0x9  }
0xb1: {  	_ =	task.clear_ibuf [dreg:s7], $0x5FFFF;
	_ =	strace $0x90000046  }
0xb2: {  	s29 =	simm.s32 $0x9;
	_ =	strace $0x8000004F  }
0xb3: {  	_ =	swait.ge [sflag:s29], $0x1  }
0xb4: {  	[sflag:s29] =	ssyncadd.s32 $0xFFFFFFFF  }
0xb5: {  	_ =	strace $0x9000004F  }
0xb6: {  	_ =	sfence  }
0xb7: {  	s30 =	sld [smem:$0x0];
	_ =	sdelay $0x2  }
0xb8: {  	s31 =	sshll.u32 s1, $0xD;
	s1 =	sshrl.u32 s1, $0x2  }
0xb9: {  	s3 =	sand.u32 $0x4000, s31;
	s1 =	sadd.s32 s1, s30  }
0xba: {  	s0 =	sor.u32 s3, s0;
	s1 =	sshll.u32 s1, $0x11  }
0xbb: {  	s0 =	sor.u32 s1, s0  }
0xbc: {  	s0 =	sadd.s32 $0x8F2B, s0  }
0xbd: {  	[sflag:s0] =	ssyncadd.remote.s32 $0x1  }
0xbe: {  	_ =	sfence.sel $0xFFFF  }
0xbf: {  	[dreg:$0x0] =	wrdreg $0xFFFFFFFF;
	(pc) =	sbr.abs _section_cstart, $3  }
0xc0: {  	[dreg:$0x1] =	wrdreg $0xFFFFFFFF  }
0xc1: {  	_ =	task.clear_ibuf [dreg:s7], $0x2FFFF;
	_ =	strace $0x9FFFFFFF  }
0xc2: {  	(tm) =	ssettm $0x7FFFFFFF  }
0xc3: {  	_ =	shalt  }
tec
execute0_lowered:
.L_overlay_start_1:
0x0: {  	(tag) =	ssettag $0x1  }
0x1: {  	s2 =	srdreg.scid  }
0x2: {  	s0 =	rddreg [dreg:$0x0];
	s2 =	sand.u32 $0x1, s2  }
0x3: {  	s3 =	simm.s32 $0x0;
	s5 =	stileid.u32;
	s4 =	sshll.u32 s2, $0x4  }
0x4: {  	[smem:$0x7FF] =	sst s3;
	s2 =	ssub.s32 $0x2, s2;
	s6 =	sor.u32 s5, s4  }
0x5: {  	s5 =	sadd.s32 $0x19400, s0;
	s22 =	sshrl.u32 s2, $0x1;
	s4 =	smul.u32 $0x19, s6  }
0x6: {  	s7 =	smul.u32 $0xC80, s6;
	s6 =	sadd.s32 $0x400, s0;
	s0 =	ssub.s32 s2, s22  }
0x7: {  	s1 =	rddreg [dreg:$0x1];
	_ =	strace $0x80000047;
	s0 =	smax.u32 s0, $0x1  }
0x8: {  	s8 =	sand.u32 $0x1, s4;
	s7 =	sadd.s32 s6, s7;
	[dreg:$0xe] =	wrdreg s0  }
0x9: {  	s9 =	sadd.s32 $0x1, s8;
	[dreg:$0x3] =	wrdreg s7  }
0xa: {  	s23 =	sshll.u32 s8, $0xF;
	[dreg:$0x5] =	wrdreg s9  }
0xb: {  	s7 =	sadd.s32 $0x80, s7;
	[dreg:$0x4] =	wrdreg s23  }
0xc: {  	s24 =	sor.u32 $0x1000, s23;
	[dreg:$0xd] =	wrdreg s7  }
0xd: {  	s25 =	sor.u32 $0x2000, s23;
	[dreg:$0x6] =	wrdreg s24  }
0xe: {  	s26 =	sor.u32 $0x3000, s23;
	[dreg:$0x7] =	wrdreg s25  }
0xf: {  	s28 =	sor.u32 $0x4000, s23;
	[dreg:$0x8] =	wrdreg s26  }
0x10: {  	s29 =	sor.u32 $0x5000, s23;
	[dreg:$0x9] =	wrdreg s28  }
0x11: {  	s30 =	sor.u32 $0x6000, s23;
	[dreg:$0xa] =	wrdreg s29  }
0x12: {  	v0 =	vlaneseq.u32;
	s31 =	sxor.u32 $0x1, s8;
	s2 =	sor.u32 $0x7000, s23;
	[dreg:$0xb] =	wrdreg s30  }
0x13: {  	v0 =	vmul.u32 $0x20, v0;
	s18 =	sadd.s32 $0x1, s31;
	[dreg:$0xc] =	wrdreg s2;
	s2 =	simm.s32 $0x0  }
.LBB2_1:
0x14: {  	[dreg:$0xf] =	wrdreg s2  }
0x15: {  	s0 =	rddreg [dreg:$0x3];
	s7 =	simm.s32 $0x10000;
	s9 =	simm.s32 $0x3  }
0x16: {  	[tilespmem:s7], [sflag:$0x3] =	stream.linear.gather [hbm4b:s0+s3], $0x400, $0x38;
	[tilespmem:$0x14C00] =	vst v63  }
0x17: {  	_ =	swait.ge [sflag:s9], $0x400  }
0x18: {  	[sflag:s9] =	ssyncset.done $0x0;
	s10 =	rddreg [dreg:$0x4]  }
0x19: {  	s8 =	simm.s32 $0x80;
	s11 =	rddreg [dreg:$0x5];
	[sflag:s9] =	ssyncadd.s32 $0xFFFFFC00  }
0x1a: {  	[tilespmem:s10], [sflag:s11] =	stream.indirect.gather [hbm4b:s5+s8], $0x20, s7, s8, $0xb8;
	[tilespmem:$0x14C00] =	vst v63  }
0x1b: {  	s13 =	simm.s32 $0x10080;
	s12 =	rddreg [dreg:$0x6]  }
0x1c: {  	[tilespmem:s12], [sflag:s11] =	stream.indirect.gather [hbm4b:s5+s8], $0x20, s13, s8, $0xb8;
	[tilespmem:$0x14C00] =	vst v63  }
0x1d: {  	s15 =	simm.s32 $0x10100;
	s14 =	rddreg [dreg:$0x7]  }
0x1e: {  	[tilespmem:s14], [sflag:s11] =	stream.indirect.gather [hbm4b:s5+s8], $0x20, s15, s8, $0xb8;
	[tilespmem:$0x14C00] =	vst v63  }
0x1f: {  	s17 =	simm.s32 $0x10180;
	s16 =	rddreg [dreg:$0x8]  }
0x20: {  	[tilespmem:s16], [sflag:s11] =	stream.indirect.gather [hbm4b:s5+s8], $0x20, s17, s8, $0xb8;
	[tilespmem:$0x14C00] =	vst v63  }
0x21: {  	s20 =	simm.s32 $0x10200;
	s19 =	rddreg [dreg:$0x9]  }
0x22: {  	[tilespmem:s19], [sflag:s11] =	stream.indirect.gather [hbm4b:s5+s8], $0x20, s20, s8, $0xb8;
	[tilespmem:$0x14C00] =	vst v63  }
0x23: {  	s22 =	simm.s32 $0x10280;
	s21 =	rddreg [dreg:$0xa]  }
0x24: {  	[tilespmem:s21], [sflag:s11] =	stream.indirect.gather [hbm4b:s5+s8], $0x20, s22, s8, $0xb8;
	[tilespmem:$0x14C00] =	vst v63  }
0x25: {  	s24 =	simm.s32 $0x10300;
	s26 =	simm.s32 $0x10380;
	s23 =	rddreg [dreg:$0xb]  }
0x26: {  	[tilespmem:s23], [sflag:s11] =	stream.indirect.gather [hbm4b:s5+s8], $0x20, s24, s8, $0xb8;
	[tilespmem:$0x14C00] =	vst v63  }
0x27: {  	s31 =	simm.s32 $0x10400;
	s29 =	simm.s32 $0x0;
	s25 =	rddreg [dreg:$0xc]  }
0x28: {  	[tilespmem:s25], [sflag:s11] =	stream.indirect.gather [hbm4b:s5+s8], $0x20, s26, s8, $0xb8;
	[tilespmem:$0x14C00] =	vst v63  }
0x29: {  	s2 =	simm.s32 $0x0;
	s28 =	simm.s32 $0x0;
	_ =	strace $0x80000048  }
0x2a: {  	s23 =	simm.s32 $0x0;
	s24 =	simm.s32 $0x0;
	s30 =	rddreg [dreg:$0xd]  }
0x2b: {  	[tilespmem:s31], [sflag:$0x4] =	stream.linear.gather [hbm4b:s30+s3], $0x400, $0x200038;
	[tilespmem:$0x14C00] =	vst v63  }
0x2c: {  	s25 =	simm.s32 $0x0;
	s26 =	simm.s32 $0x1;
	_ =	strace $0x90000048  }
.LBB2_2:
0x2d: {  	p0 =	seq.s32 s29, $0x0;
	s31 =	sadd.s32 $0x1, s29  }
0x2e: {  	s7 =	simm.s32 $0x1;
	s8 =	simm.s32 $0x1;
	p2 =	seq.s32 s31, $0x4  }
0x2f: {  	s7 =	simm.s32 @!p0 $0x0;
	s8 =	simm.s32 @!p2 $0x0  }
0x30: {  	s20 =	sadd.s32 s4, s23;
	s11 =	ssub.s32 s23, s7;
	s23 =	sadd.s32 s8, s23  }
0x31: {  	p1 =	seq.s32 s23, $0x19  }
0x32: {  	s23 =	simm.s32 @p1 $0x0  }
0x33: {  	s10 =	sadd.s32 s4, s23  }
0x34: {  	s7 =	sadd.s32 $0x1, s20;
	s8 =	sadd.s32 $0x1, s10  }
0x35: {  	s12 =	smov.u32 s7;
	p1 =	slt.s32 s7, $0x31F;
	p3 =	slt.s32 s8, $0x31F  }
0x36: {  	s12 =	simm.s32 @!p1 $0x31F;
	s8 =	simm.s32 @!p3 $0x31F  }
0x37: {  	p6 =	sne.s32 s28, $0x63;
	p4 =	seq.s32 s11, $0xFFFFFFFF;
	p1 =	sne.s32 s12, s8  }
0x38: {  	s11 =	simm.s32 @p4 $0x18;
	p3 =	por !p6, !p1  }
0x39: {  	s30 =	sadd.s32 s4, s11;
	p3 =	por !p3, !p3  }
0x3a: {  	s13 =	sand.u32 @p3 $0x1, s26;
	_ =	strace @p3 $0x80000049;
	s8 =	sshll.u32 @p3 s8, $0x7  }
0x3b: {  	s14 =	sshll.u32 @p3 s13, $0xA;
	s8 =	sand.u32 @p3 $0x1FFFFF80, s8;
	s13 =	sor.u32 @p3 $0x4, s13  }
0x3c: {  	s11 =	sadd.s32 @p3 $0x10400, s14;
	s8 =	sadd.s32 @p3 s6, s8;
	s14 =	simm.s32 @p3 $0x0  }
0x3d: {  	[tilespmem:s11], [sflag:s13] =	stream.linear.gather @p3 [hbm4b:s8+s14], $0x400, $0x200038;
	[tilespmem:$0x14C00] =	vst v63  }
0x3e: {  	s8 =	sadd.s32 $0x1, s30  }
0x3f: {  	p4 =	slt.s32 s8, $0x31F  }
0x40: {  	p5 =	seq.s32 s28, $0x0;
	s8 =	simm.s32 @!p4 $0x31F  }
0x41: {  	p4 =	seq.s32 @!p5 s12, s8  }
0x42: {  	p4 =	por p5, !p4  }
0x43: {  	_ =	strace @p3 $0x90000049;
	s8 =	sand.u32 @p4 $0x1, s25  }
0x44: {  	_ =	strace @p4 $0x8000004A;
	s8 =	sor.u32 @p4 $0x4, s8  }
0x45: {  	_ =	swait.ge @p4 [sflag:s8], $0x400  }
0x46: {  	[sflag:s8] =	ssyncset.done @p4 $0x0  }
0x47: {  	[sflag:s8] =	ssyncadd.s32 @p4 $0xFFFFFC00  }
0x48: {  	s11 =	sand.u32 $0x1, s20;
	_ =	strace @p4 $0x9000004A;
	p4 =	sne.s32 s29, $0x0  }
0x49: {  	_ =	strace $0x8000004B;
	s8 =	sshll.u32 @!p4 s11, $0xF;
	s12 =	sshll.u32 @!p4 s25, $0xA  }
0x4a: {  	s7 =	sand.u32 @!p4 $0x1, s7;
	s15 =	simm.s32 @!p4 $0x80;
	s12 =	sand.u32 @!p4 $0x400, s12  }
0x4b: {  	s13 =	sxor.u32 @!p4 $0x8000, s8;
	s7 =	sadd.s32 @!p4 $0x1, s7;
	s14 =	sadd.s32 @!p4 $0x10400, s12  }
0x4c: {  	[tilespmem:s13], [sflag:s7] =	stream.indirect.gather @!p4 [hbm4b:s5+s15], $0x20, s14, s15, $0x2000b8;
	[tilespmem:$0x14C00] =	vst v63  }
0x4d: {  	s13 =	sxor.u32 @!p4 $0x9000, s8;
	s14 =	sadd.s32 @!p4 $0x10480, s12  }
0x4e: {  	[tilespmem:s13], [sflag:s7] =	stream.indirect.gather @!p4 [hbm4b:s5+s15], $0x20, s14, s15, $0x2000b8;
	[tilespmem:$0x14C00] =	vst v63  }
0x4f: {  	s13 =	sxor.u32 @!p4 $0xA000, s8;
	s14 =	sadd.s32 @!p4 $0x10500, s12  }
0x50: {  	[tilespmem:s13], [sflag:s7] =	stream.indirect.gather @!p4 [hbm4b:s5+s15], $0x20, s14, s15, $0x2000b8;
	[tilespmem:$0x14C00] =	vst v63  }
0x51: {  	s13 =	sxor.u32 @!p4 $0xB000, s8;
	s14 =	sadd.s32 @!p4 $0x10580, s12  }
0x52: {  	[tilespmem:s13], [sflag:s7] =	stream.indirect.gather @!p4 [hbm4b:s5+s15], $0x20, s14, s15, $0x2000b8;
	[tilespmem:$0x14C00] =	vst v63  }
0x53: {  	s13 =	sxor.u32 @!p4 $0xC000, s8;
	s14 =	sadd.s32 @!p4 $0x10600, s12  }
0x54: {  	[tilespmem:s13], [sflag:s7] =	stream.indirect.gather @!p4 [hbm4b:s5+s15], $0x20, s14, s15, $0x2000b8;
	[tilespmem:$0x14C00] =	vst v63  }
0x55: {  	s13 =	sxor.u32 @!p4 $0xD000, s8;
	s14 =	sadd.s32 @!p4 $0x10680, s12  }
0x56: {  	[tilespmem:s13], [sflag:s7] =	stream.indirect.gather @!p4 [hbm4b:s5+s15], $0x20, s14, s15, $0x2000b8;
	[tilespmem:$0x14C00] =	vst v63  }
0x57: {  	s13 =	sxor.u32 @!p4 $0xE000, s8;
	s14 =	sadd.s32 @!p4 $0x10700, s12  }
0x58: {  	[tilespmem:s13], [sflag:s7] =	stream.indirect.gather @!p4 [hbm4b:s5+s15], $0x20, s14, s15, $0x2000b8;
	[tilespmem:$0x14C00] =	vst v63  }
0x59: {  	s8 =	sxor.u32 @!p4 $0xF000, s8;
	s12 =	sadd.s32 @!p4 $0x10780, s12  }
0x5a: {  	[tilespmem:s8], [sflag:s7] =	stream.indirect.gather @!p4 [hbm4b:s5+s15], $0x20, s12, s15, $0x2000b8;
	[tilespmem:$0x14C00] =	vst v63  }
0x5b: {  	s8 =	sadd.s32 @!p4 $0x1, s11  }
0x5c: {  	_ =	swait.ge @!p4 [sflag:s8], $0x1000  }
0x5d: {  	[sflag:s8] =	ssyncset.done @!p4 $0x0  }
0x5e: {  	[sflag:s8] =	ssyncadd.s32 @!p4 $0xFFFFF000  }
0x5f: {  	_ =	swait.ge @!p4 [sflag:s8], $0x1000  }
0x60: {  	[sflag:s8] =	ssyncset.done @!p4 $0x0  }
0x61: {  	[sflag:s8] =	ssyncadd.s32 @!p4 $0xFFFFF000  }
0x62: {  	_ =	swait.ge @!p4 [sflag:s8], $0x1000  }
0x63: {  	s21 =	simm.s32 $0x0;
	[sflag:s8] =	ssyncset.done @!p4 $0x0  }
0x64: {  	s22 =	simm.s32 $0x0;
	s0 =	simm.s32 $0xFFFFFFFB;
	[sflag:s8] =	ssyncadd.s32 @!p4 $0xFFFFF000  }
0x65: {  	s9 =	simm.s32 $0x1;
	s16 =	simm.s32 $0x2;
	_ =	swait.ge @!p4 [sflag:s8], $0x1000  }
0x66: {  	s13 =	sshll.u32 s11, $0xA;
	s14 =	sshll.u32 s29, $0x3;
	[sflag:s8] =	ssyncset.done @!p4 $0x0  }
0x67: {  	s11 =	sand.u32 $0x4, s22;
	s7 =	sand.u32 $0x380, s21;
	[sflag:s8] =	ssyncadd.s32 @!p4 $0xFFFFF000  }
0x68: {  	s12 =	sand.u32 $0x7, s0;
	s15 =	sand.u32 $0x5, s9;
	_ =	swait.ge @!p4 [sflag:s8], $0x1000  }
0x69: {  	s7 =	sor.u32 s13, s7;
	s11 =	sor.u32 s14, s11;
	[sflag:s8] =	ssyncset.done @!p4 $0x0  }
0x6a: {  	s12 =	sor.u32 s14, s12;
	s15 =	sor.u32 s14, s15;
	v1 =	vmov s7;
	v3 =	vmov s11;
	[sflag:s8] =	ssyncadd.s32 @!p4 $0xFFFFF000  }
0x6b: {  	s17 =	sand.u32 $0x6, s16;
	v2 =	vmov s12;
	v5 =	vmov s15;
	v1 =	vshll.u32 v1, $0x5;
	_ =	swait.ge @!p4 [sflag:s8], $0x1000  }
0x6c: {  	s11 =	sor.u32 s14, s17;
	v17 =	vand.u32 $0xFFFFFFF8, v2;
	v4 =	vand.u32 $0x4, v3;
	v16 =	vand.u32 $0x7, v2;
	[sflag:s8] =	ssyncset.done @!p4 $0x0  }
0x6d: {  	v7 =	vmov s11;
	v2 =	vand.u32 $0x5, v5;
	v6 =	vor.u32 v0, v1;
	[sflag:s8] =	ssyncadd.s32 @!p4 $0xFFFFF000  }
0x6e: {  	v14 =	vand.u32 $0xFFFFFFF8, v3;
	v13 =	vand.u32 $0xFFFFFFF8, v5;
	v1 =	vadd.s32 v17, v6;
	_ =	swait.ge @!p4 [sflag:s8], $0x1000  }
0x6f: {  	v3 =	vand.u32 $0xFFFFFFF8, v7;
	v5 =	vadd.s32 v14, v6;
	v8 =	vor.u32 v16, v1;
	[sflag:s8] =	ssyncset.done @!p4 $0x0  }
0x70: {  	s19 =	sor.u32 $0x10, s7;
	v9 =	vadd.s32 v13, v6;
	v6 =	vadd.s32 v3, v6;
	v5 =	vor.u32 v4, v5;
	[sflag:s8] =	ssyncadd.s32 @!p4 $0xFFFFF000  }
0x71: {  	v1 =	vand.u32 $0x6, v7;
	v7 =	vmov s19;
	v9 =	vor.u32 v2, v9;
	_ =	swait.ge @!p4 [sflag:s8], $0x1000  }
0x72: {  	v7 =	vshll.u32 v7, $0x5;
	v6 =	vor.u32 v1, v6;
	[sflag:s8] =	ssyncset.done @!p4 $0x0  }
0x73: {  	v7 =	vor.u32 v0, v7;
	[sflag:s8] =	ssyncadd.s32 @!p4 $0xFFFFF000  }
0x74: {  	v10 =	vadd.s32 v17, v7;
	v8 =	vld.idx.msk [tilespmem:v8+s3+$0x0], $0xffff  }
0x75: {  	v11 =	vadd.s32 v14, v7;
	v10 =	vor.u32 v16, v10;
	v5 =	vld.idx.msk [tilespmem:v5+s3+$0x0], $0xffff  }
0x76: {  	s21 =	sor.u32 $0x20, s7;
	s11 =	sand.u32 $0x1, s24;
	v11 =	vor.u32 v4, v11;
	v9 =	vld.idx.msk [tilespmem:v9+s3+$0x0], $0xffff  }
0x77: {  	v15 =	vmov s21;
	v12 =	vadd.s32 v13, v7;
	s8 =	sshll.u32 s11, $0xD;
	v6 =	vld.idx.msk [tilespmem:v6+s3+$0x0], $0xffff  }
0x78: {  	v15 =	vshll.u32 v15, $0x5;
	v7 =	vadd.s32 v3, v7;
	v12 =	vor.u32 v2, v12;
	s12 =	sor.u32 $0x10D00, s8  }
0x79: {  	v7 =	vor.u32 v1, v7;
	[tilespmem:s12+$0x80] =	vst v8;
	v8 =	vor.u32 v0, v15  }
0x7a: {  	s22 =	sor.u32 $0x30, s7;
	[tilespmem:s12+$0xFFFFFF00] =	vst v5;
	v10 =	vld.idx.msk [tilespmem:v10+s3+$0x0], $0xffff;
	v15 =	vadd.s32 v17, v8  }
0x7b: {  	[tilespmem:s12+$0xFFFFFF80] =	vst v9;
	v9 =	vmov s22;
	v5 =	vld.idx.msk [tilespmem:v11+s3+$0x0], $0xffff;
	v11 =	vadd.s32 v14, v8;
	v15 =	vor.u32 v16, v15  }
0x7c: {  	[tilespmem:s12+$0x0] =	vst v6;
	v6 =	vshll.u32 v9, $0x5;
	v9 =	vor.u32 v4, v11  }
0x7d: {  	v12 =	vld.idx.msk [tilespmem:v12+s3+$0x0], $0xffff  }
0x7e: {  	v18 =	vadd.s32 v13, v8;
	v7 =	vld.idx.msk [tilespmem:v7+s3+$0x0], $0xffff;
	v8 =	vadd.s32 v3, v8  }
0x7f: {  	v6 =	vor.u32 v0, v6;
	v8 =	vor.u32 v1, v8;
	[tilespmem:s12+$0x90] =	vst v10  }
0x80: {  	v10 =	vor.u32 v2, v18;
	[tilespmem:s12+$0xFFFFFF10] =	vst v5;
	v11 =	vld.idx.msk [tilespmem:v15+s3+$0x0], $0xffff;
	v15 =	vadd.s32 v17, v6  }
0x81: {  	s0 =	sor.u32 $0x40, s7;
	s17 =	simm.s32 $0x5;
	v18 =	vadd.s32 v14, v6;
	v9 =	vld.idx.msk [tilespmem:v9+s3+$0x0], $0xffff;
	v15 =	vor.u32 v16, v15  }
0x82: {  	s16 =	simm.s32 $0x4;
	v19 =	vmov s0;
	s17 =	sand.u32 $0x5, s17;
	v5 =	vadd.s32 v13, v6;
	[tilespmem:s12+$0xFFFFFF90] =	vst v12;
	v18 =	vor.u32 v4, v18  }
0x83: {  	s9 =	sand.u32 $0x4, s16;
	s21 =	simm.s32 $0x6;
	s19 =	sor.u32 s14, s17;
	[tilespmem:s12+$0x10] =	vst v7;
	v12 =	vor.u32 v2, v5;
	v5 =	vadd.s32 v3, v6;
	v6 =	vshll.u32 v19, $0x5  }
0x84: {  	s15 =	sor.u32 s14, s9;
	v20 =	vmov s19;
	s22 =	sand.u32 $0x6, s21;
	v24 =	vld.idx.msk [tilespmem:v8+s3+$0x0], $0xffff;
	v19 =	vor.u32 v1, v5;
	v5 =	vor.u32 v0, v6  }
0x85: {  	v8 =	vand.u32 $0x5, v20;
	v6 =	vmov s15;
	s15 =	sor.u32 s14, s22;
	v7 =	vadd.s32 v14, v5;
	v10 =	vld.idx.msk [tilespmem:v10+s3+$0x0], $0xffff;
	[tilespmem:s12+$0xA0] =	vst v11  }
0x86: {  	v21 =	vadd.s32 v13, v5;
	v25 =	vmov s15;
	v11 =	vadd.s32 v17, v5;
	[tilespmem:s12+$0xFFFFFF20] =	vst v9;
	v15 =	vld.idx.msk [tilespmem:v15+s3+$0x0], $0xffff  }
0x87: {  	s0 =	sor.u32 $0x50, s7;
	s19 =	simm.s32 $0x40;
	v23 =	vor.u32 v4, v7;
	v21 =	vor.u32 v2, v21;
	v22 =	vor.u32 v16, v11;
	v18 =	vld.idx.msk [tilespmem:v18+s3+$0x0], $0xffff  }
0x88: {  	s9 =	sand.u32 $0x380, s19;
	s21 =	simm.s32 $0xFFFFFFFF;
	v7 =	vand.u32 $0x6, v25;
	v5 =	vadd.s32 v3, v5;
	v9 =	vmov s0  }
0x89: {  	s22 =	sand.u32 $0x7, s21;
	s15 =	sor.u32 s13, s9;
	[tilespmem:s12+$0x20] =	vst v24;
	v11 =	vand.u32 $0x4, v6;
	v26 =	vor.u32 v1, v5;
	v5 =	vand.u32 $0xFFFFFFF8, v6  }
0x8a: {  	s17 =	sor.u32 s14, s22;
	v6 =	vand.u32 $0xFFFFFFF8, v20;
	v9 =	vshll.u32 v9, $0x5;
	v19 =	vld.idx.msk [tilespmem:v19+s3+$0x0], $0xffff;
	[tilespmem:s12+$0xFFFFFFA0] =	vst v10;
	v10 =	vmov s15  }
0x8b: {  	v20 =	vld.idx.msk [tilespmem:v12+s3+$0x0], $0xffff;
	[tilespmem:s12+$0xB0] =	vst v15;
	v15 =	vor.u32 v0, v9;
	v9 =	vshll.u32 v10, $0x5;
	v10 =	vmov s17  }
0x8c: {  	[tilespmem:s12+$0xFFFFFF30] =	vst v18;
	v22 =	vld.idx.msk [tilespmem:v22+s3+$0x0], $0xffff;
	v12 =	vadd.s32 v17, v15;
	v24 =	vor.u32 v0, v9;
	v9 =	vand.u32 $0xFFFFFFF8, v10  }
0x8d: {  	v10 =	vand.u32 $0x7, v10;
	v23 =	vld.idx.msk [tilespmem:v23+s3+$0x0], $0xffff;
	v27 =	vor.u32 v16, v12;
	v28 =	vadd.s32 v9, v24  }
0x8e: {  	v12 =	vand.u32 $0xFFFFFFF8, v25;
	v25 =	vadd.s32 v5, v24;
	v28 =	vor.u32 v10, v28  }
0x8f: {  	s0 =	sor.u32 $0x60, s7;
	[tilespmem:s12+$0x30] =	vst v19;
	v29 =	vadd.s32 v14, v15;
	v18 =	vadd.s32 v6, v24;
	v25 =	vor.u32 v11, v25  }
0x90: {  	s9 =	sor.u32 $0x10, s15;
	v19 =	vadd.s32 v13, v15;
	v18 =	vor.u32 v8, v18;
	[tilespmem:s12+$0xFFFFFFB0] =	vst v20;
	v20 =	vmov s0  }
0x91: {  	v24 =	vadd.s32 v12, v24;
	v21 =	vld.idx.msk [tilespmem:v21+s3+$0x0], $0xffff;
	v20 =	vshll.u32 v20, $0x5;
	[tilespmem:s12+$0xC0] =	vst v22;
	v22 =	vmov s9  }
0x92: {  	v24 =	vor.u32 v7, v24;
	v30 =	vor.u32 v0, v20;
	[tilespmem:s12+$0xFFFFFF40] =	vst v23;
	v20 =	vld.idx.msk [tilespmem:v27+s3+$0x0], $0xffff;
	v22 =	vshll.u32 v22, $0x5  }
0x93: {  	v27 =	vadd.s32 v3, v15;
	v15 =	vadd.s32 v17, v30;
	v22 =	vor.u32 v0, v22;
	v28 =	vld.idx.msk [tilespmem:v28+s3+$0x0], $0xffff  }
0x94: {  	v31 =	vor.u32 v16, v15;
	v25 =	vld.idx.msk [tilespmem:v25+s3+$0x0], $0xffff;
	v34 =	vor.u32 v1, v27;
	v32 =	vadd.s32 v9, v22  }
0x95: {  	s7 =	sor.u32 $0x70, s7;
	v18 =	vld.idx.msk [tilespmem:v18+s3+$0x0], $0xffff;
	v15 =	vadd.s32 v5, v22;
	v23 =	vadd.s32 v6, v22;
	v32 =	vor.u32 v10, v32  }
0x96: {  	v33 =	vor.u32 v11, v15;
	[tilespmem:s12+$0xFFFFFFC0] =	vst v21;
	v15 =	vadd.s32 v12, v22;
	v22 =	vmov s7  }
0x97: {  	s21 =	sor.u32 $0x20, s15;
	v21 =	vor.u32 v8, v23;
	s7 =	sadd.s32 $0x200, s12;
	v23 =	vor.u32 v7, v15;
	v15 =	vshll.u32 v22, $0x5;
	[tilespmem:s12+$0xD0] =	vst v20;
	v20 =	vld.idx.msk [tilespmem:v24+s3+$0x0], $0xffff  }
0x98: {  	v22 =	vld.idx.msk [tilespmem:v26+s3+$0x0], $0xffff;
	v26 =	vor.u32 v2, v19;
	v19 =	vmov s21;
	v15 =	vor.u32 v0, v15;
	[tilespmem:s7+$0x80] =	vst v28  }
0x99: {  	v24 =	vor.u32 v4, v29;
	v19 =	vshll.u32 v19, $0x5;
	v27 =	vld.idx.msk [tilespmem:v31+s3+$0x0], $0xffff;
	v17 =	vadd.s32 v17, v15;
	[tilespmem:s7+$0xFFFFFF00] =	vst v25  }
0x9a: {  	v25 =	vadd.s32 v14, v30;
	v19 =	vor.u32 v0, v19;
	[tilespmem:s7+$0xFFFFFF80] =	vst v18;
	v28 =	vld.idx.msk [tilespmem:v32+s3+$0x0], $0xffff  }
0x9b: {  	v16 =	vor.u32 v16, v17;
	v17 =	vadd.s32 v5, v19;
	v18 =	vadd.s32 v9, v19;
	v29 =	vld.idx.msk [tilespmem:v33+s3+$0x0], $0xffff  }
0x9c: {  	v31 =	vld.idx.msk [tilespmem:v21+s3+$0x0], $0xffff;
	v21 =	vor.u32 v10, v18;
	v62 =	vor.u32 v11, v17;
	[tilespmem:s7+$0x0] =	vst v20  }
0x9d: {  	s22 =	sor.u32 $0x30, s15;
	v17 =	vadd.s32 v12, v19;
	[tilespmem:s12+$0x40] =	vst v22;
	v20 =	vadd.s32 v6, v19;
	v35 =	vld.idx.msk [tilespmem:v23+s3+$0x0], $0xffff  }
0x9e: {  	v18 =	vmov s22;
	v36 =	vor.u32 v7, v17;
	v63 =	vor.u32 v8, v20;
	v20 =	vld.idx.msk [tilespmem:v24+s3+$0x0], $0xffff;
	[tilespmem:s12+$0xE0] =	vst v27  }
0x9f: {  	v17 =	vadd.s32 v13, v30;
	v22 =	vadd.s32 v3, v30;
	v23 =	vshll.u32 v18, $0x5;
	v18 =	vld.idx.msk [tilespmem:v26+s3+$0x0], $0xffff;
	[tilespmem:s7+$0x90] =	vst v28  }
0xa0: {  	v19 =	vor.u32 v4, v25;
	v17 =	vor.u32 v2, v17;
	v37 =	vld.idx.msk [tilespmem:v16+s3+$0x0], $0xffff;
	[tilespmem:s7+$0xFFFFFF10] =	vst v29  }
0xa1: {  	v16 =	vor.u32 v1, v22;
	v22 =	vor.u32 v0, v23;
	[tilespmem:s7+$0xFFFFFF90] =	vst v31;
	v28 =	vld.idx.msk [tilespmem:v21+s3+$0x0], $0xffff  }
0xa2: {  	s17 =	simm.s32 $0x1;
	v24 =	vadd.s32 v9, v22;
	v21 =	vadd.s32 v14, v15;
	v26 =	vld.idx.msk [tilespmem:v62+s3+$0x0], $0xffff;
	v14 =	vadd.s32 v5, v22  }
0xa3: {  	s17 =	simm.s32 @!p3 $0x0;
	v30 =	vor.u32 v10, v24;
	v29 =	vor.u32 v11, v14;
	v14 =	vadd.s32 v12, v22;
	v23 =	vld.idx.msk [tilespmem:v63+s3+$0x0], $0xffff  }
0xa4: {  	s31 =	simm.s32 @p2 $0x0;
	s26 =	sadd.s32 s17, s26;
	v25 =	vadd.s32 v6, v22;
	[tilespmem:s7+$0x10] =	vst v35;
	v24 =	vor.u32 v7, v14;
	v14 =	vld.idx.msk [tilespmem:v34+s3+$0x0], $0xffff  }
0xa5: {  	s17 =	sor.u32 $0x10C00, s8;
	s21 =	sor.u32 $0x40, s15;
	s8 =	smov.u32 s7;
	v27 =	vor.u32 v8, v25;
	v22 =	vadd.s32 v13, v15;
	v25 =	vld.idx.msk [tilespmem:v36+s3+$0x0], $0xffff;
	[tilespmem:s12+$0xF0] =	vst v37  }
.LBB2_3:
0xa6: {  	v13 =	vmov s21;
	[tilespmem:s12+$0xFFFFFF50] =	vst v20;
	v20 =	vor.u32 v4, v21;
	v15 =	vadd.s32 v3, v15;
	v4 =	vmovc v11;
	v3 =	vmovc v12;
	s21 =	smov.u32 s16;
	s16 =	sadd.s32 $0x4, s16  }
0xa7: {  	v21 =	vor.u32 v2, v22;
	s22 =	sand.u32 $0x4, s16;
	s0 =	sadd.s32 $0x5, s21;
	p2 =	slt.u32 s16, $0x3C;
	v11 =	vshll.u32 v13, $0x5;
	[tilespmem:s7+$0xA0] =	vst v28;
	v19 =	vld.idx.msk [tilespmem:v19+s3+$0x0], $0xffff;
	v15 =	vor.u32 v1, v15  }
0xa8: {  	v2 =	vmov v8;
	v1 =	vmov v7;
	s22 =	sor.u32 s14, s22;
	s0 =	sand.u32 $0x5, s0;
	[tilespmem:s7+$0xFFFFFF20] =	vst v26;
	v11 =	vor.u32 v0, v11;
	v12 =	vld.idx.msk [tilespmem:v30+s3+$0x0], $0xffff  }
0xa9: {  	v13 =	vmov s22;
	s0 =	sor.u32 s14, s0;
	s22 =	sadd.s32 $0x6, s21;
	v22 =	vld.idx.msk [tilespmem:v29+s3+$0x0], $0xffff;
	v7 =	vadd.s32 v5, v11;
	[tilespmem:s7+$0xFFFFFFA0] =	vst v23;
	v8 =	vadd.s32 v9, v11  }
0xaa: {  	v23 =	vmov s0;
	s0 =	sand.u32 $0x6, s22;
	v26 =	vld.idx.msk [tilespmem:v27+s3+$0x0], $0xffff;
	v27 =	vadd.s32 v6, v11;
	[tilespmem:s7+$0x20] =	vst v25;
	v25 =	vor.u32 v10, v8  }
0xab: {  	v28 =	vor.u32 v4, v7;
	v7 =	vadd.s32 v3, v11;
	s0 =	sor.u32 s14, s0;
	v27 =	vor.u32 v2, v27;
	v24 =	vld.idx.msk [tilespmem:v24+s3+$0x0], $0xffff  }
0xac: {  	s19 =	sadd.s32 $0x40, s19;
	v11 =	vand.u32 $0x4, v13;
	v30 =	vor.u32 v1, v7;
	v29 =	vmov s0;
	s0 =	sor.u32 $0x50, s15;
	[tilespmem:s12+$0xFFFFFFD0] =	vst v18  }
0xad: {  	s9 =	sadd.s32 $0xFFFFFFFF, s21;
	s22 =	sand.u32 $0x380, s19;
	v8 =	vand.u32 $0x5, v23;
	v7 =	vand.u32 $0x6, v29;
	v18 =	vmov s0;
	v17 =	vld.idx.msk [tilespmem:v17+s3+$0x0], $0xffff;
	[tilespmem:s12+$0x50] =	vst v14  }
0xae: {  	s21 =	sor.u32 s13, s22;
	v14 =	vand.u32 $0xFFFFFFF8, v13;
	v13 =	vand.u32 $0xFFFFFFF8, v23;
	s0 =	sand.u32 $0x7, s9;
	v18 =	vshll.u32 v18, $0x5;
	[tilespmem:s7+$0xB0] =	vst v12;
	v16 =	vld.idx.msk [tilespmem:v16+s3+$0x0], $0xffff  }
0xaf: {  	v23 =	vmov s21;
	v12 =	vand.u32 $0xFFFFFFF8, v29;
	s0 =	sor.u32 s14, s0;
	[tilespmem:s7+$0xFFFFFF30] =	vst v22;
	v18 =	vor.u32 v0, v18;
	v22 =	vld.idx.msk [tilespmem:v25+s3+$0x0], $0xffff  }
0xb0: {  	v23 =	vshll.u32 v23, $0x5;
	v25 =	vmov s0;
	v28 =	vld.idx.msk [tilespmem:v28+s3+$0x0], $0xffff;
	[tilespmem:s7+$0xFFFFFFB0] =	vst v26;
	v26 =	vadd.s32 v9, v18  }
0xb1: {  	v23 =	vor.u32 v0, v23;
	v29 =	vand.u32 $0xFFFFFFF8, v25;
	v27 =	vld.idx.msk [tilespmem:v27+s3+$0x0], $0xffff;
	[tilespmem:s7+$0x30] =	vst v24;
	v24 =	vor.u32 v10, v26  }
0xb2: {  	v25 =	vand.u32 $0x7, v25;
	v26 =	vadd.s32 v14, v23;
	v31 =	vadd.s32 v29, v23;
	v30 =	vld.idx.msk [tilespmem:v30+s3+$0x0], $0xffff;
	[tilespmem:s12+$0xFFFFFF60] =	vst v19  }
0xb3: {  	s0 =	sor.u32 $0x60, s15;
	v19 =	vadd.s32 v13, v23;
	v23 =	vadd.s32 v12, v23;
	v31 =	vor.u32 v25, v31;
	[tilespmem:s12+$0xFFFFFFE0] =	vst v17  }
0xb4: {  	v17 =	vor.u32 v11, v26;
	v19 =	vor.u32 v8, v19;
	v26 =	vmov s0;
	v20 =	vld.idx.msk [tilespmem:v20+s3+$0x0], $0xffff;
	[tilespmem:s12+$0x60] =	vst v16  }
0xb5: {  	s0 =	sor.u32 $0x10, s21;
	v16 =	vor.u32 v7, v23;
	v23 =	vadd.s32 v5, v18;
	v26 =	vshll.u32 v26, $0x5;
	[tilespmem:s7+$0xC0] =	vst v22;
	v21 =	vld.idx.msk [tilespmem:v21+s3+$0x0], $0xffff  }
0xb6: {  	v22 =	vmov s0;
	v26 =	vor.u32 v0, v26;
	[tilespmem:s7+$0xFFFFFF40] =	vst v28;
	v28 =	vadd.s32 v6, v18;
	v24 =	vld.idx.msk [tilespmem:v24+s3+$0x0], $0xffff  }
0xb7: {  	v22 =	vshll.u32 v22, $0x5;
	v18 =	vadd.s32 v3, v18;
	[tilespmem:s7+$0xFFFFFFC0] =	vst v27;
	v27 =	vadd.s32 v9, v26;
	v32 =	vld.idx.msk [tilespmem:v15+s3+$0x0], $0xffff  }
0xb8: {  	v15 =	vor.u32 v0, v22;
	v22 =	vld.idx.msk [tilespmem:v31+s3+$0x0], $0xffff;
	[tilespmem:s7+$0x40] =	vst v30;
	v27 =	vor.u32 v10, v27  }
0xb9: {  	v30 =	vadd.s32 v14, v15;
	v31 =	vadd.s32 v13, v15;
	v33 =	vadd.s32 v29, v15;
	v17 =	vld.idx.msk [tilespmem:v17+s3+$0x0], $0xffff  }
0xba: {  	s0 =	sor.u32 $0x70, s15;
	s15 =	smov.u32 s21;
	v15 =	vadd.s32 v12, v15;
	v30 =	vor.u32 v11, v30;
	v33 =	vor.u32 v25, v33;
	v19 =	vld.idx.msk [tilespmem:v19+s3+$0x0], $0xffff  }
0xbb: {  	v31 =	vor.u32 v8, v31;
	v34 =	vor.u32 v7, v15;
	v15 =	vmov s0;
	v16 =	vld.idx.msk [tilespmem:v16+s3+$0x0], $0xffff;
	[tilespmem:s12+$0xFFFFFF70] =	vst v20  }
0xbc: {  	s0 =	sor.u32 $0x20, s15;
	v15 =	vshll.u32 v15, $0x5;
	v20 =	vor.u32 v4, v23;
	v23 =	vor.u32 v2, v28;
	[tilespmem:s7+$0xD0] =	vst v24  }
0xbd: {  	v35 =	vor.u32 v1, v18;
	v15 =	vor.u32 v0, v15;
	v24 =	vmov s0;
	s7 =	sadd.s32 $0x200, s7;
	v18 =	vld.idx.msk [tilespmem:v27+s3+$0x0], $0xffff;
	[tilespmem:s12+$0xFFFFFFF0] =	vst v21  }
0xbe: {  	v21 =	vshll.u32 v24, $0x5;
	v24 =	vadd.s32 v9, v15;
	v9 =	vmovc v29;
	[tilespmem:s7+$0x80] =	vst v22;
	v22 =	vadd.s32 v5, v26  }
0xbf: {  	v24 =	vor.u32 v10, v24;
	v10 =	vmov v25;
	[tilespmem:s7+$0xFFFFFF00] =	vst v17;
	v17 =	vor.u32 v0, v21;
	v21 =	vld.idx.msk [tilespmem:v33+s3+$0x0], $0xffff  }
0xc0: {  	v25 =	vld.idx.msk [tilespmem:v30+s3+$0x0], $0xffff;
	v27 =	vadd.s32 v14, v17;
	[tilespmem:s7+$0xFFFFFF80] =	vst v19;
	v19 =	vadd.s32 v9, v17  }
0xc1: {  	v28 =	vadd.s32 v13, v17;
	v29 =	vld.idx.msk [tilespmem:v31+s3+$0x0], $0xffff;
	[tilespmem:s7+$0x0] =	vst v16;
	v30 =	vor.u32 v10, v19  }
0xc2: {  	v27 =	vor.u32 v11, v27;
	v31 =	vor.u32 v8, v28;
	v16 =	vadd.s32 v12, v17;
	v33 =	vld.idx.msk [tilespmem:v34+s3+$0x0], $0xffff  }
0xc3: {  	s0 =	sor.u32 $0x30, s15;
	v34 =	vor.u32 v7, v16;
	v16 =	vadd.s32 v6, v26;
	v20 =	vld.idx.msk [tilespmem:v20+s3+$0x0], $0xffff;
	[tilespmem:s8+$0xE0] =	vst v18  }
0xc4: {  	v17 =	vmov s0;
	v19 =	vor.u32 v4, v22;
	v22 =	vadd.s32 v3, v26;
	v36 =	vld.idx.msk [tilespmem:v24+s3+$0x0], $0xffff;
	[tilespmem:s12+$0x70] =	vst v32;
	s12 =	smov.u32 s8;
	s8 =	smov.u32 s7  }
0xc5: {  	v24 =	vshll.u32 v17, $0x5;
	v17 =	vor.u32 v2, v16;
	v16 =	vor.u32 v1, v22;
	[tilespmem:s7+$0x90] =	vst v21;
	v18 =	vld.idx.msk [tilespmem:v23+s3+$0x0], $0xffff  }
.Ltmp0:
0xc6: {  	v22 =	vor.u32 v0, v24;
	v21 =	vadd.s32 v5, v15;
	v5 =	vmov v14;
	[tilespmem:s7+$0xFFFFFF10] =	vst v25;
	v28 =	vld.idx.msk [tilespmem:v30+s3+$0x0], $0xffff;
	(pc) =	sbr.rel @p2 .LBB2_3-.Ltmp0, $4  }
0xc7: {  	v14 =	vadd.s32 v5, v22;
	v24 =	vadd.s32 v9, v22;
	v26 =	vld.idx.msk [tilespmem:v27+s3+$0x0], $0xffff;
	[tilespmem:s7+$0xFFFFFF90] =	vst v29  }
0xc8: {  	v25 =	vadd.s32 v13, v22;
	v30 =	vor.u32 v10, v24;
	v23 =	vld.idx.msk [tilespmem:v31+s3+$0x0], $0xffff;
	[tilespmem:s7+$0x10] =	vst v33  }
0xc9: {  	v29 =	vor.u32 v11, v14;
	v27 =	vor.u32 v8, v25;
	v14 =	vadd.s32 v12, v22;
	v25 =	vld.idx.msk [tilespmem:v34+s3+$0x0], $0xffff  }
0xca: {  	s21 =	sor.u32 $0x40, s15;
	v22 =	vadd.s32 v6, v15;
	v6 =	vmov v13;
	v24 =	vor.u32 v7, v14;
	v14 =	vld.idx.msk [tilespmem:v35+s3+$0x0], $0xffff;
	[tilespmem:s12+$0xF0] =	vst v36  }
0xcb: {  	_ = 	snop  }
0xcc: {  	v13 =	vmov s21  }
0xcd: {  	v13 =	vshll.u32 v13, $0x5  }
0xce: {  	[tilespmem:s7+$0xA0] =	vst v28;
	v13 =	vor.u32 v0, v13  }
0xcf: {  	[tilespmem:s7+$0xFFFFFF20] =	vst v26;
	v35 =	vld.idx.msk [tilespmem:v30+s3+$0x0], $0xffff;
	v36 =	vadd.s32 v9, v13  }
0xd0: {  	v29 =	vld.idx.msk [tilespmem:v29+s3+$0x0], $0xffff;
	[tilespmem:s7+$0xFFFFFFA0] =	vst v23;
	v37 =	vadd.s32 v5, v13;
	v38 =	vor.u32 v10, v36  }
0xd1: {  	s0 =	sor.u32 $0x50, s15;
	v27 =	vld.idx.msk [tilespmem:v27+s3+$0x0], $0xffff;
	v39 =	vadd.s32 v6, v13;
	[tilespmem:s7+$0x20] =	vst v25;
	v40 =	vor.u32 v11, v37  }
0xd2: {  	v41 =	vmov s0;
	v13 =	vadd.s32 v12, v13;
	v28 =	vor.u32 v8, v39;
	v24 =	vld.idx.msk [tilespmem:v24+s3+$0x0], $0xffff  }
0xd3: {  	[tilespmem:s12+$0xFFFFFF50] =	vst v20;
	v42 =	vshll.u32 v41, $0x5;
	v13 =	vor.u32 v7, v13  }
0xd4: {  	v20 =	vor.u32 v0, v42;
	[tilespmem:s7+$0xB0] =	vst v35  }
0xd5: {  	v43 =	vadd.s32 v9, v20;
	[tilespmem:s7+$0xFFFFFF30] =	vst v29;
	v23 =	vld.idx.msk [tilespmem:v38+s3+$0x0], $0xffff  }
0xd6: {  	v44 =	vadd.s32 v5, v20;
	v26 =	vor.u32 v10, v43;
	[tilespmem:s7+$0xFFFFFFB0] =	vst v27;
	v25 =	vld.idx.msk [tilespmem:v40+s3+$0x0], $0xffff  }
0xd7: {  	s16 =	sor.u32 $0x60, s15;
	v45 =	vadd.s32 v6, v20;
	v27 =	vor.u32 v11, v44;
	v28 =	vld.idx.msk [tilespmem:v28+s3+$0x0], $0xffff;
	[tilespmem:s7+$0x30] =	vst v24  }
0xd8: {  	[tilespmem:s12+$0xFFFFFFD0] =	vst v18;
	v46 =	vmov s16;
	v20 =	vadd.s32 v12, v20;
	v24 =	vor.u32 v8, v45;
	v13 =	vld.idx.msk [tilespmem:v13+s3+$0x0], $0xffff  }
0xd9: {  	v19 =	vld.idx.msk [tilespmem:v19+s3+$0x0], $0xffff;
	v47 =	vshll.u32 v46, $0x5;
	[tilespmem:s12+$0x50] =	vst v14;
	v48 =	vor.u32 v7, v20  }
0xda: {  	v17 =	vld.idx.msk [tilespmem:v17+s3+$0x0], $0xffff;
	v14 =	vor.u32 v0, v47;
	[tilespmem:s7+$0xC0] =	vst v23  }
0xdb: {  	v4 =	vor.u32 v4, v21;
	v50 =	vadd.s32 v9, v14;
	[tilespmem:s7+$0xFFFFFF40] =	vst v25;
	v49 =	vld.idx.msk [tilespmem:v26+s3+$0x0], $0xffff  }
0xdc: {  	v51 =	vadd.s32 v5, v14;
	v21 =	vor.u32 v10, v50;
	[tilespmem:s7+$0xFFFFFFC0] =	vst v28;
	v25 =	vld.idx.msk [tilespmem:v27+s3+$0x0], $0xffff  }
0xdd: {  	s19 =	sor.u32 $0x70, s15;
	v52 =	vadd.s32 v6, v14;
	v23 =	vor.u32 v11, v51;
	[tilespmem:s7+$0x40] =	vst v13;
	v24 =	vld.idx.msk [tilespmem:v24+s3+$0x0], $0xffff  }
0xde: {  	v53 =	vmov s19;
	v14 =	vadd.s32 v12, v14;
	[tilespmem:s12+$0xFFFFFF60] =	vst v19;
	v13 =	vor.u32 v8, v52;
	v18 =	vld.idx.msk [tilespmem:v48+s3+$0x0], $0xffff  }
0xdf: {  	v3 =	vadd.s32 v3, v15;
	s21 =	sshra.s32 s20, $0x1F;
	v55 =	vshll.u32 v53, $0x5;
	v54 =	vld.idx.msk [tilespmem:v16+s3+$0x0], $0xffff;
	[tilespmem:s12+$0xFFFFFFE0] =	vst v17;
	v14 =	vor.u32 v7, v14  }
0xe0: {  	v2 =	vor.u32 v2, v22;
	s0 =	sshrl.u32 s21, $0x1E;
	v16 =	vor.u32 v0, v55;
	v4 =	vld.idx.msk [tilespmem:v4+s3+$0x0], $0xffff;
	[tilespmem:s7+$0xD0] =	vst v49  }
0xe1: {  	s22 =	sshra.s32 s10, $0x1F;
	v1 =	vor.u32 v1, v3;
	s0 =	sadd.s32 s0, s20;
	v56 =	vadd.s32 v9, v16;
	[tilespmem:s8+$0xFFFFFF50] =	vst v25;
	v3 =	vld.idx.msk [tilespmem:v21+s3+$0x0], $0xffff  }
0xe2: {  	p2 =	slt.s32 s20, $0x1;
	s9 =	sand.u32 $0xFFFFFFFC, s0;
	v57 =	vadd.s32 v5, v16;
	v9 =	vor.u32 v10, v56;
	[tilespmem:s8+$0xFFFFFFD0] =	vst v24;
	s7 =	sshrl.u32 s22, $0x1E;
	v58 =	vld.idx.msk [tilespmem:v23+s3+$0x0], $0xffff  }
0xe3: {  	p6 =	slt.s32 s10, $0x1;
	p3 =	sne.s32 s20, s9;
	v59 =	vadd.s32 v6, v16;
	v5 =	vor.u32 v11, v57;
	v60 =	vld.idx.msk [tilespmem:v13+s3+$0x0], $0xffff;
	[tilespmem:s8+$0x50] =	vst v18;
	s7 =	sadd.s32 s7, s10  }
0xe4: {  	s14 =	sand.u32 $0x3, s20;
	p2 =	por !p2, !p3;
	v61 =	vadd.s32 v12, v16;
	v6 =	vor.u32 v8, v59;
	[tilespmem:s12+$0x60] =	vst v54;
	v62 =	vld.idx.msk [tilespmem:v14+s3+$0x0], $0xffff;
	s13 =	sand.u32 $0xFFFFFFFC, s7  }
0xe5: {  	s9 =	simm.s32 $0x1;
	p2 =	por !p2, !p2;
	v2 =	vld.idx.msk [tilespmem:v2+s3+$0x0], $0xffff;
	v63 =	vor.u32 v7, v61;
	[tilespmem:s12+$0xFFFFFF70] =	vst v4;
	p5 =	sne.s32 s10, s13  }
0xe6: {  	s0 =	sshrl.u32 s0, $0x2;
	s9 =	simm.s32 @!p2 $0x0;
	v1 =	vld.idx.msk [tilespmem:v1+s3+$0x0], $0xffff;
	p2 =	por !p6, !p5;
	[tilespmem:s8+$0xE0] =	vst v3  }
0xe7: {  	s0 =	ssub.s32 s0, s9;
	s9 =	simm.s32 $0x1;
	p2 =	por !p2, !p2;
	[tilespmem:s8+$0xFFFFFF60] =	vst v58;
	v3 =	vld.idx.msk [tilespmem:v9+s3+$0x0], $0xffff  }
0xe8: {  	s15 =	sshll.u32 s31, $0x2;
	s7 =	sshrl.u32 s7, $0x2;
	[tilespmem:s8+$0xFFFFFFE0] =	vst v60;
	s9 =	simm.s32 @!p2 $0x0;
	v5 =	vld.idx.msk [tilespmem:v5+s3+$0x0], $0xffff  }
0xe9: {  	s16 =	sand.u32 $0x3, s10;
	s19 =	sshra.s32 s30, $0x1F;
	[tilespmem:s8+$0x60] =	vst v62;
	v6 =	vld.idx.msk [tilespmem:v6+s3+$0x0], $0xffff;
	s7 =	ssub.s32 s7, s9  }
0xea: {  	s0 =	sshll.u32 s0, $0x4;
	[tilespmem:s12+$0xFFFFFFF0] =	vst v2;
	s13 =	sshll.u32 s29, $0x2;
	v2 =	vld.idx.msk [tilespmem:v63+s3+$0x0], $0xffff;
	s7 =	sshll.u32 s7, $0x4  }
0xeb: {  	s20 =	sshrl.u32 s19, $0x1E;
	[tilespmem:s12+$0x70] =	vst v1;
	s0 =	sadd.s32 s13, s0;
	s7 =	sadd.s32 s15, s7  }
0xec: {  	s21 =	sadd.s32 s20, s30;
	s0 =	sor.u32 s14, s0;
	s7 =	sor.u32 s16, s7;
	[tilespmem:s8+$0xF0] =	vst v3  }
0xed: {  	s22 =	sand.u32 $0xFFFFFFFC, s21;
	p2 =	seq.s32 s28, $0x63;
	p4 =	sne.s32 s0, s7;
	[tilespmem:s8+$0xFFFFFF70] =	vst v5  }
0xee: {  	p5 =	sne.s32 s30, s22;
	[tilespmem:s8+$0xFFFFFFF0] =	vst v6;
	p3 =	por p2, p4;
	p4 =	slt.s32 s30, $0x1  }
0xef: {  	[tilespmem:s8+$0x70] =	vst v2;
	s9 =	sshll.u32 @p3 s0, $0xA;
	p4 =	por !p4, !p5  }
0xf0: {  	s10 =	simm.s32 @p3 $0x0;
	_ =	strace $0x9000004B;
	s8 =	sand.u32 @p3 $0x1FFFFC00, s9  }
0xf1: {  	s9 =	sor.u32 @p3 $0x6, s11;
	_ =	strace @p3 $0x8000004C;
	s8 =	sadd.s32 @p3 s1, s8  }
0xf2: {  	[hbm4b:s8+s10] =	stream.linear.scatter @p3 [tilespmem:s17], [sflag:s9], $0x2000, $0x200038;
	[tilespmem:$0x14C00] =	vst v63  }
0xf3: {  	p4 =	por !p4, !p4;
	s8 =	simm.s32 $0x1  }
0xf4: {  	s7 =	sshrl.u32 s21, $0x2;
	s8 =	simm.s32 @!p4 $0x0  }
0xf5: {  	s7 =	ssub.s32 s7, s8;
	s8 =	sadd.s32 $0xFFFFFFFC, s13  }
0xf6: {  	s7 =	sshll.u32 s7, $0x4;
	s8 =	simm.s32 @p0 $0xC  }
0xf7: {  	s30 =	sand.u32 $0x3, s30;
	s7 =	sadd.s32 s8, s7  }
0xf8: {  	p6 =	sne.s32 s28, $0x0;
	s7 =	sor.u32 s30, s7  }
0xf9: {  	s28 =	sadd.s32 $0x1, s28;
	p5 =	sne.s32 s0, s7;
	s7 =	simm.s32 $0x1  }
0xfa: {  	p1 =	por p2, p1;
	p0 =	por !p6, !p5;
	s7 =	simm.s32 @!p3 $0x0  }
0xfb: {  	_ =	strace @p3 $0x9000004C;
	p0 =	por !p0, !p0;
	s24 =	sadd.s32 s7, s24  }
0xfc: {  	s7 =	simm.s32 $0x1;
	s0 =	sand.u32 @p0 $0x1, s2;
	_ =	strace @p0 $0x8000004D  }
0xfd: {  	s7 =	simm.s32 @!p1 $0x0;
	p1 =	sne.s32 s28, $0x64;
	s0 =	sor.u32 @p0 $0x6, s0  }
.Ltmp1:
0xfe: {  	_ =	swait.ge @p0 [sflag:s0], $0x2000;
	(pc) =	sbr.rel @p1 .LBB2_2-.Ltmp1, $4  }
0xff: {  	[sflag:s0] =	ssyncset.done @p0 $0x0  }
0x100: {  	[sflag:s0] =	ssyncadd.s32 @p0 $0xFFFFE000;
	s0 =	simm.s32 $0x1  }
0x101: {  	s29 =	smov.u32 s31;
	s0 =	simm.s32 @!p0 $0x0  }
0x102: {  	s25 =	sadd.s32 s7, s25;
	_ =	strace @p0 $0x9000004D;
	s2 =	sadd.s32 s0, s2  }
0x103: {  	s0 =	sand.u32 $0x1, s2  }
0x104: {  	_ =	strace $0x8000004E;
	s0 =	sor.u32 $0x6, s0  }
0x105: {  	_ =	swait.ge [sflag:s0], $0x2000  }
0x106: {  	[sflag:s0] =	ssyncset.done $0x0  }
0x107: {  	[sflag:s0] =	ssyncadd.s32 $0xFFFFE000  }
0x108: {  	_ =	strace $0x9000004E  }
0x109: {  	_ =	swait.ge [sflag:s18], $0x1000  }
0x10a: {  	[sflag:s18] =	ssyncset.done $0x0  }
0x10b: {  	[sflag:s18] =	ssyncadd.s32 $0xFFFFF000  }
0x10c: {  	_ =	swait.ge [sflag:s18], $0x1000  }
0x10d: {  	[sflag:s18] =	ssyncset.done $0x0  }
0x10e: {  	[sflag:s18] =	ssyncadd.s32 $0xFFFFF000  }
0x10f: {  	_ =	swait.ge [sflag:s18], $0x1000  }
0x110: {  	[sflag:s18] =	ssyncset.done $0x0  }
0x111: {  	[sflag:s18] =	ssyncadd.s32 $0xFFFFF000  }
0x112: {  	_ =	swait.ge [sflag:s18], $0x1000  }
0x113: {  	[sflag:s18] =	ssyncset.done $0x0  }
0x114: {  	[sflag:s18] =	ssyncadd.s32 $0xFFFFF000  }
0x115: {  	_ =	swait.ge [sflag:s18], $0x1000  }
0x116: {  	[sflag:s18] =	ssyncset.done $0x0  }
0x117: {  	[sflag:s18] =	ssyncadd.s32 $0xFFFFF000  }
0x118: {  	_ =	swait.ge [sflag:s18], $0x1000  }
0x119: {  	[sflag:s18] =	ssyncset.done $0x0  }
0x11a: {  	[sflag:s18] =	ssyncadd.s32 $0xFFFFF000  }
0x11b: {  	_ =	swait.ge [sflag:s18], $0x1000  }
0x11c: {  	[sflag:s18] =	ssyncset.done $0x0  }
0x11d: {  	[sflag:s18] =	ssyncadd.s32 $0xFFFFF000  }
0x11e: {  	_ =	swait.ge [sflag:s18], $0x1000  }
0x11f: {  	s30 =	rddreg [dreg:$0xf]  }
0x120: {  	s31 =	rddreg [dreg:$0xe];
	s2 =	sadd.s32 $0x1, s30  }
0x121: {  	p0 =	sne.s32 s2, s31  }
.Ltmp2:
0x122: {  	_ = 	snop;
	(pc) =	sbr.rel @p0 .LBB2_1-.Ltmp2, $3  }
0x123: {  	_ =	sdelay $0x1  }
0x124: {  	[sflag:s18] =	ssyncset.done $0x0  }
0x125: {  	[sflag:s18] =	ssyncadd.s32 $0xFFFFF000  }
0x126: {  	_ =	sfence.sel $0x180000  }
0x127: {  	[bflag:$0x0] =	sbarrier.arrive $0xFFFF  }
0x128: {  	_ =	strace $0x90000047  }
0x129: {  	s0 =	stileid.u32;
	[bflag:$0x2] =	sbarrier.arrive $0xFFFF  }
0x12a: {  	p0 =	sne.s32 s0, $0x0;
	s0 =	rddreg [dreg:$0x2]  }
0x12b: {  	s0 =	sadd.s32 @!p0 $0x100000, s0  }
0x12c: {  	[sflag:s0] =	ssyncadd.tile.s32 @!p0 $0x1;
	_ =	shalt  }
.Lfunc_end2:
_tile_overlayer_lowered:
.L_overlay_start_2:
0x12d: {  	(tag) =	ssettag $0x2  }
0x12e: {  	s0 =	rddreg [dreg:$0x0];
	s2 =	stileid.u32  }
0x12f: {  	s1 =	rddreg [dreg:$0x1];
	p0 =	sne.s32 s2, $0x0  }
0x130: {  	s3 =	rddreg [dreg:$0x2];
	[bflag:$0x3] =	sbarrier.arrive $0xFFFF;
	s2 =	simm.s32 @!p0 $0x1C04  }
0x131: {  	[timem:s3], [sflag:s2] =	dma.local @!p0 [hbm:s0], s1  }
0x132: {  	s0 =	simm.s32 @!p0 $0x4  }
0x133: {  	_ =	swait.ge @!p0 [sflag:s0], s1  }
0x134: {  	s1 =	ssub.s32 @!p0 $0x0, s1;
	[sflag:s0] =	ssyncset.done @!p0 $0x0  }
0x135: {  	[sflag:s0] =	ssyncadd.s32 @!p0 s1  }
0x136: {  	[bflag:$0x3] =	sbarrier.arrive $0xFFFF  }
0x137: {  	_ =	shalt  }

</sc_bundles>
